<compile_context>
chip_gen: v7x
topology: tpu7x:2x2x1
jax: 0.10.2.dev20260603
libtpu: 0.0.44.dev20260713+nightly
codegen_flags: <defaults>
</compile_context>

<pallas_src>
import functools

import jax
import jax.numpy as jnp
from jax import lax
from jax.experimental import pallas as pl
from jax.experimental.pallas import tpu as pltpu
from jax.experimental.pallas import tpu_sc as plsc

_NC = 2
_NS = 16
_L = 16
_NW = _NC * _NS

_CH = 128




def _project_body(x_ref, basis_ref, comp_ref, y_ref, *, R, B):
    x = x_ref[...]
    z = [jnp.dot(x, basis_ref[b], preferred_element_type=jnp.float32)
         for b in range(B)]
    for r in range(R):
        acc = z[0] * comp_ref[r, 0]
        for b in range(1, B):
            acc = acc + z[b] * comp_ref[r, b]
        y_ref[:, r, :] = acc


def _combine_project_body(p_ref, bias_ref, basis_ref, comp_ref, y_ref, *, R, B):
    h = jax.nn.relu(p_ref[0] + p_ref[1] + bias_ref[...])
    z = [jnp.dot(h, basis_ref[b], preferred_element_type=jnp.float32)
         for b in range(B)]
    for r in range(R):
        acc = z[0] * comp_ref[r, 0]
        for b in range(1, B):
            acc = acc + z[b] * comp_ref[r, b]
        y_ref[:, r, :] = acc


def _final_body(p_ref, bias_ref, o_ref):
    o_ref[...] = p_ref[0] + p_ref[1] + bias_ref[...]


def _project(x, basis, comp, bn):
    n, h = x.shape
    b, _, o = basis.shape
    r = comp.shape[0]
    return pl.pallas_call(
        functools.partial(_project_body, R=r, B=b),
        grid=(n // bn,),
        in_specs=[
            pl.BlockSpec((bn, h), lambda i: (i, 0)),
            pl.BlockSpec((b, h, o), lambda i: (0, 0, 0)),
            pl.BlockSpec(memory_space=pltpu.SMEM),
        ],
        out_specs=pl.BlockSpec((bn, r, o), lambda i: (i, 0, 0)),
        out_shape=jax.ShapeDtypeStruct((n, r, o), jnp.float32),
    )(x, basis, comp)


def _combine_project(p, bias, basis, comp, bn):
    _, n, h = p.shape
    b, _, o = basis.shape
    r = comp.shape[0]
    return pl.pallas_call(
        functools.partial(_combine_project_body, R=r, B=b),
        grid=(n // bn,),
        in_specs=[
            pl.BlockSpec((2, bn, h), lambda i: (0, i, 0)),
            pl.BlockSpec((1, h), lambda i: (0, 0)),
            pl.BlockSpec((b, h, o), lambda i: (0, 0, 0)),
            pl.BlockSpec(memory_space=pltpu.SMEM),
        ],
        out_specs=pl.BlockSpec((bn, r, o), lambda i: (i, 0, 0)),
        out_shape=jax.ShapeDtypeStruct((n, r, o), jnp.float32),
    )(p, bias.reshape(1, h), basis, comp)


def _final(p, bias, bn):
    _, n, h = p.shape
    return pl.pallas_call(
        _final_body,
        grid=(n // bn,),
        in_specs=[
            pl.BlockSpec((2, bn, h), lambda i: (0, i, 0)),
            pl.BlockSpec((1, h), lambda i: (0, 0)),
        ],
        out_specs=pl.BlockSpec((bn, h), lambda i: (i, 0)),
        out_shape=jax.ShapeDtypeStruct((n, h), jnp.float32),
    )(p, bias.reshape(1, h))




def _make_edge_agg(n_nodes, feat, e_pad, rel):
    per_w = e_pad // _NW
    n_chunks = per_w // _CH
    rows_per_tile = n_nodes // _NS
    assert rows_per_tile % 8 == 0 and rows_per_tile * _NS == n_nodes
    mesh = plsc.VectorSubcoreMesh(core_axis_name="c", subcore_axis_name="s")

    @functools.partial(
        pl.kernel,
        mesh=mesh,
        out_type=jax.ShapeDtypeStruct((_NC, n_nodes, feat), jnp.float32),
        scratch_types=[
            pltpu.VMEM((_CH,), jnp.int32),
            pltpu.VMEM((_CH,), jnp.int32),
            pltpu.VMEM((_CH,), jnp.int32),
            pltpu.VMEM((_CH, _L), jnp.float32),
            pltpu.VMEM((_CH,), jnp.int32),
            pltpu.VMEM((_CH, feat), jnp.float32),
            pltpu.VMEM((_CH, feat), jnp.float32),
            pltpu.VMEM_SHARED((n_nodes, feat), jnp.float32),
            pltpu.SemaphoreType.DMA,
        ],
    )
    def edge_agg(table, srcs, ets, dsts, norms, zrows, out,
                 src_v, et_v, dst_v, norm_v, gidx_v, rows_v, zb_v, acc, sem):
        cid = lax.axis_index("c")
        sid = lax.axis_index("s")
        wid = cid * _NS + sid
        ebase = wid * per_w
        r0 = sid * rows_per_tile

        row_chunks = []
        off = 0
        while off < rows_per_tile:
            sz = min(_CH, rows_per_tile - off)
            row_chunks.append((off, sz))
            off += sz

        for off, sz in row_chunks:
            pltpu.sync_copy(zrows.at[pl.ds(r0 + off, sz)], zb_v.at[pl.ds(0, sz)])
            pltpu.sync_copy(zb_v.at[pl.ds(0, sz)], acc.at[pl.ds(r0 + off, sz)])
        plsc.subcore_barrier()

        def chunk_body(ci, carry):
            base = ebase + ci * _CH
            c1 = pltpu.async_copy(srcs.at[pl.ds(base, _CH)], src_v, sem)
            c2 = pltpu.async_copy(ets.at[pl.ds(base, _CH)], et_v, sem)
            c3 = pltpu.async_copy(dsts.at[pl.ds(base, _CH)], dst_v, sem)
            c4 = pltpu.async_copy(norms.at[pl.ds(base, _CH)], norm_v, sem)
            c1.wait()
            c2.wait()
            c3.wait()
            c4.wait()
            for g in range(_CH // _L):
                sl = pl.ds(g * _L, _L)
                gidx_v[sl] = src_v[sl] * rel + et_v[sl]
            pltpu.async_copy(table.at[gidx_v], rows_v, sem).wait()

            def scale_body(j, c2_):
                nb = norm_v[j, :]
                for g2 in range(feat // _L):
                    s2 = pl.ds(g2 * _L, _L)
                    rows_v[j, s2] = rows_v[j, s2] * nb
                return c2_

            lax.fori_loop(0, _CH, scale_body, 0)
            pltpu.sync_copy(rows_v, acc.at[dst_v], add=True)
            return carry

        lax.fori_loop(0, n_chunks, chunk_body, 0)

        plsc.subcore_barrier()
        for off, sz in row_chunks:
            pltpu.sync_copy(acc.at[pl.ds(r0 + off, sz)], zb_v.at[pl.ds(0, sz)])
            pltpu.sync_copy(zb_v.at[pl.ds(0, sz)], out.at[cid, pl.ds(r0 + off, sz)])

    return edge_agg




def kernel(edge_index, etypes, norm, emb, basis1, comp1, bias1,
           basis2, comp2, bias2):
    n, h = emb.shape
    out_dim = basis2.shape[2]
    rel = comp1.shape[0]
    e = etypes.shape[0]

    src = edge_index[0].astype(jnp.int32)
    dst = edge_index[1].astype(jnp.int32)
    et = etypes.astype(jnp.int32)
    nrm = norm.reshape(e).astype(jnp.float32)

    e_pad = ((e + _NW * _CH - 1) // (_NW * _CH)) * (_NW * _CH)
    pad = e_pad - e
    src_p = jnp.pad(src, (0, pad))
    dst_p = jnp.pad(dst, (0, pad))
    et_p = jnp.pad(et, (0, pad))
    nrm_p = jnp.pad(nrm, (0, pad))
    nrm16 = jnp.broadcast_to(nrm_p[:, None], (e_pad, _L))

    n_pad = ((n + _NS * 8 - 1) // (_NS * 8)) * (_NS * 8)
    zeros_nh = jnp.zeros((n_pad, h), jnp.float32)
    zeros_no = jnp.zeros((n_pad, out_dim), jnp.float32)

    bn = 1000
    agg1 = _make_edge_agg(n_pad, h, e_pad, rel)
    agg2 = _make_edge_agg(n_pad, out_dim, e_pad, rel)

    y1 = _project(emb, basis1, comp1, bn)
    p1 = agg1(y1.reshape(n * rel, h), src_p, et_p, dst_p, nrm16, zeros_nh)
    y2 = _combine_project(p1[:, :n], bias1, basis2, comp2, bn)
    p2 = agg2(y2.reshape(n * rel, out_dim), src_p, et_p, dst_p, nrm16, zeros_no)
    return _final(p2[:, :n], bias2, bn)

# --- scband reference (transcript-rebuilt; emitter-appended) ---
"""Pipeline reference for scband-rgcn-82394652607121 (READ-ONLY COPY).

The authoritative reference and input builder live on the scoring server;
editing this copy changes nothing except your own understanding.
"""

import jax, jax.numpy as jnp
import numpy as np

N = 10000
E = 320000
H = 128
OUT = 128
R = 8
B = 4


def setup_inputs(seed: int = 0):
    key = jax.random.key(seed)
    k = jax.random.split(key, 10)
    edge_index = jax.random.randint(k[0], (2, E), 0, N)
    etypes = jax.random.randint(k[1], (E,), 0, R)
    norm = jax.random.uniform(k[2], (E, 1), dtype=jnp.float32)
    emb = jax.random.normal(k[3], (N, H), dtype=jnp.float32) * 0.05
    basis1 = jax.random.normal(k[4], (B, H, H), dtype=jnp.float32) * 0.05
    comp1 = jax.random.normal(k[5], (R, B), dtype=jnp.float32) * 0.05
    bias1 = jnp.zeros((H,), dtype=jnp.float32)
    basis2 = jax.random.normal(k[6], (B, H, OUT), dtype=jnp.float32) * 0.05
    comp2 = jax.random.normal(k[7], (R, B), dtype=jnp.float32) * 0.05
    bias2 = jnp.zeros((OUT,), dtype=jnp.float32)
    return {"edge_index": edge_index, "etypes": etypes, "norm": norm, "emb": emb,
            "basis1": basis1, "comp1": comp1, "bias1": bias1,
            "basis2": basis2, "comp2": comp2, "bias2": bias2}


def _rel_graph_conv(x, edge_index, etypes, norm, basis, comp, bias):
    # RelGraphConv with basis regularizer, self_loop=False.
    # W[r] = sum_b comp[r, b] * basis[b]; message m_e = (x[src_e] @ W[etype_e]) * norm_e
    # Equivalent (and memory-friendly): m_e = sum_b comp[etype_e, b] * (x[src_e] @ basis[b])
    src = edge_index[0]
    dst = edge_index[1]
    x_src = jnp.take(x, src, axis=0)            # gather [E, in]
    coef = jnp.take(comp, etypes, axis=0)       # gather [E, B]
    msg = jnp.zeros((x_src.shape[0], basis.shape[2]), dtype=x.dtype)
    for b in range(basis.shape[0]):
        msg = msg + coef[:, b:b + 1] * (x_src @ basis[b])
    msg = msg * norm
    h = jax.ops.segment_sum(msg, dst, num_segments=x.shape[0])  # scatter-add [N, out]
    return h + bias


def reference(edge_index, etypes, norm, emb, basis1, comp1, bias1, basis2, comp2, bias2):
    # x = self.emb.weight
    h = jax.nn.relu(_rel_graph_conv(emb, edge_index, etypes, norm, basis1, comp1, bias1))
    h = _rel_graph_conv(h, edge_index, etypes, norm, basis2, comp2, bias2)
    return h

if __name__ == "__main__":
    import jax
    _d = setup_inputs()
    print(jax.jit(kernel)(*tuple(_d.values())))

</pallas_src>

<mosaic_0001>
#map = affine_map<(d0, d1) -> (0, 0)>
#map1 = affine_map<(d0, d1) -> (0)>
#map2 = affine_map<(d0, d1) -> (0, 0, 0)>
module attributes {stable_mosaic.version = 14 : i64} {
  func.func @edge_agg(%arg0: i32, %arg1: i32, %arg2: memref<80000x128xf32, #tpu.memory_space<hbm>>, %arg3: memref<323584xi32, #tpu.memory_space<hbm>>, %arg4: memref<323584xi32, #tpu.memory_space<hbm>>, %arg5: memref<323584xi32, #tpu.memory_space<hbm>>, %arg6: memref<323584x16xf32, #tpu.memory_space<hbm>>, %arg7: memref<10112x128xf32, #tpu.memory_space<hbm>>, %arg8: memref<2x10112x128xf32, #tpu.memory_space<hbm>>, %arg9: memref<128xi32, #tpu.memory_space<vmem>>, %arg10: memref<128xi32, #tpu.memory_space<vmem>>, %arg11: memref<128xi32, #tpu.memory_space<vmem>>, %arg12: memref<128x16xf32, #tpu.memory_space<vmem>>, %arg13: memref<128xi32, #tpu.memory_space<vmem>>, %arg14: memref<128x128xf32, #tpu.memory_space<vmem>>, %arg15: memref<128x128xf32, #tpu.memory_space<vmem>>, %arg16: memref<10112x128xf32, #tpu.memory_space<vmem_shared>>, %arg17: memref<!tpu.dma_semaphore, #tpu.memory_space<semaphore_mem>>) attributes {dimension_semantics = [#tpu.dimension_semantics<core_parallel>, #tpu.dimension_semantics<subcore_parallel>], iteration_bounds = array<i64: 2, 16>, scalar_prefetch = 0 : i64, scratch_operands = 9 : i64, tpu.core_type = #tpu.core_type<sc_vector_subcore>, window_params = [{transform_indices = #map}, {transform_indices = #map1}, {transform_indices = #map1}, {transform_indices = #map1}, {transform_indices = #map}, {transform_indices = #map}, {transform_indices = #map2}]} {
    %mul3A = arith.constant 16 : i32
    %mul3A_0 = arith.muli %arg0, %mul3A : i32
    %add3A = arith.addi %mul3A_0, %arg1 : i32
    %mul3A_1 = arith.constant 10112 : i32
    %mul3A_2 = arith.muli %add3A, %mul3A_1 : i32
    %mul3A_3 = arith.constant 632 : i32
    %mul3A_4 = arith.muli %arg1, %mul3A_3 : i32
    %add3A_5 = arith.constant 0 : i32
    %add3A_6 = arith.addi %mul3A_4, %add3A_5 : i32
    "tpu.region"() ({
      %run_scoped3A = tpu.sem_alloc : memref<!tpu.dma_semaphore, #tpu.memory_space<semaphore_mem>>
      %dma_start3A = arith.constant 0 : i32
      %dma_start3A_51 = arith.constant 0 : i32
      %dma_start3A_52 = tpu.memref_slice %arg15[%dma_start3A, %dma_start3A_51] : memref<128x128xf32, #tpu.memory_space<vmem>> -> memref<128x128xf32, #tpu.memory_space<vmem>>
      %dma_start3A_53 = arith.constant 0 : i32
      %dma_start3A_54 = tpu.memref_slice %arg7[%add3A_6, %dma_start3A_53] : memref<10112x128xf32, #tpu.memory_space<hbm>> -> memref<128x128xf32, #tpu.memory_space<hbm>>
      %dma_start3A_55 = arith.constant 0 : i32
      %dma_start3A_56 = arith.constant 0 : i32
      %dma_start3A_57 = tpu.memref_slice %arg15[%dma_start3A_55, %dma_start3A_56] : memref<128x128xf32, #tpu.memory_space<vmem>> -> memref<128x128xf32, #tpu.memory_space<vmem>>
      %dma_start3A_58 = arith.constant 0 : i32
      %dma_start3A_59 = tpu.memref_slice %arg7[%add3A_6, %dma_start3A_58] : memref<10112x128xf32, #tpu.memory_space<hbm>> -> memref<128x128xf32, #tpu.memory_space<hbm>>
      tpu.enqueue_dma source(%dma_start3A_59 : memref<128x128xf32, #tpu.memory_space<hbm>>) target(%dma_start3A_57 : memref<128x128xf32, #tpu.memory_space<vmem>>) target_semaphore(%run_scoped3A : memref<!tpu.dma_semaphore, #tpu.memory_space<semaphore_mem>>)
      %dma_wait3A = arith.constant 0 : i32
      %dma_wait3A_60 = arith.constant 0 : i32
      %dma_wait3A_61 = tpu.memref_slice %arg15[%dma_wait3A, %dma_wait3A_60] : memref<128x128xf32, #tpu.memory_space<vmem>> -> memref<128x128xf32, #tpu.memory_space<vmem>>
      %dma_wait3A_62 = arith.constant 0 : i32
      %dma_wait3A_63 = tpu.memref_slice %arg7[%add3A_6, %dma_wait3A_62] : memref<10112x128xf32, #tpu.memory_space<hbm>> -> memref<128x128xf32, #tpu.memory_space<hbm>>
      %dma_wait3A_64 = arith.constant 0 : i32
      %dma_wait3A_65 = arith.constant 0 : i32
      %dma_wait3A_66 = tpu.memref_slice %arg15[%dma_wait3A_64, %dma_wait3A_65] : memref<128x128xf32, #tpu.memory_space<vmem>> -> memref<128x128xf32, #tpu.memory_space<vmem>>
      %dma_wait3A_67 = arith.constant 0 : i32
      %dma_wait3A_68 = tpu.memref_slice %arg7[%add3A_6, %dma_wait3A_67] : memref<10112x128xf32, #tpu.memory_space<hbm>> -> memref<128x128xf32, #tpu.memory_space<hbm>>
      tpu.wait_dma2 semaphore(%run_scoped3A : memref<!tpu.dma_semaphore, #tpu.memory_space<semaphore_mem>>) src(%dma_wait3A_68 : memref<128x128xf32, #tpu.memory_space<hbm>>) dst(%dma_wait3A_66 : memref<128x128xf32, #tpu.memory_space<vmem>>)
      tpu.yield
    }) : () -> ()
    %add3A_7 = arith.constant 0 : i32
    %add3A_8 = arith.addi %mul3A_4, %add3A_7 : i32
    "tpu.region"() ({
      %run_scoped3A = tpu.sem_alloc : memref<!tpu.dma_semaphore, #tpu.memory_space<semaphore_mem>>
      %dma_start3A = arith.constant 0 : i32
      %dma_start3A_51 = arith.constant 0 : i32
      %dma_start3A_52 = tpu.memref_slice %arg15[%dma_start3A, %dma_start3A_51] : memref<128x128xf32, #tpu.memory_space<vmem>> -> memref<128x128xf32, #tpu.memory_space<vmem>>
      %dma_start3A_53 = arith.constant 0 : i32
      %dma_start3A_54 = tpu.memref_slice %arg16[%add3A_8, %dma_start3A_53] : memref<10112x128xf32, #tpu.memory_space<vmem_shared>> -> memref<128x128xf32, #tpu.memory_space<vmem_shared>>
      %dma_start3A_55 = arith.constant 0 : i32
      %dma_start3A_56 = tpu.memref_slice %arg16[%add3A_8, %dma_start3A_55] : memref<10112x128xf32, #tpu.memory_space<vmem_shared>> -> memref<128x128xf32, #tpu.memory_space<vmem_shared>>
      %dma_start3A_57 = arith.constant 0 : i32
      %dma_start3A_58 = arith.constant 0 : i32
      %dma_start3A_59 = tpu.memref_slice %arg15[%dma_start3A_57, %dma_start3A_58] : memref<128x128xf32, #tpu.memory_space<vmem>> -> memref<128x128xf32, #tpu.memory_space<vmem>>
      tpu.enqueue_dma source(%dma_start3A_59 : memref<128x128xf32, #tpu.memory_space<vmem>>) target(%dma_start3A_56 : memref<128x128xf32, #tpu.memory_space<vmem_shared>>) target_semaphore(%run_scoped3A : memref<!tpu.dma_semaphore, #tpu.memory_space<semaphore_mem>>)
      %dma_wait3A = arith.constant 0 : i32
      %dma_wait3A_60 = arith.constant 0 : i32
      %dma_wait3A_61 = tpu.memref_slice %arg15[%dma_wait3A, %dma_wait3A_60] : memref<128x128xf32, #tpu.memory_space<vmem>> -> memref<128x128xf32, #tpu.memory_space<vmem>>
      %dma_wait3A_62 = arith.constant 0 : i32
      %dma_wait3A_63 = tpu.memref_slice %arg16[%add3A_8, %dma_wait3A_62] : memref<10112x128xf32, #tpu.memory_space<vmem_shared>> -> memref<128x128xf32, #tpu.memory_space<vmem_shared>>
      %dma_wait3A_64 = arith.constant 0 : i32
      %dma_wait3A_65 = tpu.memref_slice %arg16[%add3A_8, %dma_wait3A_64] : memref<10112x128xf32, #tpu.memory_space<vmem_shared>> -> memref<128x128xf32, #tpu.memory_space<vmem_shared>>
      %dma_wait3A_66 = arith.constant 0 : i32
      %dma_wait3A_67 = arith.constant 0 : i32
      %dma_wait3A_68 = tpu.memref_slice %arg15[%dma_wait3A_66, %dma_wait3A_67] : memref<128x128xf32, #tpu.memory_space<vmem>> -> memref<128x128xf32, #tpu.memory_space<vmem>>
      tpu.wait_dma2 semaphore(%run_scoped3A : memref<!tpu.dma_semaphore, #tpu.memory_space<semaphore_mem>>) src(%dma_wait3A_68 : memref<128x128xf32, #tpu.memory_space<vmem>>) dst(%dma_wait3A_65 : memref<128x128xf32, #tpu.memory_space<vmem_shared>>)
      tpu.yield
    }) : () -> ()
    %add3A_9 = arith.constant 128 : i32
    %add3A_10 = arith.addi %mul3A_4, %add3A_9 : i32
    "tpu.region"() ({
      %run_scoped3A = tpu.sem_alloc : memref<!tpu.dma_semaphore, #tpu.memory_space<semaphore_mem>>
      %dma_start3A = arith.constant 0 : i32
      %dma_start3A_51 = arith.constant 0 : i32
      %dma_start3A_52 = tpu.memref_slice %arg15[%dma_start3A, %dma_start3A_51] : memref<128x128xf32, #tpu.memory_space<vmem>> -> memref<128x128xf32, #tpu.memory_space<vmem>>
      %dma_start3A_53 = arith.constant 0 : i32
      %dma_start3A_54 = tpu.memref_slice %arg7[%add3A_10, %dma_start3A_53] : memref<10112x128xf32, #tpu.memory_space<hbm>> -> memref<128x128xf32, #tpu.memory_space<hbm>>
      %dma_start3A_55 = arith.constant 0 : i32
      %dma_start3A_56 = arith.constant 0 : i32
      %dma_start3A_57 = tpu.memref_slice %arg15[%dma_start3A_55, %dma_start3A_56] : memref<128x128xf32, #tpu.memory_space<vmem>> -> memref<128x128xf32, #tpu.memory_space<vmem>>
      %dma_start3A_58 = arith.constant 0 : i32
      %dma_start3A_59 = tpu.memref_slice %arg7[%add3A_10, %dma_start3A_58] : memref<10112x128xf32, #tpu.memory_space<hbm>> -> memref<128x128xf32, #tpu.memory_space<hbm>>
      tpu.enqueue_dma source(%dma_start3A_59 : memref<128x128xf32, #tpu.memory_space<hbm>>) target(%dma_start3A_57 : memref<128x128xf32, #tpu.memory_space<vmem>>) target_semaphore(%run_scoped3A : memref<!tpu.dma_semaphore, #tpu.memory_space<semaphore_mem>>)
      %dma_wait3A = arith.constant 0 : i32
      %dma_wait3A_60 = arith.constant 0 : i32
      %dma_wait3A_61 = tpu.memref_slice %arg15[%dma_wait3A, %dma_wait3A_60] : memref<128x128xf32, #tpu.memory_space<vmem>> -> memref<128x128xf32, #tpu.memory_space<vmem>>
      %dma_wait3A_62 = arith.constant 0 : i32
      %dma_wait3A_63 = tpu.memref_slice %arg7[%add3A_10, %dma_wait3A_62] : memref<10112x128xf32, #tpu.memory_space<hbm>> -> memref<128x128xf32, #tpu.memory_space<hbm>>
      %dma_wait3A_64 = arith.constant 0 : i32
      %dma_wait3A_65 = arith.constant 0 : i32
      %dma_wait3A_66 = tpu.memref_slice %arg15[%dma_wait3A_64, %dma_wait3A_65] : memref<128x128xf32, #tpu.memory_space<vmem>> -> memref<128x128xf32, #tpu.memory_space<vmem>>
      %dma_wait3A_67 = arith.constant 0 : i32
      %dma_wait3A_68 = tpu.memref_slice %arg7[%add3A_10, %dma_wait3A_67] : memref<10112x128xf32, #tpu.memory_space<hbm>> -> memref<128x128xf32, #tpu.memory_space<hbm>>
      tpu.wait_dma2 semaphore(%run_scoped3A : memref<!tpu.dma_semaphore, #tpu.memory_space<semaphore_mem>>) src(%dma_wait3A_68 : memref<128x128xf32, #tpu.memory_space<hbm>>) dst(%dma_wait3A_66 : memref<128x128xf32, #tpu.memory_space<vmem>>)
      tpu.yield
    }) : () -> ()
    %add3A_11 = arith.constant 128 : i32
    %add3A_12 = arith.addi %mul3A_4, %add3A_11 : i32
    "tpu.region"() ({
      %run_scoped3A = tpu.sem_alloc : memref<!tpu.dma_semaphore, #tpu.memory_space<semaphore_mem>>
      %dma_start3A = arith.constant 0 : i32
      %dma_start3A_51 = arith.constant 0 : i32
      %dma_start3A_52 = tpu.memref_slice %arg15[%dma_start3A, %dma_start3A_51] : memref<128x128xf32, #tpu.memory_space<vmem>> -> memref<128x128xf32, #tpu.memory_space<vmem>>
      %dma_start3A_53 = arith.constant 0 : i32
      %dma_start3A_54 = tpu.memref_slice %arg16[%add3A_12, %dma_start3A_53] : memref<10112x128xf32, #tpu.memory_space<vmem_shared>> -> memref<128x128xf32, #tpu.memory_space<vmem_shared>>
      %dma_start3A_55 = arith.constant 0 : i32
      %dma_start3A_56 = tpu.memref_slice %arg16[%add3A_12, %dma_start3A_55] : memref<10112x128xf32, #tpu.memory_space<vmem_shared>> -> memref<128x128xf32, #tpu.memory_space<vmem_shared>>
      %dma_start3A_57 = arith.constant 0 : i32
      %dma_start3A_58 = arith.constant 0 : i32
      %dma_start3A_59 = tpu.memref_slice %arg15[%dma_start3A_57, %dma_start3A_58] : memref<128x128xf32, #tpu.memory_space<vmem>> -> memref<128x128xf32, #tpu.memory_space<vmem>>
      tpu.enqueue_dma source(%dma_start3A_59 : memref<128x128xf32, #tpu.memory_space<vmem>>) target(%dma_start3A_56 : memref<128x128xf32, #tpu.memory_space<vmem_shared>>) target_semaphore(%run_scoped3A : memref<!tpu.dma_semaphore, #tpu.memory_space<semaphore_mem>>)
      %dma_wait3A = arith.constant 0 : i32
      %dma_wait3A_60 = arith.constant 0 : i32
      %dma_wait3A_61 = tpu.memref_slice %arg15[%dma_wait3A, %dma_wait3A_60] : memref<128x128xf32, #tpu.memory_space<vmem>> -> memref<128x128xf32, #tpu.memory_space<vmem>>
      %dma_wait3A_62 = arith.constant 0 : i32
      %dma_wait3A_63 = tpu.memref_slice %arg16[%add3A_12, %dma_wait3A_62] : memref<10112x128xf32, #tpu.memory_space<vmem_shared>> -> memref<128x128xf32, #tpu.memory_space<vmem_shared>>
      %dma_wait3A_64 = arith.constant 0 : i32
      %dma_wait3A_65 = tpu.memref_slice %arg16[%add3A_12, %dma_wait3A_64] : memref<10112x128xf32, #tpu.memory_space<vmem_shared>> -> memref<128x128xf32, #tpu.memory_space<vmem_shared>>
      %dma_wait3A_66 = arith.constant 0 : i32
      %dma_wait3A_67 = arith.constant 0 : i32
      %dma_wait3A_68 = tpu.memref_slice %arg15[%dma_wait3A_66, %dma_wait3A_67] : memref<128x128xf32, #tpu.memory_space<vmem>> -> memref<128x128xf32, #tpu.memory_space<vmem>>
      tpu.wait_dma2 semaphore(%run_scoped3A : memref<!tpu.dma_semaphore, #tpu.memory_space<semaphore_mem>>) src(%dma_wait3A_68 : memref<128x128xf32, #tpu.memory_space<vmem>>) dst(%dma_wait3A_65 : memref<128x128xf32, #tpu.memory_space<vmem_shared>>)
      tpu.yield
    }) : () -> ()
    %add3A_13 = arith.constant 256 : i32
    %add3A_14 = arith.addi %mul3A_4, %add3A_13 : i32
    "tpu.region"() ({
      %run_scoped3A = tpu.sem_alloc : memref<!tpu.dma_semaphore, #tpu.memory_space<semaphore_mem>>
      %dma_start3A = arith.constant 0 : i32
      %dma_start3A_51 = arith.constant 0 : i32
      %dma_start3A_52 = tpu.memref_slice %arg15[%dma_start3A, %dma_start3A_51] : memref<128x128xf32, #tpu.memory_space<vmem>> -> memref<128x128xf32, #tpu.memory_space<vmem>>
      %dma_start3A_53 = arith.constant 0 : i32
      %dma_start3A_54 = tpu.memref_slice %arg7[%add3A_14, %dma_start3A_53] : memref<10112x128xf32, #tpu.memory_space<hbm>> -> memref<128x128xf32, #tpu.memory_space<hbm>>
      %dma_start3A_55 = arith.constant 0 : i32
      %dma_start3A_56 = arith.constant 0 : i32
      %dma_start3A_57 = tpu.memref_slice %arg15[%dma_start3A_55, %dma_start3A_56] : memref<128x128xf32, #tpu.memory_space<vmem>> -> memref<128x128xf32, #tpu.memory_space<vmem>>
      %dma_start3A_58 = arith.constant 0 : i32
      %dma_start3A_59 = tpu.memref_slice %arg7[%add3A_14, %dma_start3A_58] : memref<10112x128xf32, #tpu.memory_space<hbm>> -> memref<128x128xf32, #tpu.memory_space<hbm>>
      tpu.enqueue_dma source(%dma_start3A_59 : memref<128x128xf32, #tpu.memory_space<hbm>>) target(%dma_start3A_57 : memref<128x128xf32, #tpu.memory_space<vmem>>) target_semaphore(%run_scoped3A : memref<!tpu.dma_semaphore, #tpu.memory_space<semaphore_mem>>)
      %dma_wait3A = arith.constant 0 : i32
      %dma_wait3A_60 = arith.constant 0 : i32
      %dma_wait3A_61 = tpu.memref_slice %arg15[%dma_wait3A, %dma_wait3A_60] : memref<128x128xf32, #tpu.memory_space<vmem>> -> memref<128x128xf32, #tpu.memory_space<vmem>>
      %dma_wait3A_62 = arith.constant 0 : i32
      %dma_wait3A_63 = tpu.memref_slice %arg7[%add3A_14, %dma_wait3A_62] : memref<10112x128xf32, #tpu.memory_space<hbm>> -> memref<128x128xf32, #tpu.memory_space<hbm>>
      %dma_wait3A_64 = arith.constant 0 : i32
      %dma_wait3A_65 = arith.constant 0 : i32
      %dma_wait3A_66 = tpu.memref_slice %arg15[%dma_wait3A_64, %dma_wait3A_65] : memref<128x128xf32, #tpu.memory_space<vmem>> -> memref<128x128xf32, #tpu.memory_space<vmem>>
      %dma_wait3A_67 = arith.constant 0 : i32
      %dma_wait3A_68 = tpu.memref_slice %arg7[%add3A_14, %dma_wait3A_67] : memref<10112x128xf32, #tpu.memory_space<hbm>> -> memref<128x128xf32, #tpu.memory_space<hbm>>
      tpu.wait_dma2 semaphore(%run_scoped3A : memref<!tpu.dma_semaphore, #tpu.memory_space<semaphore_mem>>) src(%dma_wait3A_68 : memref<128x128xf32, #tpu.memory_space<hbm>>) dst(%dma_wait3A_66 : memref<128x128xf32, #tpu.memory_space<vmem>>)
      tpu.yield
    }) : () -> ()
    %add3A_15 = arith.constant 256 : i32
    %add3A_16 = arith.addi %mul3A_4, %add3A_15 : i32
    "tpu.region"() ({
      %run_scoped3A = tpu.sem_alloc : memref<!tpu.dma_semaphore, #tpu.memory_space<semaphore_mem>>
      %dma_start3A = arith.constant 0 : i32
      %dma_start3A_51 = arith.constant 0 : i32
      %dma_start3A_52 = tpu.memref_slice %arg15[%dma_start3A, %dma_start3A_51] : memref<128x128xf32, #tpu.memory_space<vmem>> -> memref<128x128xf32, #tpu.memory_space<vmem>>
      %dma_start3A_53 = arith.constant 0 : i32
      %dma_start3A_54 = tpu.memref_slice %arg16[%add3A_16, %dma_start3A_53] : memref<10112x128xf32, #tpu.memory_space<vmem_shared>> -> memref<128x128xf32, #tpu.memory_space<vmem_shared>>
      %dma_start3A_55 = arith.constant 0 : i32
      %dma_start3A_56 = tpu.memref_slice %arg16[%add3A_16, %dma_start3A_55] : memref<10112x128xf32, #tpu.memory_space<vmem_shared>> -> memref<128x128xf32, #tpu.memory_space<vmem_shared>>
      %dma_start3A_57 = arith.constant 0 : i32
      %dma_start3A_58 = arith.constant 0 : i32
      %dma_start3A_59 = tpu.memref_slice %arg15[%dma_start3A_57, %dma_start3A_58] : memref<128x128xf32, #tpu.memory_space<vmem>> -> memref<128x128xf32, #tpu.memory_space<vmem>>
      tpu.enqueue_dma source(%dma_start3A_59 : memref<128x128xf32, #tpu.memory_space<vmem>>) target(%dma_start3A_56 : memref<128x128xf32, #tpu.memory_space<vmem_shared>>) target_semaphore(%run_scoped3A : memref<!tpu.dma_semaphore, #tpu.memory_space<semaphore_mem>>)
      %dma_wait3A = arith.constant 0 : i32
      %dma_wait3A_60 = arith.constant 0 : i32
      %dma_wait3A_61 = tpu.memref_slice %arg15[%dma_wait3A, %dma_wait3A_60] : memref<128x128xf32, #tpu.memory_space<vmem>> -> memref<128x128xf32, #tpu.memory_space<vmem>>
      %dma_wait3A_62 = arith.constant 0 : i32
      %dma_wait3A_63 = tpu.memref_slice %arg16[%add3A_16, %dma_wait3A_62] : memref<10112x128xf32, #tpu.memory_space<vmem_shared>> -> memref<128x128xf32, #tpu.memory_space<vmem_shared>>
      %dma_wait3A_64 = arith.constant 0 : i32
      %dma_wait3A_65 = tpu.memref_slice %arg16[%add3A_16, %dma_wait3A_64] : memref<10112x128xf32, #tpu.memory_space<vmem_shared>> -> memref<128x128xf32, #tpu.memory_space<vmem_shared>>
      %dma_wait3A_66 = arith.constant 0 : i32
      %dma_wait3A_67 = arith.constant 0 : i32
      %dma_wait3A_68 = tpu.memref_slice %arg15[%dma_wait3A_66, %dma_wait3A_67] : memref<128x128xf32, #tpu.memory_space<vmem>> -> memref<128x128xf32, #tpu.memory_space<vmem>>
      tpu.wait_dma2 semaphore(%run_scoped3A : memref<!tpu.dma_semaphore, #tpu.memory_space<semaphore_mem>>) src(%dma_wait3A_68 : memref<128x128xf32, #tpu.memory_space<vmem>>) dst(%dma_wait3A_65 : memref<128x128xf32, #tpu.memory_space<vmem_shared>>)
      tpu.yield
    }) : () -> ()
    %add3A_17 = arith.constant 384 : i32
    %add3A_18 = arith.addi %mul3A_4, %add3A_17 : i32
    "tpu.region"() ({
      %run_scoped3A = tpu.sem_alloc : memref<!tpu.dma_semaphore, #tpu.memory_space<semaphore_mem>>
      %dma_start3A = arith.constant 0 : i32
      %dma_start3A_51 = arith.constant 0 : i32
      %dma_start3A_52 = tpu.memref_slice %arg15[%dma_start3A, %dma_start3A_51] : memref<128x128xf32, #tpu.memory_space<vmem>> -> memref<128x128xf32, #tpu.memory_space<vmem>>
      %dma_start3A_53 = arith.constant 0 : i32
      %dma_start3A_54 = tpu.memref_slice %arg7[%add3A_18, %dma_start3A_53] : memref<10112x128xf32, #tpu.memory_space<hbm>> -> memref<128x128xf32, #tpu.memory_space<hbm>>
      %dma_start3A_55 = arith.constant 0 : i32
      %dma_start3A_56 = arith.constant 0 : i32
      %dma_start3A_57 = tpu.memref_slice %arg15[%dma_start3A_55, %dma_start3A_56] : memref<128x128xf32, #tpu.memory_space<vmem>> -> memref<128x128xf32, #tpu.memory_space<vmem>>
      %dma_start3A_58 = arith.constant 0 : i32
      %dma_start3A_59 = tpu.memref_slice %arg7[%add3A_18, %dma_start3A_58] : memref<10112x128xf32, #tpu.memory_space<hbm>> -> memref<128x128xf32, #tpu.memory_space<hbm>>
      tpu.enqueue_dma source(%dma_start3A_59 : memref<128x128xf32, #tpu.memory_space<hbm>>) target(%dma_start3A_57 : memref<128x128xf32, #tpu.memory_space<vmem>>) target_semaphore(%run_scoped3A : memref<!tpu.dma_semaphore, #tpu.memory_space<semaphore_mem>>)
      %dma_wait3A = arith.constant 0 : i32
      %dma_wait3A_60 = arith.constant 0 : i32
      %dma_wait3A_61 = tpu.memref_slice %arg15[%dma_wait3A, %dma_wait3A_60] : memref<128x128xf32, #tpu.memory_space<vmem>> -> memref<128x128xf32, #tpu.memory_space<vmem>>
      %dma_wait3A_62 = arith.constant 0 : i32
      %dma_wait3A_63 = tpu.memref_slice %arg7[%add3A_18, %dma_wait3A_62] : memref<10112x128xf32, #tpu.memory_space<hbm>> -> memref<128x128xf32, #tpu.memory_space<hbm>>
      %dma_wait3A_64 = arith.constant 0 : i32
      %dma_wait3A_65 = arith.constant 0 : i32
      %dma_wait3A_66 = tpu.memref_slice %arg15[%dma_wait3A_64, %dma_wait3A_65] : memref<128x128xf32, #tpu.memory_space<vmem>> -> memref<128x128xf32, #tpu.memory_space<vmem>>
      %dma_wait3A_67 = arith.constant 0 : i32
      %dma_wait3A_68 = tpu.memref_slice %arg7[%add3A_18, %dma_wait3A_67] : memref<10112x128xf32, #tpu.memory_space<hbm>> -> memref<128x128xf32, #tpu.memory_space<hbm>>
      tpu.wait_dma2 semaphore(%run_scoped3A : memref<!tpu.dma_semaphore, #tpu.memory_space<semaphore_mem>>) src(%dma_wait3A_68 : memref<128x128xf32, #tpu.memory_space<hbm>>) dst(%dma_wait3A_66 : memref<128x128xf32, #tpu.memory_space<vmem>>)
      tpu.yield
    }) : () -> ()
    %add3A_19 = arith.constant 384 : i32
    %add3A_20 = arith.addi %mul3A_4, %add3A_19 : i32
    "tpu.region"() ({
      %run_scoped3A = tpu.sem_alloc : memref<!tpu.dma_semaphore, #tpu.memory_space<semaphore_mem>>
      %dma_start3A = arith.constant 0 : i32
      %dma_start3A_51 = arith.constant 0 : i32
      %dma_start3A_52 = tpu.memref_slice %arg15[%dma_start3A, %dma_start3A_51] : memref<128x128xf32, #tpu.memory_space<vmem>> -> memref<128x128xf32, #tpu.memory_space<vmem>>
      %dma_start3A_53 = arith.constant 0 : i32
      %dma_start3A_54 = tpu.memref_slice %arg16[%add3A_20, %dma_start3A_53] : memref<10112x128xf32, #tpu.memory_space<vmem_shared>> -> memref<128x128xf32, #tpu.memory_space<vmem_shared>>
      %dma_start3A_55 = arith.constant 0 : i32
      %dma_start3A_56 = tpu.memref_slice %arg16[%add3A_20, %dma_start3A_55] : memref<10112x128xf32, #tpu.memory_space<vmem_shared>> -> memref<128x128xf32, #tpu.memory_space<vmem_shared>>
      %dma_start3A_57 = arith.constant 0 : i32
      %dma_start3A_58 = arith.constant 0 : i32
      %dma_start3A_59 = tpu.memref_slice %arg15[%dma_start3A_57, %dma_start3A_58] : memref<128x128xf32, #tpu.memory_space<vmem>> -> memref<128x128xf32, #tpu.memory_space<vmem>>
      tpu.enqueue_dma source(%dma_start3A_59 : memref<128x128xf32, #tpu.memory_space<vmem>>) target(%dma_start3A_56 : memref<128x128xf32, #tpu.memory_space<vmem_shared>>) target_semaphore(%run_scoped3A : memref<!tpu.dma_semaphore, #tpu.memory_space<semaphore_mem>>)
      %dma_wait3A = arith.constant 0 : i32
      %dma_wait3A_60 = arith.constant 0 : i32
      %dma_wait3A_61 = tpu.memref_slice %arg15[%dma_wait3A, %dma_wait3A_60] : memref<128x128xf32, #tpu.memory_space<vmem>> -> memref<128x128xf32, #tpu.memory_space<vmem>>
      %dma_wait3A_62 = arith.constant 0 : i32
      %dma_wait3A_63 = tpu.memref_slice %arg16[%add3A_20, %dma_wait3A_62] : memref<10112x128xf32, #tpu.memory_space<vmem_shared>> -> memref<128x128xf32, #tpu.memory_space<vmem_shared>>
      %dma_wait3A_64 = arith.constant 0 : i32
      %dma_wait3A_65 = tpu.memref_slice %arg16[%add3A_20, %dma_wait3A_64] : memref<10112x128xf32, #tpu.memory_space<vmem_shared>> -> memref<128x128xf32, #tpu.memory_space<vmem_shared>>
      %dma_wait3A_66 = arith.constant 0 : i32
      %dma_wait3A_67 = arith.constant 0 : i32
      %dma_wait3A_68 = tpu.memref_slice %arg15[%dma_wait3A_66, %dma_wait3A_67] : memref<128x128xf32, #tpu.memory_space<vmem>> -> memref<128x128xf32, #tpu.memory_space<vmem>>
      tpu.wait_dma2 semaphore(%run_scoped3A : memref<!tpu.dma_semaphore, #tpu.memory_space<semaphore_mem>>) src(%dma_wait3A_68 : memref<128x128xf32, #tpu.memory_space<vmem>>) dst(%dma_wait3A_65 : memref<128x128xf32, #tpu.memory_space<vmem_shared>>)
      tpu.yield
    }) : () -> ()
    %add3A_21 = arith.constant 512 : i32
    %add3A_22 = arith.addi %mul3A_4, %add3A_21 : i32
    "tpu.region"() ({
      %run_scoped3A = tpu.sem_alloc : memref<!tpu.dma_semaphore, #tpu.memory_space<semaphore_mem>>
      %dma_start3A = arith.constant 0 : i32
      %dma_start3A_51 = arith.constant 0 : i32
      %dma_start3A_52 = tpu.memref_slice %arg15[%dma_start3A, %dma_start3A_51] : memref<128x128xf32, #tpu.memory_space<vmem>> -> memref<120x128xf32, #tpu.memory_space<vmem>>
      %dma_start3A_53 = arith.constant 0 : i32
      %dma_start3A_54 = tpu.memref_slice %arg7[%add3A_22, %dma_start3A_53] : memref<10112x128xf32, #tpu.memory_space<hbm>> -> memref<120x128xf32, #tpu.memory_space<hbm>>
      %dma_start3A_55 = arith.constant 0 : i32
      %dma_start3A_56 = arith.constant 0 : i32
      %dma_start3A_57 = tpu.memref_slice %arg15[%dma_start3A_55, %dma_start3A_56] : memref<128x128xf32, #tpu.memory_space<vmem>> -> memref<120x128xf32, #tpu.memory_space<vmem>>
      %dma_start3A_58 = arith.constant 0 : i32
      %dma_start3A_59 = tpu.memref_slice %arg7[%add3A_22, %dma_start3A_58] : memref<10112x128xf32, #tpu.memory_space<hbm>> -> memref<120x128xf32, #tpu.memory_space<hbm>>
      tpu.enqueue_dma source(%dma_start3A_59 : memref<120x128xf32, #tpu.memory_space<hbm>>) target(%dma_start3A_57 : memref<120x128xf32, #tpu.memory_space<vmem>>) target_semaphore(%run_scoped3A : memref<!tpu.dma_semaphore, #tpu.memory_space<semaphore_mem>>)
      %dma_wait3A = arith.constant 0 : i32
      %dma_wait3A_60 = arith.constant 0 : i32
      %dma_wait3A_61 = tpu.memref_slice %arg15[%dma_wait3A, %dma_wait3A_60] : memref<128x128xf32, #tpu.memory_space<vmem>> -> memref<120x128xf32, #tpu.memory_space<vmem>>
      %dma_wait3A_62 = arith.constant 0 : i32
      %dma_wait3A_63 = tpu.memref_slice %arg7[%add3A_22, %dma_wait3A_62] : memref<10112x128xf32, #tpu.memory_space<hbm>> -> memref<120x128xf32, #tpu.memory_space<hbm>>
      %dma_wait3A_64 = arith.constant 0 : i32
      %dma_wait3A_65 = arith.constant 0 : i32
      %dma_wait3A_66 = tpu.memref_slice %arg15[%dma_wait3A_64, %dma_wait3A_65] : memref<128x128xf32, #tpu.memory_space<vmem>> -> memref<120x128xf32, #tpu.memory_space<vmem>>
      %dma_wait3A_67 = arith.constant 0 : i32
      %dma_wait3A_68 = tpu.memref_slice %arg7[%add3A_22, %dma_wait3A_67] : memref<10112x128xf32, #tpu.memory_space<hbm>> -> memref<120x128xf32, #tpu.memory_space<hbm>>
      tpu.wait_dma2 semaphore(%run_scoped3A : memref<!tpu.dma_semaphore, #tpu.memory_space<semaphore_mem>>) src(%dma_wait3A_68 : memref<120x128xf32, #tpu.memory_space<hbm>>) dst(%dma_wait3A_66 : memref<120x128xf32, #tpu.memory_space<vmem>>)
      tpu.yield
    }) : () -> ()
    %add3A_23 = arith.constant 512 : i32
    %add3A_24 = arith.addi %mul3A_4, %add3A_23 : i32
    "tpu.region"() ({
      %run_scoped3A = tpu.sem_alloc : memref<!tpu.dma_semaphore, #tpu.memory_space<semaphore_mem>>
      %dma_start3A = arith.constant 0 : i32
      %dma_start3A_51 = arith.constant 0 : i32
      %dma_start3A_52 = tpu.memref_slice %arg15[%dma_start3A, %dma_start3A_51] : memref<128x128xf32, #tpu.memory_space<vmem>> -> memref<120x128xf32, #tpu.memory_space<vmem>>
      %dma_start3A_53 = arith.constant 0 : i32
      %dma_start3A_54 = tpu.memref_slice %arg16[%add3A_24, %dma_start3A_53] : memref<10112x128xf32, #tpu.memory_space<vmem_shared>> -> memref<120x128xf32, #tpu.memory_space<vmem_shared>>
      %dma_start3A_55 = arith.constant 0 : i32
      %dma_start3A_56 = tpu.memref_slice %arg16[%add3A_24, %dma_start3A_55] : memref<10112x128xf32, #tpu.memory_space<vmem_shared>> -> memref<120x128xf32, #tpu.memory_space<vmem_shared>>
      %dma_start3A_57 = arith.constant 0 : i32
      %dma_start3A_58 = arith.constant 0 : i32
      %dma_start3A_59 = tpu.memref_slice %arg15[%dma_start3A_57, %dma_start3A_58] : memref<128x128xf32, #tpu.memory_space<vmem>> -> memref<120x128xf32, #tpu.memory_space<vmem>>
      tpu.enqueue_dma source(%dma_start3A_59 : memref<120x128xf32, #tpu.memory_space<vmem>>) target(%dma_start3A_56 : memref<120x128xf32, #tpu.memory_space<vmem_shared>>) target_semaphore(%run_scoped3A : memref<!tpu.dma_semaphore, #tpu.memory_space<semaphore_mem>>)
      %dma_wait3A = arith.constant 0 : i32
      %dma_wait3A_60 = arith.constant 0 : i32
      %dma_wait3A_61 = tpu.memref_slice %arg15[%dma_wait3A, %dma_wait3A_60] : memref<128x128xf32, #tpu.memory_space<vmem>> -> memref<120x128xf32, #tpu.memory_space<vmem>>
      %dma_wait3A_62 = arith.constant 0 : i32
      %dma_wait3A_63 = tpu.memref_slice %arg16[%add3A_24, %dma_wait3A_62] : memref<10112x128xf32, #tpu.memory_space<vmem_shared>> -> memref<120x128xf32, #tpu.memory_space<vmem_shared>>
      %dma_wait3A_64 = arith.constant 0 : i32
      %dma_wait3A_65 = tpu.memref_slice %arg16[%add3A_24, %dma_wait3A_64] : memref<10112x128xf32, #tpu.memory_space<vmem_shared>> -> memref<120x128xf32, #tpu.memory_space<vmem_shared>>
      %dma_wait3A_66 = arith.constant 0 : i32
      %dma_wait3A_67 = arith.constant 0 : i32
      %dma_wait3A_68 = tpu.memref_slice %arg15[%dma_wait3A_66, %dma_wait3A_67] : memref<128x128xf32, #tpu.memory_space<vmem>> -> memref<120x128xf32, #tpu.memory_space<vmem>>
      tpu.wait_dma2 semaphore(%run_scoped3A : memref<!tpu.dma_semaphore, #tpu.memory_space<semaphore_mem>>) src(%dma_wait3A_68 : memref<120x128xf32, #tpu.memory_space<vmem>>) dst(%dma_wait3A_65 : memref<120x128xf32, #tpu.memory_space<vmem_shared>>)
      tpu.yield
    }) : () -> ()
    %barrier3A = arith.constant 0 : index
    tpu.barrier barrier_id(%barrier3A)
    %scan3A = arith.constant 0 : i32
    %scan3A_25 = arith.constant 0 : i32
    %scan3A_26 = arith.constant 79 : i32
    %scan3A_27 = arith.addi %scan3A_25, %scan3A_26 : i32
    %scan3A_28 = arith.constant 1 : i32
    scf.for %scan3A_51 = %scan3A_25 to %scan3A_27 step %scan3A_28  : i32 {
      %mul3A_52 = arith.constant 128 : i32
      %mul3A_53 = arith.muli %scan3A_51, %mul3A_52 : i32
      %add3A_54 = arith.addi %mul3A_2, %mul3A_53 : i32
      %dma_start3A = tpu.memref_slice %arg3[%add3A_54] : memref<323584xi32, #tpu.memory_space<hbm>> -> memref<128xi32, #tpu.memory_space<hbm>>
      %dma_start3A_55 = tpu.memref_slice %arg3[%add3A_54] : memref<323584xi32, #tpu.memory_space<hbm>> -> memref<128xi32, #tpu.memory_space<hbm>>
      tpu.enqueue_dma source(%dma_start3A_55 : memref<128xi32, #tpu.memory_space<hbm>>) target(%arg9 : memref<128xi32, #tpu.memory_space<vmem>>) target_semaphore(%arg17 : memref<!tpu.dma_semaphore, #tpu.memory_space<semaphore_mem>>)
      %dma_start3A_56 = tpu.memref_slice %arg4[%add3A_54] : memref<323584xi32, #tpu.memory_space<hbm>> -> memref<128xi32, #tpu.memory_space<hbm>>
      %dma_start3A_57 = tpu.memref_slice %arg4[%add3A_54] : memref<323584xi32, #tpu.memory_space<hbm>> -> memref<128xi32, #tpu.memory_space<hbm>>
      tpu.enqueue_dma source(%dma_start3A_57 : memref<128xi32, #tpu.memory_space<hbm>>) target(%arg10 : memref<128xi32, #tpu.memory_space<vmem>>) target_semaphore(%arg17 : memref<!tpu.dma_semaphore, #tpu.memory_space<semaphore_mem>>)
      %dma_start3A_58 = tpu.memref_slice %arg5[%add3A_54] : memref<323584xi32, #tpu.memory_space<hbm>> -> memref<128xi32, #tpu.memory_space<hbm>>
      %dma_start3A_59 = tpu.memref_slice %arg5[%add3A_54] : memref<323584xi32, #tpu.memory_space<hbm>> -> memref<128xi32, #tpu.memory_space<hbm>>
      tpu.enqueue_dma source(%dma_start3A_59 : memref<128xi32, #tpu.memory_space<hbm>>) target(%arg11 : memref<128xi32, #tpu.memory_space<vmem>>) target_semaphore(%arg17 : memref<!tpu.dma_semaphore, #tpu.memory_space<semaphore_mem>>)
      %dma_start3A_60 = arith.constant 0 : i32
      %dma_start3A_61 = tpu.memref_slice %arg6[%add3A_54, %dma_start3A_60] : memref<323584x16xf32, #tpu.memory_space<hbm>> -> memref<128x16xf32, #tpu.memory_space<hbm>>
      %dma_start3A_62 = arith.constant 0 : i32
      %dma_start3A_63 = tpu.memref_slice %arg6[%add3A_54, %dma_start3A_62] : memref<323584x16xf32, #tpu.memory_space<hbm>> -> memref<128x16xf32, #tpu.memory_space<hbm>>
      tpu.enqueue_dma source(%dma_start3A_63 : memref<128x16xf32, #tpu.memory_space<hbm>>) target(%arg12 : memref<128x16xf32, #tpu.memory_space<vmem>>) target_semaphore(%arg17 : memref<!tpu.dma_semaphore, #tpu.memory_space<semaphore_mem>>)
      %dma_wait3A = tpu.memref_slice %arg3[%add3A_54] : memref<323584xi32, #tpu.memory_space<hbm>> -> memref<128xi32, #tpu.memory_space<hbm>>
      %dma_wait3A_64 = tpu.memref_slice %arg3[%add3A_54] : memref<323584xi32, #tpu.memory_space<hbm>> -> memref<128xi32, #tpu.memory_space<hbm>>
      tpu.wait_dma2 semaphore(%arg17 : memref<!tpu.dma_semaphore, #tpu.memory_space<semaphore_mem>>) src(%dma_wait3A_64 : memref<128xi32, #tpu.memory_space<hbm>>) dst(%arg9 : memref<128xi32, #tpu.memory_space<vmem>>)
      %dma_wait3A_65 = tpu.memref_slice %arg4[%add3A_54] : memref<323584xi32, #tpu.memory_space<hbm>> -> memref<128xi32, #tpu.memory_space<hbm>>
      %dma_wait3A_66 = tpu.memref_slice %arg4[%add3A_54] : memref<323584xi32, #tpu.memory_space<hbm>> -> memref<128xi32, #tpu.memory_space<hbm>>
      tpu.wait_dma2 semaphore(%arg17 : memref<!tpu.dma_semaphore, #tpu.memory_space<semaphore_mem>>) src(%dma_wait3A_66 : memref<128xi32, #tpu.memory_space<hbm>>) dst(%arg10 : memref<128xi32, #tpu.memory_space<vmem>>)
      %dma_wait3A_67 = tpu.memref_slice %arg5[%add3A_54] : memref<323584xi32, #tpu.memory_space<hbm>> -> memref<128xi32, #tpu.memory_space<hbm>>
      %dma_wait3A_68 = tpu.memref_slice %arg5[%add3A_54] : memref<323584xi32, #tpu.memory_space<hbm>> -> memref<128xi32, #tpu.memory_space<hbm>>
      tpu.wait_dma2 semaphore(%arg17 : memref<!tpu.dma_semaphore, #tpu.memory_space<semaphore_mem>>) src(%dma_wait3A_68 : memref<128xi32, #tpu.memory_space<hbm>>) dst(%arg11 : memref<128xi32, #tpu.memory_space<vmem>>)
      %dma_wait3A_69 = arith.constant 0 : i32
      %dma_wait3A_70 = tpu.memref_slice %arg6[%add3A_54, %dma_wait3A_69] : memref<323584x16xf32, #tpu.memory_space<hbm>> -> memref<128x16xf32, #tpu.memory_space<hbm>>
      %dma_wait3A_71 = arith.constant 0 : i32
      %dma_wait3A_72 = tpu.memref_slice %arg6[%add3A_54, %dma_wait3A_71] : memref<323584x16xf32, #tpu.memory_space<hbm>> -> memref<128x16xf32, #tpu.memory_space<hbm>>
      tpu.wait_dma2 semaphore(%arg17 : memref<!tpu.dma_semaphore, #tpu.memory_space<semaphore_mem>>) src(%dma_wait3A_72 : memref<128x16xf32, #tpu.memory_space<hbm>>) dst(%arg12 : memref<128x16xf32, #tpu.memory_space<vmem>>)
      %get3A = arith.constant 0 : index
      %get3A_73 = tpu.vector_load %arg9[%get3A] {strides = array<i32>} : memref<128xi32, #tpu.memory_space<vmem>>, vector<16xi32>,
      %get3A_74 = vector.shape_cast %get3A_73 : vector<16xi32> to vector<16xi32>
      %mul3A_75 = arith.constant 8 : i32
      %mul3A_76 = vector.broadcast %mul3A_75 : i32 to vector<16xi32>
      %mul3A_77 = arith.muli %get3A_74, %mul3A_76 : vector<16xi32>
      %get3A_78 = arith.constant 0 : index
      %get3A_79 = tpu.vector_load %arg10[%get3A_78] {strides = array<i32>} : memref<128xi32, #tpu.memory_space<vmem>>, vector<16xi32>,
      %get3A_80 = vector.shape_cast %get3A_79 : vector<16xi32> to vector<16xi32>
      %add3A_81 = arith.addi %mul3A_77, %get3A_80 : vector<16xi32>
      %swap3A = arith.constant 0 : index
      %swap3A_82 = tpu.vector_load %arg13[%swap3A] {strides = array<i32>} : memref<128xi32, #tpu.memory_space<vmem>>, vector<16xi32>,
      %swap3A_83 = vector.shape_cast %swap3A_82 : vector<16xi32> to vector<16xi32>
      %swap3A_84 = vector.shape_cast %add3A_81 : vector<16xi32> to vector<16xi32>
      tpu.vector_store %arg13[%swap3A], %swap3A_84 {strides = array<i32>} : memref<128xi32, #tpu.memory_space<vmem>>, vector<16xi32>,
      %get3A_85 = arith.constant 16 : index
      %get3A_86 = tpu.vector_load %arg9[%get3A_85] {strides = array<i32>} : memref<128xi32, #tpu.memory_space<vmem>>, vector<16xi32>,
      %get3A_87 = vector.shape_cast %get3A_86 : vector<16xi32> to vector<16xi32>
      %mul3A_88 = arith.constant 8 : i32
      %mul3A_89 = vector.broadcast %mul3A_88 : i32 to vector<16xi32>
      %mul3A_90 = arith.muli %get3A_87, %mul3A_89 : vector<16xi32>
      %get3A_91 = arith.constant 16 : index
      %get3A_92 = tpu.vector_load %arg10[%get3A_91] {strides = array<i32>} : memref<128xi32, #tpu.memory_space<vmem>>, vector<16xi32>,
      %get3A_93 = vector.shape_cast %get3A_92 : vector<16xi32> to vector<16xi32>
      %add3A_94 = arith.addi %mul3A_90, %get3A_93 : vector<16xi32>
      %swap3A_95 = arith.constant 16 : index
      %swap3A_96 = tpu.vector_load %arg13[%swap3A_95] {strides = array<i32>} : memref<128xi32, #tpu.memory_space<vmem>>, vector<16xi32>,
      %swap3A_97 = vector.shape_cast %swap3A_96 : vector<16xi32> to vector<16xi32>
      %swap3A_98 = vector.shape_cast %add3A_94 : vector<16xi32> to vector<16xi32>
      tpu.vector_store %arg13[%swap3A_95], %swap3A_98 {strides = array<i32>} : memref<128xi32, #tpu.memory_space<vmem>>, vector<16xi32>,
      %get3A_99 = arith.constant 32 : index
      %get3A_100 = tpu.vector_load %arg9[%get3A_99] {strides = array<i32>} : memref<128xi32, #tpu.memory_space<vmem>>, vector<16xi32>,
      %get3A_101 = vector.shape_cast %get3A_100 : vector<16xi32> to vector<16xi32>
      %mul3A_102 = arith.constant 8 : i32
      %mul3A_103 = vector.broadcast %mul3A_102 : i32 to vector<16xi32>
      %mul3A_104 = arith.muli %get3A_101, %mul3A_103 : vector<16xi32>
      %get3A_105 = arith.constant 32 : index
      %get3A_106 = tpu.vector_load %arg10[%get3A_105] {strides = array<i32>} : memref<128xi32, #tpu.memory_space<vmem>>, vector<16xi32>,
      %get3A_107 = vector.shape_cast %get3A_106 : vector<16xi32> to vector<16xi32>
      %add3A_108 = arith.addi %mul3A_104, %get3A_107 : vector<16xi32>
      %swap3A_109 = arith.constant 32 : index
      %swap3A_110 = tpu.vector_load %arg13[%swap3A_109] {strides = array<i32>} : memref<128xi32, #tpu.memory_space<vmem>>, vector<16xi32>,
      %swap3A_111 = vector.shape_cast %swap3A_110 : vector<16xi32> to vector<16xi32>
      %swap3A_112 = vector.shape_cast %add3A_108 : vector<16xi32> to vector<16xi32>
      tpu.vector_store %arg13[%swap3A_109], %swap3A_112 {strides = array<i32>} : memref<128xi32, #tpu.memory_space<vmem>>, vector<16xi32>,
      %get3A_113 = arith.constant 48 : index
      %get3A_114 = tpu.vector_load %arg9[%get3A_113] {strides = array<i32>} : memref<128xi32, #tpu.memory_space<vmem>>, vector<16xi32>,
      %get3A_115 = vector.shape_cast %get3A_114 : vector<16xi32> to vector<16xi32>
      %mul3A_116 = arith.constant 8 : i32
      %mul3A_117 = vector.broadcast %mul3A_116 : i32 to vector<16xi32>
      %mul3A_118 = arith.muli %get3A_115, %mul3A_117 : vector<16xi32>
      %get3A_119 = arith.constant 48 : index
      %get3A_120 = tpu.vector_load %arg10[%get3A_119] {strides = array<i32>} : memref<128xi32, #tpu.memory_space<vmem>>, vector<16xi32>,
      %get3A_121 = vector.shape_cast %get3A_120 : vector<16xi32> to vector<16xi32>
      %add3A_122 = arith.addi %mul3A_118, %get3A_121 : vector<16xi32>
      %swap3A_123 = arith.constant 48 : index
      %swap3A_124 = tpu.vector_load %arg13[%swap3A_123] {strides = array<i32>} : memref<128xi32, #tpu.memory_space<vmem>>, vector<16xi32>,
      %swap3A_125 = vector.shape_cast %swap3A_124 : vector<16xi32> to vector<16xi32>
      %swap3A_126 = vector.shape_cast %add3A_122 : vector<16xi32> to vector<16xi32>
      tpu.vector_store %arg13[%swap3A_123], %swap3A_126 {strides = array<i32>} : memref<128xi32, #tpu.memory_space<vmem>>, vector<16xi32>,
      %get3A_127 = arith.constant 64 : index
      %get3A_128 = tpu.vector_load %arg9[%get3A_127] {strides = array<i32>} : memref<128xi32, #tpu.memory_space<vmem>>, vector<16xi32>,
      %get3A_129 = vector.shape_cast %get3A_128 : vector<16xi32> to vector<16xi32>
      %mul3A_130 = arith.constant 8 : i32
      %mul3A_131 = vector.broadcast %mul3A_130 : i32 to vector<16xi32>
      %mul3A_132 = arith.muli %get3A_129, %mul3A_131 : vector<16xi32>
      %get3A_133 = arith.constant 64 : index
      %get3A_134 = tpu.vector_load %arg10[%get3A_133] {strides = array<i32>} : memref<128xi32, #tpu.memory_space<vmem>>, vector<16xi32>,
      %get3A_135 = vector.shape_cast %get3A_134 : vector<16xi32> to vector<16xi32>
      %add3A_136 = arith.addi %mul3A_132, %get3A_135 : vector<16xi32>
      %swap3A_137 = arith.constant 64 : index
      %swap3A_138 = tpu.vector_load %arg13[%swap3A_137] {strides = array<i32>} : memref<128xi32, #tpu.memory_space<vmem>>, vector<16xi32>,
      %swap3A_139 = vector.shape_cast %swap3A_138 : vector<16xi32> to vector<16xi32>
      %swap3A_140 = vector.shape_cast %add3A_136 : vector<16xi32> to vector<16xi32>
      tpu.vector_store %arg13[%swap3A_137], %swap3A_140 {strides = array<i32>} : memref<128xi32, #tpu.memory_space<vmem>>, vector<16xi32>,
      %get3A_141 = arith.constant 80 : index
      %get3A_142 = tpu.vector_load %arg9[%get3A_141] {strides = array<i32>} : memref<128xi32, #tpu.memory_space<vmem>>, vector<16xi32>,
      %get3A_143 = vector.shape_cast %get3A_142 : vector<16xi32> to vector<16xi32>
      %mul3A_144 = arith.constant 8 : i32
      %mul3A_145 = vector.broadcast %mul3A_144 : i32 to vector<16xi32>
      %mul3A_146 = arith.muli %get3A_143, %mul3A_145 : vector<16xi32>
      %get3A_147 = arith.constant 80 : index
      %get3A_148 = tpu.vector_load %arg10[%get3A_147] {strides = array<i32>} : memref<128xi32, #tpu.memory_space<vmem>>, vector<16xi32>,
      %get3A_149 = vector.shape_cast %get3A_148 : vector<16xi32> to vector<16xi32>
      %add3A_150 = arith.addi %mul3A_146, %get3A_149 : vector<16xi32>
      %swap3A_151 = arith.constant 80 : index
      %swap3A_152 = tpu.vector_load %arg13[%swap3A_151] {strides = array<i32>} : memref<128xi32, #tpu.memory_space<vmem>>, vector<16xi32>,
      %swap3A_153 = vector.shape_cast %swap3A_152 : vector<16xi32> to vector<16xi32>
      %swap3A_154 = vector.shape_cast %add3A_150 : vector<16xi32> to vector<16xi32>
      tpu.vector_store %arg13[%swap3A_151], %swap3A_154 {strides = array<i32>} : memref<128xi32, #tpu.memory_space<vmem>>, vector<16xi32>,
      %get3A_155 = arith.constant 96 : index
      %get3A_156 = tpu.vector_load %arg9[%get3A_155] {strides = array<i32>} : memref<128xi32, #tpu.memory_space<vmem>>, vector<16xi32>,
      %get3A_157 = vector.shape_cast %get3A_156 : vector<16xi32> to vector<16xi32>
      %mul3A_158 = arith.constant 8 : i32
      %mul3A_159 = vector.broadcast %mul3A_158 : i32 to vector<16xi32>
      %mul3A_160 = arith.muli %get3A_157, %mul3A_159 : vector<16xi32>
      %get3A_161 = arith.constant 96 : index
      %get3A_162 = tpu.vector_load %arg10[%get3A_161] {strides = array<i32>} : memref<128xi32, #tpu.memory_space<vmem>>, vector<16xi32>,
      %get3A_163 = vector.shape_cast %get3A_162 : vector<16xi32> to vector<16xi32>
      %add3A_164 = arith.addi %mul3A_160, %get3A_163 : vector<16xi32>
      %swap3A_165 = arith.constant 96 : index
      %swap3A_166 = tpu.vector_load %arg13[%swap3A_165] {strides = array<i32>} : memref<128xi32, #tpu.memory_space<vmem>>, vector<16xi32>,
      %swap3A_167 = vector.shape_cast %swap3A_166 : vector<16xi32> to vector<16xi32>
      %swap3A_168 = vector.shape_cast %add3A_164 : vector<16xi32> to vector<16xi32>
      tpu.vector_store %arg13[%swap3A_165], %swap3A_168 {strides = array<i32>} : memref<128xi32, #tpu.memory_space<vmem>>, vector<16xi32>,
      %get3A_169 = arith.constant 112 : index
      %get3A_170 = tpu.vector_load %arg9[%get3A_169] {strides = array<i32>} : memref<128xi32, #tpu.memory_space<vmem>>, vector<16xi32>,
      %get3A_171 = vector.shape_cast %get3A_170 : vector<16xi32> to vector<16xi32>
      %mul3A_172 = arith.constant 8 : i32
      %mul3A_173 = vector.broadcast %mul3A_172 : i32 to vector<16xi32>
      %mul3A_174 = arith.muli %get3A_171, %mul3A_173 : vector<16xi32>
      %get3A_175 = arith.constant 112 : index
      %get3A_176 = tpu.vector_load %arg10[%get3A_175] {strides = array<i32>} : memref<128xi32, #tpu.memory_space<vmem>>, vector<16xi32>,
      %get3A_177 = vector.shape_cast %get3A_176 : vector<16xi32> to vector<16xi32>
      %add3A_178 = arith.addi %mul3A_174, %get3A_177 : vector<16xi32>
      %swap3A_179 = arith.constant 112 : index
      %swap3A_180 = tpu.vector_load %arg13[%swap3A_179] {strides = array<i32>} : memref<128xi32, #tpu.memory_space<vmem>>, vector<16xi32>,
      %swap3A_181 = vector.shape_cast %swap3A_180 : vector<16xi32> to vector<16xi32>
      %swap3A_182 = vector.shape_cast %add3A_178 : vector<16xi32> to vector<16xi32>
      tpu.vector_store %arg13[%swap3A_179], %swap3A_182 {strides = array<i32>} : memref<128xi32, #tpu.memory_space<vmem>>, vector<16xi32>,
      %dma_start3A_183 = arith.constant 0 : i32
      %dma_start3A_184 = arith.constant 0 : i32
      %dma_start3A_185 = tpu.memref_slice %arg2[%dma_start3A_183, %dma_start3A_184] : memref<80000x128xf32, #tpu.memory_space<hbm>> -> memref<80000x128xf32, #tpu.memory_space<hbm>>
      tpu.enqueue_indirect_dma source(%dma_start3A_185 : memref<80000x128xf32, #tpu.memory_space<hbm>>) target(%arg14 : memref<128x128xf32, #tpu.memory_space<vmem>>) offsets(%arg13 : memref<128xi32, #tpu.memory_space<vmem>>) semaphore(%arg17 : memref<!tpu.dma_semaphore, #tpu.memory_space<semaphore_mem>>)
      %dma_wait3A_186 = arith.constant 0 : i32
      %dma_wait3A_187 = arith.constant 0 : i32
      %dma_wait3A_188 = tpu.memref_slice %arg2[%dma_wait3A_186, %dma_wait3A_187] : memref<80000x128xf32, #tpu.memory_space<hbm>> -> memref<80000x128xf32, #tpu.memory_space<hbm>>
      tpu.wait_indirect_dma semaphore(%arg17 : memref<!tpu.dma_semaphore, #tpu.memory_space<semaphore_mem>>) src(%dma_wait3A_188 : memref<80000x128xf32, #tpu.memory_space<hbm>>) dst(%arg14 : memref<128x128xf32, #tpu.memory_space<vmem>>)
      %scan3A_189 = arith.constant 0 : i32
      %scan3A_190 = arith.constant 0 : i32
      %scan3A_191 = arith.constant 128 : i32
      %scan3A_192 = arith.addi %scan3A_190, %scan3A_191 : i32
      %scan3A_193 = arith.constant 1 : i32
      scf.for %scan3A_195 = %scan3A_190 to %scan3A_192 step %scan3A_193  : i32 {
        %get3A_196 = arith.index_cast %scan3A_195 : i32 to index
        %get3A_197 = arith.constant 0 : index
        %get3A_198 = tpu.vector_load %arg12[%get3A_196, %get3A_197] {strides = array<i32>} : memref<128x16xf32, #tpu.memory_space<vmem>>, vector<1x16xf32>,
        %get3A_199 = vector.shape_cast %get3A_198 : vector<1x16xf32> to vector<16xf32>
        %get3A_200 = arith.index_cast %scan3A_195 : i32 to index
        %get3A_201 = arith.constant 0 : index
        %get3A_202 = tpu.vector_load %arg14[%get3A_200, %get3A_201] {strides = array<i32>} : memref<128x128xf32, #tpu.memory_space<vmem>>, vector<1x16xf32>,
        %get3A_203 = vector.shape_cast %get3A_202 : vector<1x16xf32> to vector<16xf32>
        %mul3A_204 = arith.mulf %get3A_203, %get3A_199 : vector<16xf32>
        %swap3A_205 = arith.index_cast %scan3A_195 : i32 to index
        %swap3A_206 = arith.constant 0 : index
        %swap3A_207 = tpu.vector_load %arg14[%swap3A_205, %swap3A_206] {strides = array<i32>} : memref<128x128xf32, #tpu.memory_space<vmem>>, vector<1x16xf32>,
        %swap3A_208 = vector.shape_cast %swap3A_207 : vector<1x16xf32> to vector<16xf32>
        %swap3A_209 = vector.shape_cast %mul3A_204 : vector<16xf32> to vector<1x16xf32>
        tpu.vector_store %arg14[%swap3A_205, %swap3A_206], %swap3A_209 {strides = array<i32>} : memref<128x128xf32, #tpu.memory_space<vmem>>, vector<1x16xf32>,
        %get3A_210 = arith.index_cast %scan3A_195 : i32 to index
        %get3A_211 = arith.constant 16 : index
        %get3A_212 = tpu.vector_load %arg14[%get3A_210, %get3A_211] {strides = array<i32>} : memref<128x128xf32, #tpu.memory_space<vmem>>, vector<1x16xf32>,
        %get3A_213 = vector.shape_cast %get3A_212 : vector<1x16xf32> to vector<16xf32>
        %mul3A_214 = arith.mulf %get3A_213, %get3A_199 : vector<16xf32>
        %swap3A_215 = arith.index_cast %scan3A_195 : i32 to index
        %swap3A_216 = arith.constant 16 : index
        %swap3A_217 = tpu.vector_load %arg14[%swap3A_215, %swap3A_216] {strides = array<i32>} : memref<128x128xf32, #tpu.memory_space<vmem>>, vector<1x16xf32>,
        %swap3A_218 = vector.shape_cast %swap3A_217 : vector<1x16xf32> to vector<16xf32>
        %swap3A_219 = vector.shape_cast %mul3A_214 : vector<16xf32> to vector<1x16xf32>
        tpu.vector_store %arg14[%swap3A_215, %swap3A_216], %swap3A_219 {strides = array<i32>} : memref<128x128xf32, #tpu.memory_space<vmem>>, vector<1x16xf32>,
        %get3A_220 = arith.index_cast %scan3A_195 : i32 to index
        %get3A_221 = arith.constant 32 : index
        %get3A_222 = tpu.vector_load %arg14[%get3A_220, %get3A_221] {strides = array<i32>} : memref<128x128xf32, #tpu.memory_space<vmem>>, vector<1x16xf32>,
        %get3A_223 = vector.shape_cast %get3A_222 : vector<1x16xf32> to vector<16xf32>
        %mul3A_224 = arith.mulf %get3A_223, %get3A_199 : vector<16xf32>
        %swap3A_225 = arith.index_cast %scan3A_195 : i32 to index
        %swap3A_226 = arith.constant 32 : index
        %swap3A_227 = tpu.vector_load %arg14[%swap3A_225, %swap3A_226] {strides = array<i32>} : memref<128x128xf32, #tpu.memory_space<vmem>>, vector<1x16xf32>,
        %swap3A_228 = vector.shape_cast %swap3A_227 : vector<1x16xf32> to vector<16xf32>
        %swap3A_229 = vector.shape_cast %mul3A_224 : vector<16xf32> to vector<1x16xf32>
        tpu.vector_store %arg14[%swap3A_225, %swap3A_226], %swap3A_229 {strides = array<i32>} : memref<128x128xf32, #tpu.memory_space<vmem>>, vector<1x16xf32>,
        %get3A_230 = arith.index_cast %scan3A_195 : i32 to index
        %get3A_231 = arith.constant 48 : index
        %get3A_232 = tpu.vector_load %arg14[%get3A_230, %get3A_231] {strides = array<i32>} : memref<128x128xf32, #tpu.memory_space<vmem>>, vector<1x16xf32>,
        %get3A_233 = vector.shape_cast %get3A_232 : vector<1x16xf32> to vector<16xf32>
        %mul3A_234 = arith.mulf %get3A_233, %get3A_199 : vector<16xf32>
        %swap3A_235 = arith.index_cast %scan3A_195 : i32 to index
        %swap3A_236 = arith.constant 48 : index
        %swap3A_237 = tpu.vector_load %arg14[%swap3A_235, %swap3A_236] {strides = array<i32>} : memref<128x128xf32, #tpu.memory_space<vmem>>, vector<1x16xf32>,
        %swap3A_238 = vector.shape_cast %swap3A_237 : vector<1x16xf32> to vector<16xf32>
        %swap3A_239 = vector.shape_cast %mul3A_234 : vector<16xf32> to vector<1x16xf32>
        tpu.vector_store %arg14[%swap3A_235, %swap3A_236], %swap3A_239 {strides = array<i32>} : memref<128x128xf32, #tpu.memory_space<vmem>>, vector<1x16xf32>,
        %get3A_240 = arith.index_cast %scan3A_195 : i32 to index
        %get3A_241 = arith.constant 64 : index
        %get3A_242 = tpu.vector_load %arg14[%get3A_240, %get3A_241] {strides = array<i32>} : memref<128x128xf32, #tpu.memory_space<vmem>>, vector<1x16xf32>,
        %get3A_243 = vector.shape_cast %get3A_242 : vector<1x16xf32> to vector<16xf32>
        %mul3A_244 = arith.mulf %get3A_243, %get3A_199 : vector<16xf32>
        %swap3A_245 = arith.index_cast %scan3A_195 : i32 to index
        %swap3A_246 = arith.constant 64 : index
        %swap3A_247 = tpu.vector_load %arg14[%swap3A_245, %swap3A_246] {strides = array<i32>} : memref<128x128xf32, #tpu.memory_space<vmem>>, vector<1x16xf32>,
        %swap3A_248 = vector.shape_cast %swap3A_247 : vector<1x16xf32> to vector<16xf32>
        %swap3A_249 = vector.shape_cast %mul3A_244 : vector<16xf32> to vector<1x16xf32>
        tpu.vector_store %arg14[%swap3A_245, %swap3A_246], %swap3A_249 {strides = array<i32>} : memref<128x128xf32, #tpu.memory_space<vmem>>, vector<1x16xf32>,
        %get3A_250 = arith.index_cast %scan3A_195 : i32 to index
        %get3A_251 = arith.constant 80 : index
        %get3A_252 = tpu.vector_load %arg14[%get3A_250, %get3A_251] {strides = array<i32>} : memref<128x128xf32, #tpu.memory_space<vmem>>, vector<1x16xf32>,
        %get3A_253 = vector.shape_cast %get3A_252 : vector<1x16xf32> to vector<16xf32>
        %mul3A_254 = arith.mulf %get3A_253, %get3A_199 : vector<16xf32>
        %swap3A_255 = arith.index_cast %scan3A_195 : i32 to index
        %swap3A_256 = arith.constant 80 : index
        %swap3A_257 = tpu.vector_load %arg14[%swap3A_255, %swap3A_256] {strides = array<i32>} : memref<128x128xf32, #tpu.memory_space<vmem>>, vector<1x16xf32>,
        %swap3A_258 = vector.shape_cast %swap3A_257 : vector<1x16xf32> to vector<16xf32>
        %swap3A_259 = vector.shape_cast %mul3A_254 : vector<16xf32> to vector<1x16xf32>
        tpu.vector_store %arg14[%swap3A_255, %swap3A_256], %swap3A_259 {strides = array<i32>} : memref<128x128xf32, #tpu.memory_space<vmem>>, vector<1x16xf32>,
        %get3A_260 = arith.index_cast %scan3A_195 : i32 to index
        %get3A_261 = arith.constant 96 : index
        %get3A_262 = tpu.vector_load %arg14[%get3A_260, %get3A_261] {strides = array<i32>} : memref<128x128xf32, #tpu.memory_space<vmem>>, vector<1x16xf32>,
        %get3A_263 = vector.shape_cast %get3A_262 : vector<1x16xf32> to vector<16xf32>
        %mul3A_264 = arith.mulf %get3A_263, %get3A_199 : vector<16xf32>
        %swap3A_265 = arith.index_cast %scan3A_195 : i32 to index
        %swap3A_266 = arith.constant 96 : index
        %swap3A_267 = tpu.vector_load %arg14[%swap3A_265, %swap3A_266] {strides = array<i32>} : memref<128x128xf32, #tpu.memory_space<vmem>>, vector<1x16xf32>,
        %swap3A_268 = vector.shape_cast %swap3A_267 : vector<1x16xf32> to vector<16xf32>
        %swap3A_269 = vector.shape_cast %mul3A_264 : vector<16xf32> to vector<1x16xf32>
        tpu.vector_store %arg14[%swap3A_265, %swap3A_266], %swap3A_269 {strides = array<i32>} : memref<128x128xf32, #tpu.memory_space<vmem>>, vector<1x16xf32>,
        %get3A_270 = arith.index_cast %scan3A_195 : i32 to index
        %get3A_271 = arith.constant 112 : index
        %get3A_272 = tpu.vector_load %arg14[%get3A_270, %get3A_271] {strides = array<i32>} : memref<128x128xf32, #tpu.memory_space<vmem>>, vector<1x16xf32>,
        %get3A_273 = vector.shape_cast %get3A_272 : vector<1x16xf32> to vector<16xf32>
        %mul3A_274 = arith.mulf %get3A_273, %get3A_199 : vector<16xf32>
        %swap3A_275 = arith.index_cast %scan3A_195 : i32 to index
        %swap3A_276 = arith.constant 112 : index
        %swap3A_277 = tpu.vector_load %arg14[%swap3A_275, %swap3A_276] {strides = array<i32>} : memref<128x128xf32, #tpu.memory_space<vmem>>, vector<1x16xf32>,
        %swap3A_278 = vector.shape_cast %swap3A_277 : vector<1x16xf32> to vector<16xf32>
        %swap3A_279 = vector.shape_cast %mul3A_274 : vector<16xf32> to vector<1x16xf32>
        tpu.vector_store %arg14[%swap3A_275, %swap3A_276], %swap3A_279 {strides = array<i32>} : memref<128x128xf32, #tpu.memory_space<vmem>>, vector<1x16xf32>,
      }
      %scan3A_194 = arith.constant 128 : i32
      "tpu.region"() ({
        %run_scoped3A = tpu.sem_alloc : memref<!tpu.dma_semaphore, #tpu.memory_space<semaphore_mem>>
        %dma_start3A_195 = arith.constant 0 : i32
        %dma_start3A_196 = arith.constant 0 : i32
        %dma_start3A_197 = tpu.memref_slice %arg16[%dma_start3A_195, %dma_start3A_196] : memref<10112x128xf32, #tpu.memory_space<vmem_shared>> -> memref<10112x128xf32, #tpu.memory_space<vmem_shared>>
        tpu.enqueue_indirect_dma source(%arg14 : memref<128x128xf32, #tpu.memory_space<vmem>>) target(%dma_start3A_197 : memref<10112x128xf32, #tpu.memory_space<vmem_shared>>) offsets(%arg11 : memref<128xi32, #tpu.memory_space<vmem>>) semaphore(%run_scoped3A : memref<!tpu.dma_semaphore, #tpu.memory_space<semaphore_mem>>) {add = true}
        %dma_wait3A_198 = arith.constant 0 : i32
        %dma_wait3A_199 = arith.constant 0 : i32
        %dma_wait3A_200 = tpu.memref_slice %arg16[%dma_wait3A_198, %dma_wait3A_199] : memref<10112x128xf32, #tpu.memory_space<vmem_shared>> -> memref<10112x128xf32, #tpu.memory_space<vmem_shared>>
        tpu.wait_indirect_dma semaphore(%run_scoped3A : memref<!tpu.dma_semaphore, #tpu.memory_space<semaphore_mem>>) src(%arg14 : memref<128x128xf32, #tpu.memory_space<vmem>>) dst(%dma_wait3A_200 : memref<10112x128xf32, #tpu.memory_space<vmem_shared>>)
        tpu.yield
      }) : () -> ()
    }
    %scan3A_29 = arith.constant 79 : i32
    %barrier3A_30 = arith.constant 0 : index
    tpu.barrier barrier_id(%barrier3A_30)
    %add3A_31 = arith.constant 0 : i32
    %add3A_32 = arith.addi %mul3A_4, %add3A_31 : i32
    "tpu.region"() ({
      %run_scoped3A = tpu.sem_alloc : memref<!tpu.dma_semaphore, #tpu.memory_space<semaphore_mem>>
      %dma_start3A = arith.constant 0 : i32
      %dma_start3A_51 = arith.constant 0 : i32
      %dma_start3A_52 = tpu.memref_slice %arg15[%dma_start3A, %dma_start3A_51] : memref<128x128xf32, #tpu.memory_space<vmem>> -> memref<128x128xf32, #tpu.memory_space<vmem>>
      %dma_start3A_53 = arith.constant 0 : i32
      %dma_start3A_54 = tpu.memref_slice %arg16[%add3A_32, %dma_start3A_53] : memref<10112x128xf32, #tpu.memory_space<vmem_shared>> -> memref<128x128xf32, #tpu.memory_space<vmem_shared>>
      %dma_start3A_55 = arith.constant 0 : i32
      %dma_start3A_56 = arith.constant 0 : i32
      %dma_start3A_57 = tpu.memref_slice %arg15[%dma_start3A_55, %dma_start3A_56] : memref<128x128xf32, #tpu.memory_space<vmem>> -> memref<128x128xf32, #tpu.memory_space<vmem>>
      %dma_start3A_58 = arith.constant 0 : i32
      %dma_start3A_59 = tpu.memref_slice %arg16[%add3A_32, %dma_start3A_58] : memref<10112x128xf32, #tpu.memory_space<vmem_shared>> -> memref<128x128xf32, #tpu.memory_space<vmem_shared>>
      tpu.enqueue_dma source(%dma_start3A_59 : memref<128x128xf32, #tpu.memory_space<vmem_shared>>) target(%dma_start3A_57 : memref<128x128xf32, #tpu.memory_space<vmem>>) target_semaphore(%run_scoped3A : memref<!tpu.dma_semaphore, #tpu.memory_space<semaphore_mem>>)
      %dma_wait3A = arith.constant 0 : i32
      %dma_wait3A_60 = arith.constant 0 : i32
      %dma_wait3A_61 = tpu.memref_slice %arg15[%dma_wait3A, %dma_wait3A_60] : memref<128x128xf32, #tpu.memory_space<vmem>> -> memref<128x128xf32, #tpu.memory_space<vmem>>
      %dma_wait3A_62 = arith.constant 0 : i32
      %dma_wait3A_63 = tpu.memref_slice %arg16[%add3A_32, %dma_wait3A_62] : memref<10112x128xf32, #tpu.memory_space<vmem_shared>> -> memref<128x128xf32, #tpu.memory_space<vmem_shared>>
      %dma_wait3A_64 = arith.constant 0 : i32
      %dma_wait3A_65 = arith.constant 0 : i32
      %dma_wait3A_66 = tpu.memref_slice %arg15[%dma_wait3A_64, %dma_wait3A_65] : memref<128x128xf32, #tpu.memory_space<vmem>> -> memref<128x128xf32, #tpu.memory_space<vmem>>
      %dma_wait3A_67 = arith.constant 0 : i32
      %dma_wait3A_68 = tpu.memref_slice %arg16[%add3A_32, %dma_wait3A_67] : memref<10112x128xf32, #tpu.memory_space<vmem_shared>> -> memref<128x128xf32, #tpu.memory_space<vmem_shared>>
      tpu.wait_dma2 semaphore(%run_scoped3A : memref<!tpu.dma_semaphore, #tpu.memory_space<semaphore_mem>>) src(%dma_wait3A_68 : memref<128x128xf32, #tpu.memory_space<vmem_shared>>) dst(%dma_wait3A_66 : memref<128x128xf32, #tpu.memory_space<vmem>>)
      tpu.yield
    }) : () -> ()
    %add3A_33 = arith.constant 0 : i32
    %add3A_34 = arith.addi %mul3A_4, %add3A_33 : i32
    "tpu.region"() ({
      %run_scoped3A = tpu.sem_alloc : memref<!tpu.dma_semaphore, #tpu.memory_space<semaphore_mem>>
      %dma_start3A = arith.constant 0 : i32
      %dma_start3A_51 = arith.constant 0 : i32
      %dma_start3A_52 = tpu.memref_slice %arg15[%dma_start3A, %dma_start3A_51] : memref<128x128xf32, #tpu.memory_space<vmem>> -> memref<128x128xf32, #tpu.memory_space<vmem>>
      %dma_start3A_53 = arith.constant 0 : i32
      %dma_start3A_54 = tpu.memref_slice %arg8[%arg0, %add3A_34, %dma_start3A_53] : memref<2x10112x128xf32, #tpu.memory_space<hbm>> -> memref<1x128x128xf32, #tpu.memory_space<hbm>>
      %dma_start3A_55 = tpu.memref_squeeze %dma_start3A_54 : memref<1x128x128xf32, #tpu.memory_space<hbm>> -> memref<128x128xf32, #tpu.memory_space<hbm>>
      %dma_start3A_56 = arith.constant 0 : i32
      %dma_start3A_57 = tpu.memref_slice %arg8[%arg0, %add3A_34, %dma_start3A_56] : memref<2x10112x128xf32, #tpu.memory_space<hbm>> -> memref<1x128x128xf32, #tpu.memory_space<hbm>>
      %dma_start3A_58 = tpu.memref_squeeze %dma_start3A_57 : memref<1x128x128xf32, #tpu.memory_space<hbm>> -> memref<128x128xf32, #tpu.memory_space<hbm>>
      %dma_start3A_59 = arith.constant 0 : i32
      %dma_start3A_60 = arith.constant 0 : i32
      %dma_start3A_61 = tpu.memref_slice %arg15[%dma_start3A_59, %dma_start3A_60] : memref<128x128xf32, #tpu.memory_space<vmem>> -> memref<128x128xf32, #tpu.memory_space<vmem>>
      tpu.enqueue_dma source(%dma_start3A_61 : memref<128x128xf32, #tpu.memory_space<vmem>>) target(%dma_start3A_58 : memref<128x128xf32, #tpu.memory_space<hbm>>) target_semaphore(%run_scoped3A : memref<!tpu.dma_semaphore, #tpu.memory_space<semaphore_mem>>)
      %dma_wait3A = arith.constant 0 : i32
      %dma_wait3A_62 = arith.constant 0 : i32
      %dma_wait3A_63 = tpu.memref_slice %arg15[%dma_wait3A, %dma_wait3A_62] : memref<128x128xf32, #tpu.memory_space<vmem>> -> memref<128x128xf32, #tpu.memory_space<vmem>>
      %dma_wait3A_64 = arith.constant 0 : i32
      %dma_wait3A_65 = tpu.memref_slice %arg8[%arg0, %add3A_34, %dma_wait3A_64] : memref<2x10112x128xf32, #tpu.memory_space<hbm>> -> memref<1x128x128xf32, #tpu.memory_space<hbm>>
      %dma_wait3A_66 = tpu.memref_squeeze %dma_wait3A_65 : memref<1x128x128xf32, #tpu.memory_space<hbm>> -> memref<128x128xf32, #tpu.memory_space<hbm>>
      %dma_wait3A_67 = arith.constant 0 : i32
      %dma_wait3A_68 = tpu.memref_slice %arg8[%arg0, %add3A_34, %dma_wait3A_67] : memref<2x10112x128xf32, #tpu.memory_space<hbm>> -> memref<1x128x128xf32, #tpu.memory_space<hbm>>
      %dma_wait3A_69 = tpu.memref_squeeze %dma_wait3A_68 : memref<1x128x128xf32, #tpu.memory_space<hbm>> -> memref<128x128xf32, #tpu.memory_space<hbm>>
      %dma_wait3A_70 = arith.constant 0 : i32
      %dma_wait3A_71 = arith.constant 0 : i32
      %dma_wait3A_72 = tpu.memref_slice %arg15[%dma_wait3A_70, %dma_wait3A_71] : memref<128x128xf32, #tpu.memory_space<vmem>> -> memref<128x128xf32, #tpu.memory_space<vmem>>
      tpu.wait_dma2 semaphore(%run_scoped3A : memref<!tpu.dma_semaphore, #tpu.memory_space<semaphore_mem>>) src(%dma_wait3A_72 : memref<128x128xf32, #tpu.memory_space<vmem>>) dst(%dma_wait3A_69 : memref<128x128xf32, #tpu.memory_space<hbm>>)
      tpu.yield
    }) : () -> ()
    %add3A_35 = arith.constant 128 : i32
    %add3A_36 = arith.addi %mul3A_4, %add3A_35 : i32
    "tpu.region"() ({
      %run_scoped3A = tpu.sem_alloc : memref<!tpu.dma_semaphore, #tpu.memory_space<semaphore_mem>>
      %dma_start3A = arith.constant 0 : i32
      %dma_start3A_51 = arith.constant 0 : i32
      %dma_start3A_52 = tpu.memref_slice %arg15[%dma_start3A, %dma_start3A_51] : memref<128x128xf32, #tpu.memory_space<vmem>> -> memref<128x128xf32, #tpu.memory_space<vmem>>
      %dma_start3A_53 = arith.constant 0 : i32
      %dma_start3A_54 = tpu.memref_slice %arg16[%add3A_36, %dma_start3A_53] : memref<10112x128xf32, #tpu.memory_space<vmem_shared>> -> memref<128x128xf32, #tpu.memory_space<vmem_shared>>
      %dma_start3A_55 = arith.constant 0 : i32
      %dma_start3A_56 = arith.constant 0 : i32
      %dma_start3A_57 = tpu.memref_slice %arg15[%dma_start3A_55, %dma_start3A_56] : memref<128x128xf32, #tpu.memory_space<vmem>> -> memref<128x128xf32, #tpu.memory_space<vmem>>
      %dma_start3A_58 = arith.constant 0 : i32
      %dma_start3A_59 = tpu.memref_slice %arg16[%add3A_36, %dma_start3A_58] : memref<10112x128xf32, #tpu.memory_space<vmem_shared>> -> memref<128x128xf32, #tpu.memory_space<vmem_shared>>
      tpu.enqueue_dma source(%dma_start3A_59 : memref<128x128xf32, #tpu.memory_space<vmem_shared>>) target(%dma_start3A_57 : memref<128x128xf32, #tpu.memory_space<vmem>>) target_semaphore(%run_scoped3A : memref<!tpu.dma_semaphore, #tpu.memory_space<semaphore_mem>>)
      %dma_wait3A = arith.constant 0 : i32
      %dma_wait3A_60 = arith.constant 0 : i32
      %dma_wait3A_61 = tpu.memref_slice %arg15[%dma_wait3A, %dma_wait3A_60] : memref<128x128xf32, #tpu.memory_space<vmem>> -> memref<128x128xf32, #tpu.memory_space<vmem>>
      %dma_wait3A_62 = arith.constant 0 : i32
      %dma_wait3A_63 = tpu.memref_slice %arg16[%add3A_36, %dma_wait3A_62] : memref<10112x128xf32, #tpu.memory_space<vmem_shared>> -> memref<128x128xf32, #tpu.memory_space<vmem_shared>>
      %dma_wait3A_64 = arith.constant 0 : i32
      %dma_wait3A_65 = arith.constant 0 : i32
      %dma_wait3A_66 = tpu.memref_slice %arg15[%dma_wait3A_64, %dma_wait3A_65] : memref<128x128xf32, #tpu.memory_space<vmem>> -> memref<128x128xf32, #tpu.memory_space<vmem>>
      %dma_wait3A_67 = arith.constant 0 : i32
      %dma_wait3A_68 = tpu.memref_slice %arg16[%add3A_36, %dma_wait3A_67] : memref<10112x128xf32, #tpu.memory_space<vmem_shared>> -> memref<128x128xf32, #tpu.memory_space<vmem_shared>>
      tpu.wait_dma2 semaphore(%run_scoped3A : memref<!tpu.dma_semaphore, #tpu.memory_space<semaphore_mem>>) src(%dma_wait3A_68 : memref<128x128xf32, #tpu.memory_space<vmem_shared>>) dst(%dma_wait3A_66 : memref<128x128xf32, #tpu.memory_space<vmem>>)
      tpu.yield
    }) : () -> ()
    %add3A_37 = arith.constant 128 : i32
    %add3A_38 = arith.addi %mul3A_4, %add3A_37 : i32
    "tpu.region"() ({
      %run_scoped3A = tpu.sem_alloc : memref<!tpu.dma_semaphore, #tpu.memory_space<semaphore_mem>>
      %dma_start3A = arith.constant 0 : i32
      %dma_start3A_51 = arith.constant 0 : i32
      %dma_start3A_52 = tpu.memref_slice %arg15[%dma_start3A, %dma_start3A_51] : memref<128x128xf32, #tpu.memory_space<vmem>> -> memref<128x128xf32, #tpu.memory_space<vmem>>
      %dma_start3A_53 = arith.constant 0 : i32
      %dma_start3A_54 = tpu.memref_slice %arg8[%arg0, %add3A_38, %dma_start3A_53] : memref<2x10112x128xf32, #tpu.memory_space<hbm>> -> memref<1x128x128xf32, #tpu.memory_space<hbm>>
      %dma_start3A_55 = tpu.memref_squeeze %dma_start3A_54 : memref<1x128x128xf32, #tpu.memory_space<hbm>> -> memref<128x128xf32, #tpu.memory_space<hbm>>
      %dma_start3A_56 = arith.constant 0 : i32
      %dma_start3A_57 = tpu.memref_slice %arg8[%arg0, %add3A_38, %dma_start3A_56] : memref<2x10112x128xf32, #tpu.memory_space<hbm>> -> memref<1x128x128xf32, #tpu.memory_space<hbm>>
      %dma_start3A_58 = tpu.memref_squeeze %dma_start3A_57 : memref<1x128x128xf32, #tpu.memory_space<hbm>> -> memref<128x128xf32, #tpu.memory_space<hbm>>
      %dma_start3A_59 = arith.constant 0 : i32
      %dma_start3A_60 = arith.constant 0 : i32
      %dma_start3A_61 = tpu.memref_slice %arg15[%dma_start3A_59, %dma_start3A_60] : memref<128x128xf32, #tpu.memory_space<vmem>> -> memref<128x128xf32, #tpu.memory_space<vmem>>
      tpu.enqueue_dma source(%dma_start3A_61 : memref<128x128xf32, #tpu.memory_space<vmem>>) target(%dma_start3A_58 : memref<128x128xf32, #tpu.memory_space<hbm>>) target_semaphore(%run_scoped3A : memref<!tpu.dma_semaphore, #tpu.memory_space<semaphore_mem>>)
      %dma_wait3A = arith.constant 0 : i32
      %dma_wait3A_62 = arith.constant 0 : i32
      %dma_wait3A_63 = tpu.memref_slice %arg15[%dma_wait3A, %dma_wait3A_62] : memref<128x128xf32, #tpu.memory_space<vmem>> -> memref<128x128xf32, #tpu.memory_space<vmem>>
      %dma_wait3A_64 = arith.constant 0 : i32
      %dma_wait3A_65 = tpu.memref_slice %arg8[%arg0, %add3A_38, %dma_wait3A_64] : memref<2x10112x128xf32, #tpu.memory_space<hbm>> -> memref<1x128x128xf32, #tpu.memory_space<hbm>>
      %dma_wait3A_66 = tpu.memref_squeeze %dma_wait3A_65 : memref<1x128x128xf32, #tpu.memory_space<hbm>> -> memref<128x128xf32, #tpu.memory_space<hbm>>
      %dma_wait3A_67 = arith.constant 0 : i32
      %dma_wait3A_68 = tpu.memref_slice %arg8[%arg0, %add3A_38, %dma_wait3A_67] : memref<2x10112x128xf32, #tpu.memory_space<hbm>> -> memref<1x128x128xf32, #tpu.memory_space<hbm>>
      %dma_wait3A_69 = tpu.memref_squeeze %dma_wait3A_68 : memref<1x128x128xf32, #tpu.memory_space<hbm>> -> memref<128x128xf32, #tpu.memory_space<hbm>>
      %dma_wait3A_70 = arith.constant 0 : i32
      %dma_wait3A_71 = arith.constant 0 : i32
      %dma_wait3A_72 = tpu.memref_slice %arg15[%dma_wait3A_70, %dma_wait3A_71] : memref<128x128xf32, #tpu.memory_space<vmem>> -> memref<128x128xf32, #tpu.memory_space<vmem>>
      tpu.wait_dma2 semaphore(%run_scoped3A : memref<!tpu.dma_semaphore, #tpu.memory_space<semaphore_mem>>) src(%dma_wait3A_72 : memref<128x128xf32, #tpu.memory_space<vmem>>) dst(%dma_wait3A_69 : memref<128x128xf32, #tpu.memory_space<hbm>>)
      tpu.yield
    }) : () -> ()
    %add3A_39 = arith.constant 256 : i32
    %add3A_40 = arith.addi %mul3A_4, %add3A_39 : i32
    "tpu.region"() ({
      %run_scoped3A = tpu.sem_alloc : memref<!tpu.dma_semaphore, #tpu.memory_space<semaphore_mem>>
      %dma_start3A = arith.constant 0 : i32
      %dma_start3A_51 = arith.constant 0 : i32
      %dma_start3A_52 = tpu.memref_slice %arg15[%dma_start3A, %dma_start3A_51] : memref<128x128xf32, #tpu.memory_space<vmem>> -> memref<128x128xf32, #tpu.memory_space<vmem>>
      %dma_start3A_53 = arith.constant 0 : i32
      %dma_start3A_54 = tpu.memref_slice %arg16[%add3A_40, %dma_start3A_53] : memref<10112x128xf32, #tpu.memory_space<vmem_shared>> -> memref<128x128xf32, #tpu.memory_space<vmem_shared>>
      %dma_start3A_55 = arith.constant 0 : i32
      %dma_start3A_56 = arith.constant 0 : i32
      %dma_start3A_57 = tpu.memref_slice %arg15[%dma_start3A_55, %dma_start3A_56] : memref<128x128xf32, #tpu.memory_space<vmem>> -> memref<128x128xf32, #tpu.memory_space<vmem>>
      %dma_start3A_58 = arith.constant 0 : i32
      %dma_start3A_59 = tpu.memref_slice %arg16[%add3A_40, %dma_start3A_58] : memref<10112x128xf32, #tpu.memory_space<vmem_shared>> -> memref<128x128xf32, #tpu.memory_space<vmem_shared>>
      tpu.enqueue_dma source(%dma_start3A_59 : memref<128x128xf32, #tpu.memory_space<vmem_shared>>) target(%dma_start3A_57 : memref<128x128xf32, #tpu.memory_space<vmem>>) target_semaphore(%run_scoped3A : memref<!tpu.dma_semaphore, #tpu.memory_space<semaphore_mem>>)
      %dma_wait3A = arith.constant 0 : i32
      %dma_wait3A_60 = arith.constant 0 : i32
      %dma_wait3A_61 = tpu.memref_slice %arg15[%dma_wait3A, %dma_wait3A_60] : memref<128x128xf32, #tpu.memory_space<vmem>> -> memref<128x128xf32, #tpu.memory_space<vmem>>
      %dma_wait3A_62 = arith.constant 0 : i32
      %dma_wait3A_63 = tpu.memref_slice %arg16[%add3A_40, %dma_wait3A_62] : memref<10112x128xf32, #tpu.memory_space<vmem_shared>> -> memref<128x128xf32, #tpu.memory_space<vmem_shared>>
      %dma_wait3A_64 = arith.constant 0 : i32
      %dma_wait3A_65 = arith.constant 0 : i32
      %dma_wait3A_66 = tpu.memref_slice %arg15[%dma_wait3A_64, %dma_wait3A_65] : memref<128x128xf32, #tpu.memory_space<vmem>> -> memref<128x128xf32, #tpu.memory_space<vmem>>
      %dma_wait3A_67 = arith.constant 0 : i32
      %dma_wait3A_68 = tpu.memref_slice %arg16[%add3A_40, %dma_wait3A_67] : memref<10112x128xf32, #tpu.memory_space<vmem_shared>> -> memref<128x128xf32, #tpu.memory_space<vmem_shared>>
      tpu.wait_dma2 semaphore(%run_scoped3A : memref<!tpu.dma_semaphore, #tpu.memory_space<semaphore_mem>>) src(%dma_wait3A_68 : memref<128x128xf32, #tpu.memory_space<vmem_shared>>) dst(%dma_wait3A_66 : memref<128x128xf32, #tpu.memory_space<vmem>>)
      tpu.yield
    }) : () -> ()
    %add3A_41 = arith.constant 256 : i32
    %add3A_42 = arith.addi %mul3A_4, %add3A_41 : i32
    "tpu.region"() ({
      %run_scoped3A = tpu.sem_alloc : memref<!tpu.dma_semaphore, #tpu.memory_space<semaphore_mem>>
      %dma_start3A = arith.constant 0 : i32
      %dma_start3A_51 = arith.constant 0 : i32
      %dma_start3A_52 = tpu.memref_slice %arg15[%dma_start3A, %dma_start3A_51] : memref<128x128xf32, #tpu.memory_space<vmem>> -> memref<128x128xf32, #tpu.memory_space<vmem>>
      %dma_start3A_53 = arith.constant 0 : i32
      %dma_start3A_54 = tpu.memref_slice %arg8[%arg0, %add3A_42, %dma_start3A_53] : memref<2x10112x128xf32, #tpu.memory_space<hbm>> -> memref<1x128x128xf32, #tpu.memory_space<hbm>>
      %dma_start3A_55 = tpu.memref_squeeze %dma_start3A_54 : memref<1x128x128xf32, #tpu.memory_space<hbm>> -> memref<128x128xf32, #tpu.memory_space<hbm>>
      %dma_start3A_56 = arith.constant 0 : i32
      %dma_start3A_57 = tpu.memref_slice %arg8[%arg0, %add3A_42, %dma_start3A_56] : memref<2x10112x128xf32, #tpu.memory_space<hbm>> -> memref<1x128x128xf32, #tpu.memory_space<hbm>>
      %dma_start3A_58 = tpu.memref_squeeze %dma_start3A_57 : memref<1x128x128xf32, #tpu.memory_space<hbm>> -> memref<128x128xf32, #tpu.memory_space<hbm>>
      %dma_start3A_59 = arith.constant 0 : i32
      %dma_start3A_60 = arith.constant 0 : i32
      %dma_start3A_61 = tpu.memref_slice %arg15[%dma_start3A_59, %dma_start3A_60] : memref<128x128xf32, #tpu.memory_space<vmem>> -> memref<128x128xf32, #tpu.memory_space<vmem>>
      tpu.enqueue_dma source(%dma_start3A_61 : memref<128x128xf32, #tpu.memory_space<vmem>>) target(%dma_start3A_58 : memref<128x128xf32, #tpu.memory_space<hbm>>) target_semaphore(%run_scoped3A : memref<!tpu.dma_semaphore, #tpu.memory_space<semaphore_mem>>)
      %dma_wait3A = arith.constant 0 : i32
      %dma_wait3A_62 = arith.constant 0 : i32
      %dma_wait3A_63 = tpu.memref_slice %arg15[%dma_wait3A, %dma_wait3A_62] : memref<128x128xf32, #tpu.memory_space<vmem>> -> memref<128x128xf32, #tpu.memory_space<vmem>>
      %dma_wait3A_64 = arith.constant 0 : i32
      %dma_wait3A_65 = tpu.memref_slice %arg8[%arg0, %add3A_42, %dma_wait3A_64] : memref<2x10112x128xf32, #tpu.memory_space<hbm>> -> memref<1x128x128xf32, #tpu.memory_space<hbm>>
      %dma_wait3A_66 = tpu.memref_squeeze %dma_wait3A_65 : memref<1x128x128xf32, #tpu.memory_space<hbm>> -> memref<128x128xf32, #tpu.memory_space<hbm>>
      %dma_wait3A_67 = arith.constant 0 : i32
      %dma_wait3A_68 = tpu.memref_slice %arg8[%arg0, %add3A_42, %dma_wait3A_67] : memref<2x10112x128xf32, #tpu.memory_space<hbm>> -> memref<1x128x128xf32, #tpu.memory_space<hbm>>
      %dma_wait3A_69 = tpu.memref_squeeze %dma_wait3A_68 : memref<1x128x128xf32, #tpu.memory_space<hbm>> -> memref<128x128xf32, #tpu.memory_space<hbm>>
      %dma_wait3A_70 = arith.constant 0 : i32
      %dma_wait3A_71 = arith.constant 0 : i32
      %dma_wait3A_72 = tpu.memref_slice %arg15[%dma_wait3A_70, %dma_wait3A_71] : memref<128x128xf32, #tpu.memory_space<vmem>> -> memref<128x128xf32, #tpu.memory_space<vmem>>
      tpu.wait_dma2 semaphore(%run_scoped3A : memref<!tpu.dma_semaphore, #tpu.memory_space<semaphore_mem>>) src(%dma_wait3A_72 : memref<128x128xf32, #tpu.memory_space<vmem>>) dst(%dma_wait3A_69 : memref<128x128xf32, #tpu.memory_space<hbm>>)
      tpu.yield
    }) : () -> ()
    %add3A_43 = arith.constant 384 : i32
    %add3A_44 = arith.addi %mul3A_4, %add3A_43 : i32
    "tpu.region"() ({
      %run_scoped3A = tpu.sem_alloc : memref<!tpu.dma_semaphore, #tpu.memory_space<semaphore_mem>>
      %dma_start3A = arith.constant 0 : i32
      %dma_start3A_51 = arith.constant 0 : i32
      %dma_start3A_52 = tpu.memref_slice %arg15[%dma_start3A, %dma_start3A_51] : memref<128x128xf32, #tpu.memory_space<vmem>> -> memref<128x128xf32, #tpu.memory_space<vmem>>
      %dma_start3A_53 = arith.constant 0 : i32
      %dma_start3A_54 = tpu.memref_slice %arg16[%add3A_44, %dma_start3A_53] : memref<10112x128xf32, #tpu.memory_space<vmem_shared>> -> memref<128x128xf32, #tpu.memory_space<vmem_shared>>
      %dma_start3A_55 = arith.constant 0 : i32
      %dma_start3A_56 = arith.constant 0 : i32
      %dma_start3A_57 = tpu.memref_slice %arg15[%dma_start3A_55, %dma_start3A_56] : memref<128x128xf32, #tpu.memory_space<vmem>> -> memref<128x128xf32, #tpu.memory_space<vmem>>
      %dma_start3A_58 = arith.constant 0 : i32
      %dma_start3A_59 = tpu.memref_slice %arg16[%add3A_44, %dma_start3A_58] : memref<10112x128xf32, #tpu.memory_space<vmem_shared>> -> memref<128x128xf32, #tpu.memory_space<vmem_shared>>
      tpu.enqueue_dma source(%dma_start3A_59 : memref<128x128xf32, #tpu.memory_space<vmem_shared>>) target(%dma_start3A_57 : memref<128x128xf32, #tpu.memory_space<vmem>>) target_semaphore(%run_scoped3A : memref<!tpu.dma_semaphore, #tpu.memory_space<semaphore_mem>>)
      %dma_wait3A = arith.constant 0 : i32
      %dma_wait3A_60 = arith.constant 0 : i32
      %dma_wait3A_61 = tpu.memref_slice %arg15[%dma_wait3A, %dma_wait3A_60] : memref<128x128xf32, #tpu.memory_space<vmem>> -> memref<128x128xf32, #tpu.memory_space<vmem>>
      %dma_wait3A_62 = arith.constant 0 : i32
      %dma_wait3A_63 = tpu.memref_slice %arg16[%add3A_44, %dma_wait3A_62] : memref<10112x128xf32, #tpu.memory_space<vmem_shared>> -> memref<128x128xf32, #tpu.memory_space<vmem_shared>>
      %dma_wait3A_64 = arith.constant 0 : i32
      %dma_wait3A_65 = arith.constant 0 : i32
      %dma_wait3A_66 = tpu.memref_slice %arg15[%dma_wait3A_64, %dma_wait3A_65] : memref<128x128xf32, #tpu.memory_space<vmem>> -> memref<128x128xf32, #tpu.memory_space<vmem>>
      %dma_wait3A_67 = arith.constant 0 : i32
      %dma_wait3A_68 = tpu.memref_slice %arg16[%add3A_44, %dma_wait3A_67] : memref<10112x128xf32, #tpu.memory_space<vmem_shared>> -> memref<128x128xf32, #tpu.memory_space<vmem_shared>>
      tpu.wait_dma2 semaphore(%run_scoped3A : memref<!tpu.dma_semaphore, #tpu.memory_space<semaphore_mem>>) src(%dma_wait3A_68 : memref<128x128xf32, #tpu.memory_space<vmem_shared>>) dst(%dma_wait3A_66 : memref<128x128xf32, #tpu.memory_space<vmem>>)
      tpu.yield
    }) : () -> ()
    %add3A_45 = arith.constant 384 : i32
    %add3A_46 = arith.addi %mul3A_4, %add3A_45 : i32
    "tpu.region"() ({
      %run_scoped3A = tpu.sem_alloc : memref<!tpu.dma_semaphore, #tpu.memory_space<semaphore_mem>>
      %dma_start3A = arith.constant 0 : i32
      %dma_start3A_51 = arith.constant 0 : i32
      %dma_start3A_52 = tpu.memref_slice %arg15[%dma_start3A, %dma_start3A_51] : memref<128x128xf32, #tpu.memory_space<vmem>> -> memref<128x128xf32, #tpu.memory_space<vmem>>
      %dma_start3A_53 = arith.constant 0 : i32
      %dma_start3A_54 = tpu.memref_slice %arg8[%arg0, %add3A_46, %dma_start3A_53] : memref<2x10112x128xf32, #tpu.memory_space<hbm>> -> memref<1x128x128xf32, #tpu.memory_space<hbm>>
      %dma_start3A_55 = tpu.memref_squeeze %dma_start3A_54 : memref<1x128x128xf32, #tpu.memory_space<hbm>> -> memref<128x128xf32, #tpu.memory_space<hbm>>
      %dma_start3A_56 = arith.constant 0 : i32
      %dma_start3A_57 = tpu.memref_slice %arg8[%arg0, %add3A_46, %dma_start3A_56] : memref<2x10112x128xf32, #tpu.memory_space<hbm>> -> memref<1x128x128xf32, #tpu.memory_space<hbm>>
      %dma_start3A_58 = tpu.memref_squeeze %dma_start3A_57 : memref<1x128x128xf32, #tpu.memory_space<hbm>> -> memref<128x128xf32, #tpu.memory_space<hbm>>
      %dma_start3A_59 = arith.constant 0 : i32
      %dma_start3A_60 = arith.constant 0 : i32
      %dma_start3A_61 = tpu.memref_slice %arg15[%dma_start3A_59, %dma_start3A_60] : memref<128x128xf32, #tpu.memory_space<vmem>> -> memref<128x128xf32, #tpu.memory_space<vmem>>
      tpu.enqueue_dma source(%dma_start3A_61 : memref<128x128xf32, #tpu.memory_space<vmem>>) target(%dma_start3A_58 : memref<128x128xf32, #tpu.memory_space<hbm>>) target_semaphore(%run_scoped3A : memref<!tpu.dma_semaphore, #tpu.memory_space<semaphore_mem>>)
      %dma_wait3A = arith.constant 0 : i32
      %dma_wait3A_62 = arith.constant 0 : i32
      %dma_wait3A_63 = tpu.memref_slice %arg15[%dma_wait3A, %dma_wait3A_62] : memref<128x128xf32, #tpu.memory_space<vmem>> -> memref<128x128xf32, #tpu.memory_space<vmem>>
      %dma_wait3A_64 = arith.constant 0 : i32
      %dma_wait3A_65 = tpu.memref_slice %arg8[%arg0, %add3A_46, %dma_wait3A_64] : memref<2x10112x128xf32, #tpu.memory_space<hbm>> -> memref<1x128x128xf32, #tpu.memory_space<hbm>>
      %dma_wait3A_66 = tpu.memref_squeeze %dma_wait3A_65 : memref<1x128x128xf32, #tpu.memory_space<hbm>> -> memref<128x128xf32, #tpu.memory_space<hbm>>
      %dma_wait3A_67 = arith.constant 0 : i32
      %dma_wait3A_68 = tpu.memref_slice %arg8[%arg0, %add3A_46, %dma_wait3A_67] : memref<2x10112x128xf32, #tpu.memory_space<hbm>> -> memref<1x128x128xf32, #tpu.memory_space<hbm>>
      %dma_wait3A_69 = tpu.memref_squeeze %dma_wait3A_68 : memref<1x128x128xf32, #tpu.memory_space<hbm>> -> memref<128x128xf32, #tpu.memory_space<hbm>>
      %dma_wait3A_70 = arith.constant 0 : i32
      %dma_wait3A_71 = arith.constant 0 : i32
      %dma_wait3A_72 = tpu.memref_slice %arg15[%dma_wait3A_70, %dma_wait3A_71] : memref<128x128xf32, #tpu.memory_space<vmem>> -> memref<128x128xf32, #tpu.memory_space<vmem>>
      tpu.wait_dma2 semaphore(%run_scoped3A : memref<!tpu.dma_semaphore, #tpu.memory_space<semaphore_mem>>) src(%dma_wait3A_72 : memref<128x128xf32, #tpu.memory_space<vmem>>) dst(%dma_wait3A_69 : memref<128x128xf32, #tpu.memory_space<hbm>>)
      tpu.yield
    }) : () -> ()
    %add3A_47 = arith.constant 512 : i32
    %add3A_48 = arith.addi %mul3A_4, %add3A_47 : i32
    "tpu.region"() ({
      %run_scoped3A = tpu.sem_alloc : memref<!tpu.dma_semaphore, #tpu.memory_space<semaphore_mem>>
      %dma_start3A = arith.constant 0 : i32
      %dma_start3A_51 = arith.constant 0 : i32
      %dma_start3A_52 = tpu.memref_slice %arg15[%dma_start3A, %dma_start3A_51] : memref<128x128xf32, #tpu.memory_space<vmem>> -> memref<120x128xf32, #tpu.memory_space<vmem>>
      %dma_start3A_53 = arith.constant 0 : i32
      %dma_start3A_54 = tpu.memref_slice %arg16[%add3A_48, %dma_start3A_53] : memref<10112x128xf32, #tpu.memory_space<vmem_shared>> -> memref<120x128xf32, #tpu.memory_space<vmem_shared>>
      %dma_start3A_55 = arith.constant 0 : i32
      %dma_start3A_56 = arith.constant 0 : i32
      %dma_start3A_57 = tpu.memref_slice %arg15[%dma_start3A_55, %dma_start3A_56] : memref<128x128xf32, #tpu.memory_space<vmem>> -> memref<120x128xf32, #tpu.memory_space<vmem>>
      %dma_start3A_58 = arith.constant 0 : i32
      %dma_start3A_59 = tpu.memref_slice %arg16[%add3A_48, %dma_start3A_58] : memref<10112x128xf32, #tpu.memory_space<vmem_shared>> -> memref<120x128xf32, #tpu.memory_space<vmem_shared>>
      tpu.enqueue_dma source(%dma_start3A_59 : memref<120x128xf32, #tpu.memory_space<vmem_shared>>) target(%dma_start3A_57 : memref<120x128xf32, #tpu.memory_space<vmem>>) target_semaphore(%run_scoped3A : memref<!tpu.dma_semaphore, #tpu.memory_space<semaphore_mem>>)
      %dma_wait3A = arith.constant 0 : i32
      %dma_wait3A_60 = arith.constant 0 : i32
      %dma_wait3A_61 = tpu.memref_slice %arg15[%dma_wait3A, %dma_wait3A_60] : memref<128x128xf32, #tpu.memory_space<vmem>> -> memref<120x128xf32, #tpu.memory_space<vmem>>
      %dma_wait3A_62 = arith.constant 0 : i32
      %dma_wait3A_63 = tpu.memref_slice %arg16[%add3A_48, %dma_wait3A_62] : memref<10112x128xf32, #tpu.memory_space<vmem_shared>> -> memref<120x128xf32, #tpu.memory_space<vmem_shared>>
      %dma_wait3A_64 = arith.constant 0 : i32
      %dma_wait3A_65 = arith.constant 0 : i32
      %dma_wait3A_66 = tpu.memref_slice %arg15[%dma_wait3A_64, %dma_wait3A_65] : memref<128x128xf32, #tpu.memory_space<vmem>> -> memref<120x128xf32, #tpu.memory_space<vmem>>
      %dma_wait3A_67 = arith.constant 0 : i32
      %dma_wait3A_68 = tpu.memref_slice %arg16[%add3A_48, %dma_wait3A_67] : memref<10112x128xf32, #tpu.memory_space<vmem_shared>> -> memref<120x128xf32, #tpu.memory_space<vmem_shared>>
      tpu.wait_dma2 semaphore(%run_scoped3A : memref<!tpu.dma_semaphore, #tpu.memory_space<semaphore_mem>>) src(%dma_wait3A_68 : memref<120x128xf32, #tpu.memory_space<vmem_shared>>) dst(%dma_wait3A_66 : memref<120x128xf32, #tpu.memory_space<vmem>>)
      tpu.yield
    }) : () -> ()
    %add3A_49 = arith.constant 512 : i32
    %add3A_50 = arith.addi %mul3A_4, %add3A_49 : i32
    "tpu.region"() ({
      %run_scoped3A = tpu.sem_alloc : memref<!tpu.dma_semaphore, #tpu.memory_space<semaphore_mem>>
      %dma_start3A = arith.constant 0 : i32
      %dma_start3A_51 = arith.constant 0 : i32
      %dma_start3A_52 = tpu.memref_slice %arg15[%dma_start3A, %dma_start3A_51] : memref<128x128xf32, #tpu.memory_space<vmem>> -> memref<120x128xf32, #tpu.memory_space<vmem>>
      %dma_start3A_53 = arith.constant 0 : i32
      %dma_start3A_54 = tpu.memref_slice %arg8[%arg0, %add3A_50, %dma_start3A_53] : memref<2x10112x128xf32, #tpu.memory_space<hbm>> -> memref<1x120x128xf32, #tpu.memory_space<hbm>>
      %dma_start3A_55 = tpu.memref_squeeze %dma_start3A_54 : memref<1x120x128xf32, #tpu.memory_space<hbm>> -> memref<120x128xf32, #tpu.memory_space<hbm>>
      %dma_start3A_56 = arith.constant 0 : i32
      %dma_start3A_57 = tpu.memref_slice %arg8[%arg0, %add3A_50, %dma_start3A_56] : memref<2x10112x128xf32, #tpu.memory_space<hbm>> -> memref<1x120x128xf32, #tpu.memory_space<hbm>>
      %dma_start3A_58 = tpu.memref_squeeze %dma_start3A_57 : memref<1x120x128xf32, #tpu.memory_space<hbm>> -> memref<120x128xf32, #tpu.memory_space<hbm>>
      %dma_start3A_59 = arith.constant 0 : i32
      %dma_start3A_60 = arith.constant 0 : i32
      %dma_start3A_61 = tpu.memref_slice %arg15[%dma_start3A_59, %dma_start3A_60] : memref<128x128xf32, #tpu.memory_space<vmem>> -> memref<120x128xf32, #tpu.memory_space<vmem>>
      tpu.enqueue_dma source(%dma_start3A_61 : memref<120x128xf32, #tpu.memory_space<vmem>>) target(%dma_start3A_58 : memref<120x128xf32, #tpu.memory_space<hbm>>) target_semaphore(%run_scoped3A : memref<!tpu.dma_semaphore, #tpu.memory_space<semaphore_mem>>)
      %dma_wait3A = arith.constant 0 : i32
      %dma_wait3A_62 = arith.constant 0 : i32
      %dma_wait3A_63 = tpu.memref_slice %arg15[%dma_wait3A, %dma_wait3A_62] : memref<128x128xf32, #tpu.memory_space<vmem>> -> memref<120x128xf32, #tpu.memory_space<vmem>>
      %dma_wait3A_64 = arith.constant 0 : i32
      %dma_wait3A_65 = tpu.memref_slice %arg8[%arg0, %add3A_50, %dma_wait3A_64] : memref<2x10112x128xf32, #tpu.memory_space<hbm>> -> memref<1x120x128xf32, #tpu.memory_space<hbm>>
      %dma_wait3A_66 = tpu.memref_squeeze %dma_wait3A_65 : memref<1x120x128xf32, #tpu.memory_space<hbm>> -> memref<120x128xf32, #tpu.memory_space<hbm>>
      %dma_wait3A_67 = arith.constant 0 : i32
      %dma_wait3A_68 = tpu.memref_slice %arg8[%arg0, %add3A_50, %dma_wait3A_67] : memref<2x10112x128xf32, #tpu.memory_space<hbm>> -> memref<1x120x128xf32, #tpu.memory_space<hbm>>
      %dma_wait3A_69 = tpu.memref_squeeze %dma_wait3A_68 : memref<1x120x128xf32, #tpu.memory_space<hbm>> -> memref<120x128xf32, #tpu.memory_space<hbm>>
      %dma_wait3A_70 = arith.constant 0 : i32
      %dma_wait3A_71 = arith.constant 0 : i32
      %dma_wait3A_72 = tpu.memref_slice %arg15[%dma_wait3A_70, %dma_wait3A_71] : memref<128x128xf32, #tpu.memory_space<vmem>> -> memref<120x128xf32, #tpu.memory_space<vmem>>
      tpu.wait_dma2 semaphore(%run_scoped3A : memref<!tpu.dma_semaphore, #tpu.memory_space<semaphore_mem>>) src(%dma_wait3A_72 : memref<120x128xf32, #tpu.memory_space<vmem>>) dst(%dma_wait3A_69 : memref<120x128xf32, #tpu.memory_space<hbm>>)
      tpu.yield
    }) : () -> ()
    return
  }
}

#map = affine_map<(d0, d1) -> (0, 0)>
#map1 = affine_map<(d0, d1) -> (0)>
#map2 = affine_map<(d0, d1) -> (0, 0, 0)>
module attributes {stable_mosaic.version = 14 : i64} {
  func.func @edge_agg(%arg0: i32, %arg1: i32, %arg2: memref<80000x128xf32, #tpu.memory_space<hbm>>, %arg3: memref<323584xi32, #tpu.memory_space<hbm>>, %arg4: memref<323584xi32, #tpu.memory_space<hbm>>, %arg5: memref<323584xi32, #tpu.memory_space<hbm>>, %arg6: memref<323584x16xf32, #tpu.memory_space<hbm>>, %arg7: memref<10112x128xf32, #tpu.memory_space<hbm>>, %arg8: memref<2x10112x128xf32, #tpu.memory_space<hbm>>, %arg9: memref<128xi32, #tpu.memory_space<vmem>>, %arg10: memref<128xi32, #tpu.memory_space<vmem>>, %arg11: memref<128xi32, #tpu.memory_space<vmem>>, %arg12: memref<128x16xf32, #tpu.memory_space<vmem>>, %arg13: memref<128xi32, #tpu.memory_space<vmem>>, %arg14: memref<128x128xf32, #tpu.memory_space<vmem>>, %arg15: memref<128x128xf32, #tpu.memory_space<vmem>>, %arg16: memref<10112x128xf32, #tpu.memory_space<vmem_shared>>, %arg17: memref<!tpu.dma_semaphore, #tpu.memory_space<semaphore_mem>>) attributes {dimension_semantics = [#tpu.dimension_semantics<core_parallel>, #tpu.dimension_semantics<subcore_parallel>], iteration_bounds = array<i64: 2, 16>, scalar_prefetch = 0 : i64, scratch_operands = 9 : i64, tpu.core_type = #tpu.core_type<sc_vector_subcore>, window_params = [{transform_indices = #map}, {transform_indices = #map1}, {transform_indices = #map1}, {transform_indices = #map1}, {transform_indices = #map}, {transform_indices = #map}, {transform_indices = #map2}]} {
    %mul3A = arith.constant 16 : i32
    %mul3A_0 = arith.muli %arg0, %mul3A : i32
    %add3A = arith.addi %mul3A_0, %arg1 : i32
    %mul3A_1 = arith.constant 10112 : i32
    %mul3A_2 = arith.muli %add3A, %mul3A_1 : i32
    %mul3A_3 = arith.constant 632 : i32
    %mul3A_4 = arith.muli %arg1, %mul3A_3 : i32
    %add3A_5 = arith.constant 0 : i32
    %add3A_6 = arith.addi %mul3A_4, %add3A_5 : i32
    "tpu.region"() ({
      %run_scoped3A = tpu.sem_alloc : memref<!tpu.dma_semaphore, #tpu.memory_space<semaphore_mem>>
      %dma_start3A = arith.constant 0 : i32
      %dma_start3A_51 = arith.constant 0 : i32
      %dma_start3A_52 = tpu.memref_slice %arg15[%dma_start3A, %dma_start3A_51] : memref<128x128xf32, #tpu.memory_space<vmem>> -> memref<128x128xf32, #tpu.memory_space<vmem>>
      %dma_start3A_53 = arith.constant 0 : i32
      %dma_start3A_54 = tpu.memref_slice %arg7[%add3A_6, %dma_start3A_53] : memref<10112x128xf32, #tpu.memory_space<hbm>> -> memref<128x128xf32, #tpu.memory_space<hbm>>
      %dma_start3A_55 = arith.constant 0 : i32
      %dma_start3A_56 = arith.constant 0 : i32
      %dma_start3A_57 = tpu.memref_slice %arg15[%dma_start3A_55, %dma_start3A_56] : memref<128x128xf32, #tpu.memory_space<vmem>> -> memref<128x128xf32, #tpu.memory_space<vmem>>
      %dma_start3A_58 = arith.constant 0 : i32
      %dma_start3A_59 = tpu.memref_slice %arg7[%add3A_6, %dma_start3A_58] : memref<10112x128xf32, #tpu.memory_space<hbm>> -> memref<128x128xf32, #tpu.memory_space<hbm>>
      tpu.enqueue_dma source(%dma_start3A_59 : memref<128x128xf32, #tpu.memory_space<hbm>>) target(%dma_start3A_57 : memref<128x128xf32, #tpu.memory_space<vmem>>) target_semaphore(%run_scoped3A : memref<!tpu.dma_semaphore, #tpu.memory_space<semaphore_mem>>)
      %dma_wait3A = arith.constant 0 : i32
      %dma_wait3A_60 = arith.constant 0 : i32
      %dma_wait3A_61 = tpu.memref_slice %arg15[%dma_wait3A, %dma_wait3A_60] : memref<128x128xf32, #tpu.memory_space<vmem>> -> memref<128x128xf32, #tpu.memory_space<vmem>>
      %dma_wait3A_62 = arith.constant 0 : i32
      %dma_wait3A_63 = tpu.memref_slice %arg7[%add3A_6, %dma_wait3A_62] : memref<10112x128xf32, #tpu.memory_space<hbm>> -> memref<128x128xf32, #tpu.memory_space<hbm>>
      %dma_wait3A_64 = arith.constant 0 : i32
      %dma_wait3A_65 = arith.constant 0 : i32
      %dma_wait3A_66 = tpu.memref_slice %arg15[%dma_wait3A_64, %dma_wait3A_65] : memref<128x128xf32, #tpu.memory_space<vmem>> -> memref<128x128xf32, #tpu.memory_space<vmem>>
      %dma_wait3A_67 = arith.constant 0 : i32
      %dma_wait3A_68 = tpu.memref_slice %arg7[%add3A_6, %dma_wait3A_67] : memref<10112x128xf32, #tpu.memory_space<hbm>> -> memref<128x128xf32, #tpu.memory_space<hbm>>
      tpu.wait_dma2 semaphore(%run_scoped3A : memref<!tpu.dma_semaphore, #tpu.memory_space<semaphore_mem>>) src(%dma_wait3A_68 : memref<128x128xf32, #tpu.memory_space<hbm>>) dst(%dma_wait3A_66 : memref<128x128xf32, #tpu.memory_space<vmem>>)
      tpu.yield
    }) : () -> ()
    %add3A_7 = arith.constant 0 : i32
    %add3A_8 = arith.addi %mul3A_4, %add3A_7 : i32
    "tpu.region"() ({
      %run_scoped3A = tpu.sem_alloc : memref<!tpu.dma_semaphore, #tpu.memory_space<semaphore_mem>>
      %dma_start3A = arith.constant 0 : i32
      %dma_start3A_51 = arith.constant 0 : i32
      %dma_start3A_52 = tpu.memref_slice %arg15[%dma_start3A, %dma_start3A_51] : memref<128x128xf32, #tpu.memory_space<vmem>> -> memref<128x128xf32, #tpu.memory_space<vmem>>
      %dma_start3A_53 = arith.constant 0 : i32
      %dma_start3A_54 = tpu.memref_slice %arg16[%add3A_8, %dma_start3A_53] : memref<10112x128xf32, #tpu.memory_space<vmem_shared>> -> memref<128x128xf32, #tpu.memory_space<vmem_shared>>
      %dma_start3A_55 = arith.constant 0 : i32
      %dma_start3A_56 = tpu.memref_slice %arg16[%add3A_8, %dma_start3A_55] : memref<10112x128xf32, #tpu.memory_space<vmem_shared>> -> memref<128x128xf32, #tpu.memory_space<vmem_shared>>
      %dma_start3A_57 = arith.constant 0 : i32
      %dma_start3A_58 = arith.constant 0 : i32
      %dma_start3A_59 = tpu.memref_slice %arg15[%dma_start3A_57, %dma_start3A_58] : memref<128x128xf32, #tpu.memory_space<vmem>> -> memref<128x128xf32, #tpu.memory_space<vmem>>
      tpu.enqueue_dma source(%dma_start3A_59 : memref<128x128xf32, #tpu.memory_space<vmem>>) target(%dma_start3A_56 : memref<128x128xf32, #tpu.memory_space<vmem_shared>>) target_semaphore(%run_scoped3A : memref<!tpu.dma_semaphore, #tpu.memory_space<semaphore_mem>>)
      %dma_wait3A = arith.constant 0 : i32
      %dma_wait3A_60 = arith.constant 0 : i32
      %dma_wait3A_61 = tpu.memref_slice %arg15[%dma_wait3A, %dma_wait3A_60] : memref<128x128xf32, #tpu.memory_space<vmem>> -> memref<128x128xf32, #tpu.memory_space<vmem>>
      %dma_wait3A_62 = arith.constant 0 : i32
      %dma_wait3A_63 = tpu.memref_slice %arg16[%add3A_8, %dma_wait3A_62] : memref<10112x128xf32, #tpu.memory_space<vmem_shared>> -> memref<128x128xf32, #tpu.memory_space<vmem_shared>>
      %dma_wait3A_64 = arith.constant 0 : i32
      %dma_wait3A_65 = tpu.memref_slice %arg16[%add3A_8, %dma_wait3A_64] : memref<10112x128xf32, #tpu.memory_space<vmem_shared>> -> memref<128x128xf32, #tpu.memory_space<vmem_shared>>
      %dma_wait3A_66 = arith.constant 0 : i32
      %dma_wait3A_67 = arith.constant 0 : i32
      %dma_wait3A_68 = tpu.memref_slice %arg15[%dma_wait3A_66, %dma_wait3A_67] : memref<128x128xf32, #tpu.memory_space<vmem>> -> memref<128x128xf32, #tpu.memory_space<vmem>>
      tpu.wait_dma2 semaphore(%run_scoped3A : memref<!tpu.dma_semaphore, #tpu.memory_space<semaphore_mem>>) src(%dma_wait3A_68 : memref<128x128xf32, #tpu.memory_space<vmem>>) dst(%dma_wait3A_65 : memref<128x128xf32, #tpu.memory_space<vmem_shared>>)
      tpu.yield
    }) : () -> ()
    %add3A_9 = arith.constant 128 : i32
    %add3A_10 = arith.addi %mul3A_4, %add3A_9 : i32
    "tpu.region"() ({
      %run_scoped3A = tpu.sem_alloc : memref<!tpu.dma_semaphore, #tpu.memory_space<semaphore_mem>>
      %dma_start3A = arith.constant 0 : i32
      %dma_start3A_51 = arith.constant 0 : i32
      %dma_start3A_52 = tpu.memref_slice %arg15[%dma_start3A, %dma_start3A_51] : memref<128x128xf32, #tpu.memory_space<vmem>> -> memref<128x128xf32, #tpu.memory_space<vmem>>
      %dma_start3A_53 = arith.constant 0 : i32
      %dma_start3A_54 = tpu.memref_slice %arg7[%add3A_10, %dma_start3A_53] : memref<10112x128xf32, #tpu.memory_space<hbm>> -> memref<128x128xf32, #tpu.memory_space<hbm>>
      %dma_start3A_55 = arith.constant 0 : i32
      %dma_start3A_56 = arith.constant 0 : i32
      %dma_start3A_57 = tpu.memref_slice %arg15[%dma_start3A_55, %dma_start3A_56] : memref<128x128xf32, #tpu.memory_space<vmem>> -> memref<128x128xf32, #tpu.memory_space<vmem>>
      %dma_start3A_58 = arith.constant 0 : i32
      %dma_start3A_59 = tpu.memref_slice %arg7[%add3A_10, %dma_start3A_58] : memref<10112x128xf32, #tpu.memory_space<hbm>> -> memref<128x128xf32, #tpu.memory_space<hbm>>
      tpu.enqueue_dma source(%dma_start3A_59 : memref<128x128xf32, #tpu.memory_space<hbm>>) target(%dma_start3A_57 : memref<128x128xf32, #tpu.memory_space<vmem>>) target_semaphore(%run_scoped3A : memref<!tpu.dma_semaphore, #tpu.memory_space<semaphore_mem>>)
      %dma_wait3A = arith.constant 0 : i32
      %dma_wait3A_60 = arith.constant 0 : i32
      %dma_wait3A_61 = tpu.memref_slice %arg15[%dma_wait3A, %dma_wait3A_60] : memref<128x128xf32, #tpu.memory_space<vmem>> -> memref<128x128xf32, #tpu.memory_space<vmem>>
      %dma_wait3A_62 = arith.constant 0 : i32
      %dma_wait3A_63 = tpu.memref_slice %arg7[%add3A_10, %dma_wait3A_62] : memref<10112x128xf32, #tpu.memory_space<hbm>> -> memref<128x128xf32, #tpu.memory_space<hbm>>
      %dma_wait3A_64 = arith.constant 0 : i32
      %dma_wait3A_65 = arith.constant 0 : i32
      %dma_wait3A_66 = tpu.memref_slice %arg15[%dma_wait3A_64, %dma_wait3A_65] : memref<128x128xf32, #tpu.memory_space<vmem>> -> memref<128x128xf32, #tpu.memory_space<vmem>>
      %dma_wait3A_67 = arith.constant 0 : i32
      %dma_wait3A_68 = tpu.memref_slice %arg7[%add3A_10, %dma_wait3A_67] : memref<10112x128xf32, #tpu.memory_space<hbm>> -> memref<128x128xf32, #tpu.memory_space<hbm>>
      tpu.wait_dma2 semaphore(%run_scoped3A : memref<!tpu.dma_semaphore, #tpu.memory_space<semaphore_mem>>) src(%dma_wait3A_68 : memref<128x128xf32, #tpu.memory_space<hbm>>) dst(%dma_wait3A_66 : memref<128x128xf32, #tpu.memory_space<vmem>>)
      tpu.yield
    }) : () -> ()
    %add3A_11 = arith.constant 128 : i32
    %add3A_12 = arith.addi %mul3A_4, %add3A_11 : i32
    "tpu.region"() ({
      %run_scoped3A = tpu.sem_alloc : memref<!tpu.dma_semaphore, #tpu.memory_space<semaphore_mem>>
      %dma_start3A = arith.constant 0 : i32
      %dma_start3A_51 = arith.constant 0 : i32
      %dma_start3A_52 = tpu.memref_slice %arg15[%dma_start3A, %dma_start3A_51] : memref<128x128xf32, #tpu.memory_space<vmem>> -> memref<128x128xf32, #tpu.memory_space<vmem>>
      %dma_start3A_53 = arith.constant 0 : i32
      %dma_start3A_54 = tpu.memref_slice %arg16[%add3A_12, %dma_start3A_53] : memref<10112x128xf32, #tpu.memory_space<vmem_shared>> -> memref<128x128xf32, #tpu.memory_space<vmem_shared>>
      %dma_start3A_55 = arith.constant 0 : i32
      %dma_start3A_56 = tpu.memref_slice %arg16[%add3A_12, %dma_start3A_55] : memref<10112x128xf32, #tpu.memory_space<vmem_shared>> -> memref<128x128xf32, #tpu.memory_space<vmem_shared>>
      %dma_start3A_57 = arith.constant 0 : i32
      %dma_start3A_58 = arith.constant 0 : i32
      %dma_start3A_59 = tpu.memref_slice %arg15[%dma_start3A_57, %dma_start3A_58] : memref<128x128xf32, #tpu.memory_space<vmem>> -> memref<128x128xf32, #tpu.memory_space<vmem>>
      tpu.enqueue_dma source(%dma_start3A_59 : memref<128x128xf32, #tpu.memory_space<vmem>>) target(%dma_start3A_56 : memref<128x128xf32, #tpu.memory_space<vmem_shared>>) target_semaphore(%run_scoped3A : memref<!tpu.dma_semaphore, #tpu.memory_space<semaphore_mem>>)
      %dma_wait3A = arith.constant 0 : i32
      %dma_wait3A_60 = arith.constant 0 : i32
      %dma_wait3A_61 = tpu.memref_slice %arg15[%dma_wait3A, %dma_wait3A_60] : memref<128x128xf32, #tpu.memory_space<vmem>> -> memref<128x128xf32, #tpu.memory_space<vmem>>
      %dma_wait3A_62 = arith.constant 0 : i32
      %dma_wait3A_63 = tpu.memref_slice %arg16[%add3A_12, %dma_wait3A_62] : memref<10112x128xf32, #tpu.memory_space<vmem_shared>> -> memref<128x128xf32, #tpu.memory_space<vmem_shared>>
      %dma_wait3A_64 = arith.constant 0 : i32
      %dma_wait3A_65 = tpu.memref_slice %arg16[%add3A_12, %dma_wait3A_64] : memref<10112x128xf32, #tpu.memory_space<vmem_shared>> -> memref<128x128xf32, #tpu.memory_space<vmem_shared>>
      %dma_wait3A_66 = arith.constant 0 : i32
      %dma_wait3A_67 = arith.constant 0 : i32
      %dma_wait3A_68 = tpu.memref_slice %arg15[%dma_wait3A_66, %dma_wait3A_67] : memref<128x128xf32, #tpu.memory_space<vmem>> -> memref<128x128xf32, #tpu.memory_space<vmem>>
      tpu.wait_dma2 semaphore(%run_scoped3A : memref<!tpu.dma_semaphore, #tpu.memory_space<semaphore_mem>>) src(%dma_wait3A_68 : memref<128x128xf32, #tpu.memory_space<vmem>>) dst(%dma_wait3A_65 : memref<128x128xf32, #tpu.memory_space<vmem_shared>>)
      tpu.yield
    }) : () -> ()
    %add3A_13 = arith.constant 256 : i32
    %add3A_14 = arith.addi %mul3A_4, %add3A_13 : i32
    "tpu.region"() ({
      %run_scoped3A = tpu.sem_alloc : memref<!tpu.dma_semaphore, #tpu.memory_space<semaphore_mem>>
      %dma_start3A = arith.constant 0 : i32
      %dma_start3A_51 = arith.constant 0 : i32
      %dma_start3A_52 = tpu.memref_slice %arg15[%dma_start3A, %dma_start3A_51] : memref<128x128xf32, #tpu.memory_space<vmem>> -> memref<128x128xf32, #tpu.memory_space<vmem>>
      %dma_start3A_53 = arith.constant 0 : i32
      %dma_start3A_54 = tpu.memref_slice %arg7[%add3A_14, %dma_start3A_53] : memref<10112x128xf32, #tpu.memory_space<hbm>> -> memref<128x128xf32, #tpu.memory_space<hbm>>
      %dma_start3A_55 = arith.constant 0 : i32
      %dma_start3A_56 = arith.constant 0 : i32
      %dma_start3A_57 = tpu.memref_slice %arg15[%dma_start3A_55, %dma_start3A_56] : memref<128x128xf32, #tpu.memory_space<vmem>> -> memref<128x128xf32, #tpu.memory_space<vmem>>
      %dma_start3A_58 = arith.constant 0 : i32
      %dma_start3A_59 = tpu.memref_slice %arg7[%add3A_14, %dma_start3A_58] : memref<10112x128xf32, #tpu.memory_space<hbm>> -> memref<128x128xf32, #tpu.memory_space<hbm>>
      tpu.enqueue_dma source(%dma_start3A_59 : memref<128x128xf32, #tpu.memory_space<hbm>>) target(%dma_start3A_57 : memref<128x128xf32, #tpu.memory_space<vmem>>) target_semaphore(%run_scoped3A : memref<!tpu.dma_semaphore, #tpu.memory_space<semaphore_mem>>)
      %dma_wait3A = arith.constant 0 : i32
      %dma_wait3A_60 = arith.constant 0 : i32
      %dma_wait3A_61 = tpu.memref_slice %arg15[%dma_wait3A, %dma_wait3A_60] : memref<128x128xf32, #tpu.memory_space<vmem>> -> memref<128x128xf32, #tpu.memory_space<vmem>>
      %dma_wait3A_62 = arith.constant 0 : i32
      %dma_wait3A_63 = tpu.memref_slice %arg7[%add3A_14, %dma_wait3A_62] : memref<10112x128xf32, #tpu.memory_space<hbm>> -> memref<128x128xf32, #tpu.memory_space<hbm>>
      %dma_wait3A_64 = arith.constant 0 : i32
      %dma_wait3A_65 = arith.constant 0 : i32
      %dma_wait3A_66 = tpu.memref_slice %arg15[%dma_wait3A_64, %dma_wait3A_65] : memref<128x128xf32, #tpu.memory_space<vmem>> -> memref<128x128xf32, #tpu.memory_space<vmem>>
      %dma_wait3A_67 = arith.constant 0 : i32
      %dma_wait3A_68 = tpu.memref_slice %arg7[%add3A_14, %dma_wait3A_67] : memref<10112x128xf32, #tpu.memory_space<hbm>> -> memref<128x128xf32, #tpu.memory_space<hbm>>
      tpu.wait_dma2 semaphore(%run_scoped3A : memref<!tpu.dma_semaphore, #tpu.memory_space<semaphore_mem>>) src(%dma_wait3A_68 : memref<128x128xf32, #tpu.memory_space<hbm>>) dst(%dma_wait3A_66 : memref<128x128xf32, #tpu.memory_space<vmem>>)
      tpu.yield
    }) : () -> ()
    %add3A_15 = arith.constant 256 : i32
    %add3A_16 = arith.addi %mul3A_4, %add3A_15 : i32
    "tpu.region"() ({
      %run_scoped3A = tpu.sem_alloc : memref<!tpu.dma_semaphore, #tpu.memory_space<semaphore_mem>>
      %dma_start3A = arith.constant 0 : i32
      %dma_start3A_51 = arith.constant 0 : i32
      %dma_start3A_52 = tpu.memref_slice %arg15[%dma_start3A, %dma_start3A_51] : memref<128x128xf32, #tpu.memory_space<vmem>> -> memref<128x128xf32, #tpu.memory_space<vmem>>
      %dma_start3A_53 = arith.constant 0 : i32
      %dma_start3A_54 = tpu.memref_slice %arg16[%add3A_16, %dma_start3A_53] : memref<10112x128xf32, #tpu.memory_space<vmem_shared>> -> memref<128x128xf32, #tpu.memory_space<vmem_shared>>
      %dma_start3A_55 = arith.constant 0 : i32
      %dma_start3A_56 = tpu.memref_slice %arg16[%add3A_16, %dma_start3A_55] : memref<10112x128xf32, #tpu.memory_space<vmem_shared>> -> memref<128x128xf32, #tpu.memory_space<vmem_shared>>
      %dma_start3A_57 = arith.constant 0 : i32
      %dma_start3A_58 = arith.constant 0 : i32
      %dma_start3A_59 = tpu.memref_slice %arg15[%dma_start3A_57, %dma_start3A_58] : memref<128x128xf32, #tpu.memory_space<vmem>> -> memref<128x128xf32, #tpu.memory_space<vmem>>
      tpu.enqueue_dma source(%dma_start3A_59 : memref<128x128xf32, #tpu.memory_space<vmem>>) target(%dma_start3A_56 : memref<128x128xf32, #tpu.memory_space<vmem_shared>>) target_semaphore(%run_scoped3A : memref<!tpu.dma_semaphore, #tpu.memory_space<semaphore_mem>>)
      %dma_wait3A = arith.constant 0 : i32
      %dma_wait3A_60 = arith.constant 0 : i32
      %dma_wait3A_61 = tpu.memref_slice %arg15[%dma_wait3A, %dma_wait3A_60] : memref<128x128xf32, #tpu.memory_space<vmem>> -> memref<128x128xf32, #tpu.memory_space<vmem>>
      %dma_wait3A_62 = arith.constant 0 : i32
      %dma_wait3A_63 = tpu.memref_slice %arg16[%add3A_16, %dma_wait3A_62] : memref<10112x128xf32, #tpu.memory_space<vmem_shared>> -> memref<128x128xf32, #tpu.memory_space<vmem_shared>>
      %dma_wait3A_64 = arith.constant 0 : i32
      %dma_wait3A_65 = tpu.memref_slice %arg16[%add3A_16, %dma_wait3A_64] : memref<10112x128xf32, #tpu.memory_space<vmem_shared>> -> memref<128x128xf32, #tpu.memory_space<vmem_shared>>
      %dma_wait3A_66 = arith.constant 0 : i32
      %dma_wait3A_67 = arith.constant 0 : i32
      %dma_wait3A_68 = tpu.memref_slice %arg15[%dma_wait3A_66, %dma_wait3A_67] : memref<128x128xf32, #tpu.memory_space<vmem>> -> memref<128x128xf32, #tpu.memory_space<vmem>>
      tpu.wait_dma2 semaphore(%run_scoped3A : memref<!tpu.dma_semaphore, #tpu.memory_space<semaphore_mem>>) src(%dma_wait3A_68 : memref<128x128xf32, #tpu.memory_space<vmem>>) dst(%dma_wait3A_65 : memref<128x128xf32, #tpu.memory_space<vmem_shared>>)
      tpu.yield
    }) : () -> ()
    %add3A_17 = arith.constant 384 : i32
    %add3A_18 = arith.addi %mul3A_4, %add3A_17 : i32
    "tpu.region"() ({
      %run_scoped3A = tpu.sem_alloc : memref<!tpu.dma_semaphore, #tpu.memory_space<semaphore_mem>>
      %dma_start3A = arith.constant 0 : i32
      %dma_start3A_51 = arith.constant 0 : i32
      %dma_start3A_52 = tpu.memref_slice %arg15[%dma_start3A, %dma_start3A_51] : memref<128x128xf32, #tpu.memory_space<vmem>> -> memref<128x128xf32, #tpu.memory_space<vmem>>
      %dma_start3A_53 = arith.constant 0 : i32
      %dma_start3A_54 = tpu.memref_slice %arg7[%add3A_18, %dma_start3A_53] : memref<10112x128xf32, #tpu.memory_space<hbm>> -> memref<128x128xf32, #tpu.memory_space<hbm>>
      %dma_start3A_55 = arith.constant 0 : i32
      %dma_start3A_56 = arith.constant 0 : i32
      %dma_start3A_57 = tpu.memref_slice %arg15[%dma_start3A_55, %dma_start3A_56] : memref<128x128xf32, #tpu.memory_space<vmem>> -> memref<128x128xf32, #tpu.memory_space<vmem>>
      %dma_start3A_58 = arith.constant 0 : i32
      %dma_start3A_59 = tpu.memref_slice %arg7[%add3A_18, %dma_start3A_58] : memref<10112x128xf32, #tpu.memory_space<hbm>> -> memref<128x128xf32, #tpu.memory_space<hbm>>
      tpu.enqueue_dma source(%dma_start3A_59 : memref<128x128xf32, #tpu.memory_space<hbm>>) target(%dma_start3A_57 : memref<128x128xf32, #tpu.memory_space<vmem>>) target_semaphore(%run_scoped3A : memref<!tpu.dma_semaphore, #tpu.memory_space<semaphore_mem>>)
      %dma_wait3A = arith.constant 0 : i32
      %dma_wait3A_60 = arith.constant 0 : i32
      %dma_wait3A_61 = tpu.memref_slice %arg15[%dma_wait3A, %dma_wait3A_60] : memref<128x128xf32, #tpu.memory_space<vmem>> -> memref<128x128xf32, #tpu.memory_space<vmem>>
      %dma_wait3A_62 = arith.constant 0 : i32
      %dma_wait3A_63 = tpu.memref_slice %arg7[%add3A_18, %dma_wait3A_62] : memref<10112x128xf32, #tpu.memory_space<hbm>> -> memref<128x128xf32, #tpu.memory_space<hbm>>
      %dma_wait3A_64 = arith.constant 0 : i32
      %dma_wait3A_65 = arith.constant 0 : i32
      %dma_wait3A_66 = tpu.memref_slice %arg15[%dma_wait3A_64, %dma_wait3A_65] : memref<128x128xf32, #tpu.memory_space<vmem>> -> memref<128x128xf32, #tpu.memory_space<vmem>>
      %dma_wait3A_67 = arith.constant 0 : i32
      %dma_wait3A_68 = tpu.memref_slice %arg7[%add3A_18, %dma_wait3A_67] : memref<10112x128xf32, #tpu.memory_space<hbm>> -> memref<128x128xf32, #tpu.memory_space<hbm>>
      tpu.wait_dma2 semaphore(%run_scoped3A : memref<!tpu.dma_semaphore, #tpu.memory_space<semaphore_mem>>) src(%dma_wait3A_68 : memref<128x128xf32, #tpu.memory_space<hbm>>) dst(%dma_wait3A_66 : memref<128x128xf32, #tpu.memory_space<vmem>>)
      tpu.yield
    }) : () -> ()
    %add3A_19 = arith.constant 384 : i32
    %add3A_20 = arith.addi %mul3A_4, %add3A_19 : i32
    "tpu.region"() ({
      %run_scoped3A = tpu.sem_alloc : memref<!tpu.dma_semaphore, #tpu.memory_space<semaphore_mem>>
      %dma_start3A = arith.constant 0 : i32
      %dma_start3A_51 = arith.constant 0 : i32
      %dma_start3A_52 = tpu.memref_slice %arg15[%dma_start3A, %dma_start3A_51] : memref<128x128xf32, #tpu.memory_space<vmem>> -> memref<128x128xf32, #tpu.memory_space<vmem>>
      %dma_start3A_53 = arith.constant 0 : i32
      %dma_start3A_54 = tpu.memref_slice %arg16[%add3A_20, %dma_start3A_53] : memref<10112x128xf32, #tpu.memory_space<vmem_shared>> -> memref<128x128xf32, #tpu.memory_space<vmem_shared>>
      %dma_start3A_55 = arith.constant 0 : i32
      %dma_start3A_56 = tpu.memref_slice %arg16[%add3A_20, %dma_start3A_55] : memref<10112x128xf32, #tpu.memory_space<vmem_shared>> -> memref<128x128xf32, #tpu.memory_space<vmem_shared>>
      %dma_start3A_57 = arith.constant 0 : i32
      %dma_start3A_58 = arith.constant 0 : i32
      %dma_start3A_59 = tpu.memref_slice %arg15[%dma_start3A_57, %dma_start3A_58] : memref<128x128xf32, #tpu.memory_space<vmem>> -> memref<128x128xf32, #tpu.memory_space<vmem>>
      tpu.enqueue_dma source(%dma_start3A_59 : memref<128x128xf32, #tpu.memory_space<vmem>>) target(%dma_start3A_56 : memref<128x128xf32, #tpu.memory_space<vmem_shared>>) target_semaphore(%run_scoped3A : memref<!tpu.dma_semaphore, #tpu.memory_space<semaphore_mem>>)
      %dma_wait3A = arith.constant 0 : i32
      %dma_wait3A_60 = arith.constant 0 : i32
      %dma_wait3A_61 = tpu.memref_slice %arg15[%dma_wait3A, %dma_wait3A_60] : memref<128x128xf32, #tpu.memory_space<vmem>> -> memref<128x128xf32, #tpu.memory_space<vmem>>
      %dma_wait3A_62 = arith.constant 0 : i32
      %dma_wait3A_63 = tpu.memref_slice %arg16[%add3A_20, %dma_wait3A_62] : memref<10112x128xf32, #tpu.memory_space<vmem_shared>> -> memref<128x128xf32, #tpu.memory_space<vmem_shared>>
      %dma_wait3A_64 = arith.constant 0 : i32
      %dma_wait3A_65 = tpu.memref_slice %arg16[%add3A_20, %dma_wait3A_64] : memref<10112x128xf32, #tpu.memory_space<vmem_shared>> -> memref<128x128xf32, #tpu.memory_space<vmem_shared>>
      %dma_wait3A_66 = arith.constant 0 : i32
      %dma_wait3A_67 = arith.constant 0 : i32
      %dma_wait3A_68 = tpu.memref_slice %arg15[%dma_wait3A_66, %dma_wait3A_67] : memref<128x128xf32, #tpu.memory_space<vmem>> -> memref<128x128xf32, #tpu.memory_space<vmem>>
      tpu.wait_dma2 semaphore(%run_scoped3A : memref<!tpu.dma_semaphore, #tpu.memory_space<semaphore_mem>>) src(%dma_wait3A_68 : memref<128x128xf32, #tpu.memory_space<vmem>>) dst(%dma_wait3A_65 : memref<128x128xf32, #tpu.memory_space<vmem_shared>>)
      tpu.yield
    }) : () -> ()
    %add3A_21 = arith.constant 512 : i32
    %add3A_22 = arith.addi %mul3A_4, %add3A_21 : i32
    "tpu.region"() ({
      %run_scoped3A = tpu.sem_alloc : memref<!tpu.dma_semaphore, #tpu.memory_space<semaphore_mem>>
      %dma_start3A = arith.constant 0 : i32
      %dma_start3A_51 = arith.constant 0 : i32
      %dma_start3A_52 = tpu.memref_slice %arg15[%dma_start3A, %dma_start3A_51] : memref<128x128xf32, #tpu.memory_space<vmem>> -> memref<120x128xf32, #tpu.memory_space<vmem>>
      %dma_start3A_53 = arith.constant 0 : i32
      %dma_start3A_54 = tpu.memref_slice %arg7[%add3A_22, %dma_start3A_53] : memref<10112x128xf32, #tpu.memory_space<hbm>> -> memref<120x128xf32, #tpu.memory_space<hbm>>
      %dma_start3A_55 = arith.constant 0 : i32
      %dma_start3A_56 = arith.constant 0 : i32
      %dma_start3A_57 = tpu.memref_slice %arg15[%dma_start3A_55, %dma_start3A_56] : memref<128x128xf32, #tpu.memory_space<vmem>> -> memref<120x128xf32, #tpu.memory_space<vmem>>
      %dma_start3A_58 = arith.constant 0 : i32
      %dma_start3A_59 = tpu.memref_slice %arg7[%add3A_22, %dma_start3A_58] : memref<10112x128xf32, #tpu.memory_space<hbm>> -> memref<120x128xf32, #tpu.memory_space<hbm>>
      tpu.enqueue_dma source(%dma_start3A_59 : memref<120x128xf32, #tpu.memory_space<hbm>>) target(%dma_start3A_57 : memref<120x128xf32, #tpu.memory_space<vmem>>) target_semaphore(%run_scoped3A : memref<!tpu.dma_semaphore, #tpu.memory_space<semaphore_mem>>)
      %dma_wait3A = arith.constant 0 : i32
      %dma_wait3A_60 = arith.constant 0 : i32
      %dma_wait3A_61 = tpu.memref_slice %arg15[%dma_wait3A, %dma_wait3A_60] : memref<128x128xf32, #tpu.memory_space<vmem>> -> memref<120x128xf32, #tpu.memory_space<vmem>>
      %dma_wait3A_62 = arith.constant 0 : i32
      %dma_wait3A_63 = tpu.memref_slice %arg7[%add3A_22, %dma_wait3A_62] : memref<10112x128xf32, #tpu.memory_space<hbm>> -> memref<120x128xf32, #tpu.memory_space<hbm>>
      %dma_wait3A_64 = arith.constant 0 : i32
      %dma_wait3A_65 = arith.constant 0 : i32
      %dma_wait3A_66 = tpu.memref_slice %arg15[%dma_wait3A_64, %dma_wait3A_65] : memref<128x128xf32, #tpu.memory_space<vmem>> -> memref<120x128xf32, #tpu.memory_space<vmem>>
      %dma_wait3A_67 = arith.constant 0 : i32
      %dma_wait3A_68 = tpu.memref_slice %arg7[%add3A_22, %dma_wait3A_67] : memref<10112x128xf32, #tpu.memory_space<hbm>> -> memref<120x128xf32, #tpu.memory_space<hbm>>
      tpu.wait_dma2 semaphore(%run_scoped3A : memref<!tpu.dma_semaphore, #tpu.memory_space<semaphore_mem>>) src(%dma_wait3A_68 : memref<120x128xf32, #tpu.memory_space<hbm>>) dst(%dma_wait3A_66 : memref<120x128xf32, #tpu.memory_space<vmem>>)
      tpu.yield
    }) : () -> ()
    %add3A_23 = arith.constant 512 : i32
    %add3A_24 = arith.addi %mul3A_4, %add3A_23 : i32
    "tpu.region"() ({
      %run_scoped3A = tpu.sem_alloc : memref<!tpu.dma_semaphore, #tpu.memory_space<semaphore_mem>>
      %dma_start3A = arith.constant 0 : i32
      %dma_start3A_51 = arith.constant 0 : i32
      %dma_start3A_52 = tpu.memref_slice %arg15[%dma_start3A, %dma_start3A_51] : memref<128x128xf32, #tpu.memory_space<vmem>> -> memref<120x128xf32, #tpu.memory_space<vmem>>
      %dma_start3A_53 = arith.constant 0 : i32
      %dma_start3A_54 = tpu.memref_slice %arg16[%add3A_24, %dma_start3A_53] : memref<10112x128xf32, #tpu.memory_space<vmem_shared>> -> memref<120x128xf32, #tpu.memory_space<vmem_shared>>
      %dma_start3A_55 = arith.constant 0 : i32
      %dma_start3A_56 = tpu.memref_slice %arg16[%add3A_24, %dma_start3A_55] : memref<10112x128xf32, #tpu.memory_space<vmem_shared>> -> memref<120x128xf32, #tpu.memory_space<vmem_shared>>
      %dma_start3A_57 = arith.constant 0 : i32
      %dma_start3A_58 = arith.constant 0 : i32
      %dma_start3A_59 = tpu.memref_slice %arg15[%dma_start3A_57, %dma_start3A_58] : memref<128x128xf32, #tpu.memory_space<vmem>> -> memref<120x128xf32, #tpu.memory_space<vmem>>
      tpu.enqueue_dma source(%dma_start3A_59 : memref<120x128xf32, #tpu.memory_space<vmem>>) target(%dma_start3A_56 : memref<120x128xf32, #tpu.memory_space<vmem_shared>>) target_semaphore(%run_scoped3A : memref<!tpu.dma_semaphore, #tpu.memory_space<semaphore_mem>>)
      %dma_wait3A = arith.constant 0 : i32
      %dma_wait3A_60 = arith.constant 0 : i32
      %dma_wait3A_61 = tpu.memref_slice %arg15[%dma_wait3A, %dma_wait3A_60] : memref<128x128xf32, #tpu.memory_space<vmem>> -> memref<120x128xf32, #tpu.memory_space<vmem>>
      %dma_wait3A_62 = arith.constant 0 : i32
      %dma_wait3A_63 = tpu.memref_slice %arg16[%add3A_24, %dma_wait3A_62] : memref<10112x128xf32, #tpu.memory_space<vmem_shared>> -> memref<120x128xf32, #tpu.memory_space<vmem_shared>>
      %dma_wait3A_64 = arith.constant 0 : i32
      %dma_wait3A_65 = tpu.memref_slice %arg16[%add3A_24, %dma_wait3A_64] : memref<10112x128xf32, #tpu.memory_space<vmem_shared>> -> memref<120x128xf32, #tpu.memory_space<vmem_shared>>
      %dma_wait3A_66 = arith.constant 0 : i32
      %dma_wait3A_67 = arith.constant 0 : i32
      %dma_wait3A_68 = tpu.memref_slice %arg15[%dma_wait3A_66, %dma_wait3A_67] : memref<128x128xf32, #tpu.memory_space<vmem>> -> memref<120x128xf32, #tpu.memory_space<vmem>>
      tpu.wait_dma2 semaphore(%run_scoped3A : memref<!tpu.dma_semaphore, #tpu.memory_space<semaphore_mem>>) src(%dma_wait3A_68 : memref<120x128xf32, #tpu.memory_space<vmem>>) dst(%dma_wait3A_65 : memref<120x128xf32, #tpu.memory_space<vmem_shared>>)
      tpu.yield
    }) : () -> ()
    %barrier3A = arith.constant 0 : index
    tpu.barrier barrier_id(%barrier3A)
    %scan3A = arith.constant 0 : i32
    %scan3A_25 = arith.constant 0 : i32
    %scan3A_26 = arith.constant 79 : i32
    %scan3A_27 = arith.addi %scan3A_25, %scan3A_26 : i32
    %scan3A_28 = arith.constant 1 : i32
    scf.for %scan3A_51 = %scan3A_25 to %scan3A_27 step %scan3A_28  : i32 {
      %mul3A_52 = arith.constant 128 : i32
      %mul3A_53 = arith.muli %scan3A_51, %mul3A_52 : i32
      %add3A_54 = arith.addi %mul3A_2, %mul3A_53 : i32
      %dma_start3A = tpu.memref_slice %arg3[%add3A_54] : memref<323584xi32, #tpu.memory_space<hbm>> -> memref<128xi32, #tpu.memory_space<hbm>>
      %dma_start3A_55 = tpu.memref_slice %arg3[%add3A_54] : memref<323584xi32, #tpu.memory_space<hbm>> -> memref<128xi32, #tpu.memory_space<hbm>>
      tpu.enqueue_dma source(%dma_start3A_55 : memref<128xi32, #tpu.memory_space<hbm>>) target(%arg9 : memref<128xi32, #tpu.memory_space<vmem>>) target_semaphore(%arg17 : memref<!tpu.dma_semaphore, #tpu.memory_space<semaphore_mem>>)
      %dma_start3A_56 = tpu.memref_slice %arg4[%add3A_54] : memref<323584xi32, #tpu.memory_space<hbm>> -> memref<128xi32, #tpu.memory_space<hbm>>
      %dma_start3A_57 = tpu.memref_slice %arg4[%add3A_54] : memref<323584xi32, #tpu.memory_space<hbm>> -> memref<128xi32, #tpu.memory_space<hbm>>
      tpu.enqueue_dma source(%dma_start3A_57 : memref<128xi32, #tpu.memory_space<hbm>>) target(%arg10 : memref<128xi32, #tpu.memory_space<vmem>>) target_semaphore(%arg17 : memref<!tpu.dma_semaphore, #tpu.memory_space<semaphore_mem>>)
      %dma_start3A_58 = tpu.memref_slice %arg5[%add3A_54] : memref<323584xi32, #tpu.memory_space<hbm>> -> memref<128xi32, #tpu.memory_space<hbm>>
      %dma_start3A_59 = tpu.memref_slice %arg5[%add3A_54] : memref<323584xi32, #tpu.memory_space<hbm>> -> memref<128xi32, #tpu.memory_space<hbm>>
      tpu.enqueue_dma source(%dma_start3A_59 : memref<128xi32, #tpu.memory_space<hbm>>) target(%arg11 : memref<128xi32, #tpu.memory_space<vmem>>) target_semaphore(%arg17 : memref<!tpu.dma_semaphore, #tpu.memory_space<semaphore_mem>>)
      %dma_start3A_60 = arith.constant 0 : i32
      %dma_start3A_61 = tpu.memref_slice %arg6[%add3A_54, %dma_start3A_60] : memref<323584x16xf32, #tpu.memory_space<hbm>> -> memref<128x16xf32, #tpu.memory_space<hbm>>
      %dma_start3A_62 = arith.constant 0 : i32
      %dma_start3A_63 = tpu.memref_slice %arg6[%add3A_54, %dma_start3A_62] : memref<323584x16xf32, #tpu.memory_space<hbm>> -> memref<128x16xf32, #tpu.memory_space<hbm>>
      tpu.enqueue_dma source(%dma_start3A_63 : memref<128x16xf32, #tpu.memory_space<hbm>>) target(%arg12 : memref<128x16xf32, #tpu.memory_space<vmem>>) target_semaphore(%arg17 : memref<!tpu.dma_semaphore, #tpu.memory_space<semaphore_mem>>)
      %dma_wait3A = tpu.memref_slice %arg3[%add3A_54] : memref<323584xi32, #tpu.memory_space<hbm>> -> memref<128xi32, #tpu.memory_space<hbm>>
      %dma_wait3A_64 = tpu.memref_slice %arg3[%add3A_54] : memref<323584xi32, #tpu.memory_space<hbm>> -> memref<128xi32, #tpu.memory_space<hbm>>
      tpu.wait_dma2 semaphore(%arg17 : memref<!tpu.dma_semaphore, #tpu.memory_space<semaphore_mem>>) src(%dma_wait3A_64 : memref<128xi32, #tpu.memory_space<hbm>>) dst(%arg9 : memref<128xi32, #tpu.memory_space<vmem>>)
      %dma_wait3A_65 = tpu.memref_slice %arg4[%add3A_54] : memref<323584xi32, #tpu.memory_space<hbm>> -> memref<128xi32, #tpu.memory_space<hbm>>
      %dma_wait3A_66 = tpu.memref_slice %arg4[%add3A_54] : memref<323584xi32, #tpu.memory_space<hbm>> -> memref<128xi32, #tpu.memory_space<hbm>>
      tpu.wait_dma2 semaphore(%arg17 : memref<!tpu.dma_semaphore, #tpu.memory_space<semaphore_mem>>) src(%dma_wait3A_66 : memref<128xi32, #tpu.memory_space<hbm>>) dst(%arg10 : memref<128xi32, #tpu.memory_space<vmem>>)
      %dma_wait3A_67 = tpu.memref_slice %arg5[%add3A_54] : memref<323584xi32, #tpu.memory_space<hbm>> -> memref<128xi32, #tpu.memory_space<hbm>>
      %dma_wait3A_68 = tpu.memref_slice %arg5[%add3A_54] : memref<323584xi32, #tpu.memory_space<hbm>> -> memref<128xi32, #tpu.memory_space<hbm>>
      tpu.wait_dma2 semaphore(%arg17 : memref<!tpu.dma_semaphore, #tpu.memory_space<semaphore_mem>>) src(%dma_wait3A_68 : memref<128xi32, #tpu.memory_space<hbm>>) dst(%arg11 : memref<128xi32, #tpu.memory_space<vmem>>)
      %dma_wait3A_69 = arith.constant 0 : i32
      %dma_wait3A_70 = tpu.memref_slice %arg6[%add3A_54, %dma_wait3A_69] : memref<323584x16xf32, #tpu.memory_space<hbm>> -> memref<128x16xf32, #tpu.memory_space<hbm>>
      %dma_wait3A_71 = arith.constant 0 : i32
      %dma_wait3A_72 = tpu.memref_slice %arg6[%add3A_54, %dma_wait3A_71] : memref<323584x16xf32, #tpu.memory_space<hbm>> -> memref<128x16xf32, #tpu.memory_space<hbm>>
      tpu.wait_dma2 semaphore(%arg17 : memref<!tpu.dma_semaphore, #tpu.memory_space<semaphore_mem>>) src(%dma_wait3A_72 : memref<128x16xf32, #tpu.memory_space<hbm>>) dst(%arg12 : memref<128x16xf32, #tpu.memory_space<vmem>>)
      %get3A = arith.constant 0 : index
      %get3A_73 = tpu.vector_load %arg9[%get3A] {strides = array<i32>} : memref<128xi32, #tpu.memory_space<vmem>>, vector<16xi32>,
      %get3A_74 = vector.shape_cast %get3A_73 : vector<16xi32> to vector<16xi32>
      %mul3A_75 = arith.constant 8 : i32
      %mul3A_76 = vector.broadcast %mul3A_75 : i32 to vector<16xi32>
      %mul3A_77 = arith.muli %get3A_74, %mul3A_76 : vector<16xi32>
      %get3A_78 = arith.constant 0 : index
      %get3A_79 = tpu.vector_load %arg10[%get3A_78] {strides = array<i32>} : memref<128xi32, #tpu.memory_space<vmem>>, vector<16xi32>,
      %get3A_80 = vector.shape_cast %get3A_79 : vector<16xi32> to vector<16xi32>
      %add3A_81 = arith.addi %mul3A_77, %get3A_80 : vector<16xi32>
      %swap3A = arith.constant 0 : index
      %swap3A_82 = tpu.vector_load %arg13[%swap3A] {strides = array<i32>} : memref<128xi32, #tpu.memory_space<vmem>>, vector<16xi32>,
      %swap3A_83 = vector.shape_cast %swap3A_82 : vector<16xi32> to vector<16xi32>
      %swap3A_84 = vector.shape_cast %add3A_81 : vector<16xi32> to vector<16xi32>
      tpu.vector_store %arg13[%swap3A], %swap3A_84 {strides = array<i32>} : memref<128xi32, #tpu.memory_space<vmem>>, vector<16xi32>,
      %get3A_85 = arith.constant 16 : index
      %get3A_86 = tpu.vector_load %arg9[%get3A_85] {strides = array<i32>} : memref<128xi32, #tpu.memory_space<vmem>>, vector<16xi32>,
      %get3A_87 = vector.shape_cast %get3A_86 : vector<16xi32> to vector<16xi32>
      %mul3A_88 = arith.constant 8 : i32
      %mul3A_89 = vector.broadcast %mul3A_88 : i32 to vector<16xi32>
      %mul3A_90 = arith.muli %get3A_87, %mul3A_89 : vector<16xi32>
      %get3A_91 = arith.constant 16 : index
      %get3A_92 = tpu.vector_load %arg10[%get3A_91] {strides = array<i32>} : memref<128xi32, #tpu.memory_space<vmem>>, vector<16xi32>,
      %get3A_93 = vector.shape_cast %get3A_92 : vector<16xi32> to vector<16xi32>
      %add3A_94 = arith.addi %mul3A_90, %get3A_93 : vector<16xi32>
      %swap3A_95 = arith.constant 16 : index
      %swap3A_96 = tpu.vector_load %arg13[%swap3A_95] {strides = array<i32>} : memref<128xi32, #tpu.memory_space<vmem>>, vector<16xi32>,
      %swap3A_97 = vector.shape_cast %swap3A_96 : vector<16xi32> to vector<16xi32>
      %swap3A_98 = vector.shape_cast %add3A_94 : vector<16xi32> to vector<16xi32>
      tpu.vector_store %arg13[%swap3A_95], %swap3A_98 {strides = array<i32>} : memref<128xi32, #tpu.memory_space<vmem>>, vector<16xi32>,
      %get3A_99 = arith.constant 32 : index
      %get3A_100 = tpu.vector_load %arg9[%get3A_99] {strides = array<i32>} : memref<128xi32, #tpu.memory_space<vmem>>, vector<16xi32>,
      %get3A_101 = vector.shape_cast %get3A_100 : vector<16xi32> to vector<16xi32>
      %mul3A_102 = arith.constant 8 : i32
      %mul3A_103 = vector.broadcast %mul3A_102 : i32 to vector<16xi32>
      %mul3A_104 = arith.muli %get3A_101, %mul3A_103 : vector<16xi32>
      %get3A_105 = arith.constant 32 : index
      %get3A_106 = tpu.vector_load %arg10[%get3A_105] {strides = array<i32>} : memref<128xi32, #tpu.memory_space<vmem>>, vector<16xi32>,
      %get3A_107 = vector.shape_cast %get3A_106 : vector<16xi32> to vector<16xi32>
      %add3A_108 = arith.addi %mul3A_104, %get3A_107 : vector<16xi32>
      %swap3A_109 = arith.constant 32 : index
      %swap3A_110 = tpu.vector_load %arg13[%swap3A_109] {strides = array<i32>} : memref<128xi32, #tpu.memory_space<vmem>>, vector<16xi32>,
      %swap3A_111 = vector.shape_cast %swap3A_110 : vector<16xi32> to vector<16xi32>
      %swap3A_112 = vector.shape_cast %add3A_108 : vector<16xi32> to vector<16xi32>
      tpu.vector_store %arg13[%swap3A_109], %swap3A_112 {strides = array<i32>} : memref<128xi32, #tpu.memory_space<vmem>>, vector<16xi32>,
      %get3A_113 = arith.constant 48 : index
      %get3A_114 = tpu.vector_load %arg9[%get3A_113] {strides = array<i32>} : memref<128xi32, #tpu.memory_space<vmem>>, vector<16xi32>,
      %get3A_115 = vector.shape_cast %get3A_114 : vector<16xi32> to vector<16xi32>
      %mul3A_116 = arith.constant 8 : i32
      %mul3A_117 = vector.broadcast %mul3A_116 : i32 to vector<16xi32>
      %mul3A_118 = arith.muli %get3A_115, %mul3A_117 : vector<16xi32>
      %get3A_119 = arith.constant 48 : index
      %get3A_120 = tpu.vector_load %arg10[%get3A_119] {strides = array<i32>} : memref<128xi32, #tpu.memory_space<vmem>>, vector<16xi32>,
      %get3A_121 = vector.shape_cast %get3A_120 : vector<16xi32> to vector<16xi32>
      %add3A_122 = arith.addi %mul3A_118, %get3A_121 : vector<16xi32>
      %swap3A_123 = arith.constant 48 : index
      %swap3A_124 = tpu.vector_load %arg13[%swap3A_123] {strides = array<i32>} : memref<128xi32, #tpu.memory_space<vmem>>, vector<16xi32>,
      %swap3A_125 = vector.shape_cast %swap3A_124 : vector<16xi32> to vector<16xi32>
      %swap3A_126 = vector.shape_cast %add3A_122 : vector<16xi32> to vector<16xi32>
      tpu.vector_store %arg13[%swap3A_123], %swap3A_126 {strides = array<i32>} : memref<128xi32, #tpu.memory_space<vmem>>, vector<16xi32>,
      %get3A_127 = arith.constant 64 : index
      %get3A_128 = tpu.vector_load %arg9[%get3A_127] {strides = array<i32>} : memref<128xi32, #tpu.memory_space<vmem>>, vector<16xi32>,
      %get3A_129 = vector.shape_cast %get3A_128 : vector<16xi32> to vector<16xi32>
      %mul3A_130 = arith.constant 8 : i32
      %mul3A_131 = vector.broadcast %mul3A_130 : i32 to vector<16xi32>
      %mul3A_132 = arith.muli %get3A_129, %mul3A_131 : vector<16xi32>
      %get3A_133 = arith.constant 64 : index
      %get3A_134 = tpu.vector_load %arg10[%get3A_133] {strides = array<i32>} : memref<128xi32, #tpu.memory_space<vmem>>, vector<16xi32>,
      %get3A_135 = vector.shape_cast %get3A_134 : vector<16xi32> to vector<16xi32>
      %add3A_136 = arith.addi %mul3A_132, %get3A_135 : vector<16xi32>
      %swap3A_137 = arith.constant 64 : index
      %swap3A_138 = tpu.vector_load %arg13[%swap3A_137] {strides = array<i32>} : memref<128xi32, #tpu.memory_space<vmem>>, vector<16xi32>,
      %swap3A_139 = vector.shape_cast %swap3A_138 : vector<16xi32> to vector<16xi32>
      %swap3A_140 = vector.shape_cast %add3A_136 : vector<16xi32> to vector<16xi32>
      tpu.vector_store %arg13[%swap3A_137], %swap3A_140 {strides = array<i32>} : memref<128xi32, #tpu.memory_space<vmem>>, vector<16xi32>,
      %get3A_141 = arith.constant 80 : index
      %get3A_142 = tpu.vector_load %arg9[%get3A_141] {strides = array<i32>} : memref<128xi32, #tpu.memory_space<vmem>>, vector<16xi32>,
      %get3A_143 = vector.shape_cast %get3A_142 : vector<16xi32> to vector<16xi32>
      %mul3A_144 = arith.constant 8 : i32
      %mul3A_145 = vector.broadcast %mul3A_144 : i32 to vector<16xi32>
      %mul3A_146 = arith.muli %get3A_143, %mul3A_145 : vector<16xi32>
      %get3A_147 = arith.constant 80 : index
      %get3A_148 = tpu.vector_load %arg10[%get3A_147] {strides = array<i32>} : memref<128xi32, #tpu.memory_space<vmem>>, vector<16xi32>,
      %get3A_149 = vector.shape_cast %get3A_148 : vector<16xi32> to vector<16xi32>
      %add3A_150 = arith.addi %mul3A_146, %get3A_149 : vector<16xi32>
      %swap3A_151 = arith.constant 80 : index
      %swap3A_152 = tpu.vector_load %arg13[%swap3A_151] {strides = array<i32>} : memref<128xi32, #tpu.memory_space<vmem>>, vector<16xi32>,
      %swap3A_153 = vector.shape_cast %swap3A_152 : vector<16xi32> to vector<16xi32>
      %swap3A_154 = vector.shape_cast %add3A_150 : vector<16xi32> to vector<16xi32>
      tpu.vector_store %arg13[%swap3A_151], %swap3A_154 {strides = array<i32>} : memref<128xi32, #tpu.memory_space<vmem>>, vector<16xi32>,
      %get3A_155 = arith.constant 96 : index
      %get3A_156 = tpu.vector_load %arg9[%get3A_155] {strides = array<i32>} : memref<128xi32, #tpu.memory_space<vmem>>, vector<16xi32>,
      %get3A_157 = vector.shape_cast %get3A_156 : vector<16xi32> to vector<16xi32>
      %mul3A_158 = arith.constant 8 : i32
      %mul3A_159 = vector.broadcast %mul3A_158 : i32 to vector<16xi32>
      %mul3A_160 = arith.muli %get3A_157, %mul3A_159 : vector<16xi32>
      %get3A_161 = arith.constant 96 : index
      %get3A_162 = tpu.vector_load %arg10[%get3A_161] {strides = array<i32>} : memref<128xi32, #tpu.memory_space<vmem>>, vector<16xi32>,
      %get3A_163 = vector.shape_cast %get3A_162 : vector<16xi32> to vector<16xi32>
      %add3A_164 = arith.addi %mul3A_160, %get3A_163 : vector<16xi32>
      %swap3A_165 = arith.constant 96 : index
      %swap3A_166 = tpu.vector_load %arg13[%swap3A_165] {strides = array<i32>} : memref<128xi32, #tpu.memory_space<vmem>>, vector<16xi32>,
      %swap3A_167 = vector.shape_cast %swap3A_166 : vector<16xi32> to vector<16xi32>
      %swap3A_168 = vector.shape_cast %add3A_164 : vector<16xi32> to vector<16xi32>
      tpu.vector_store %arg13[%swap3A_165], %swap3A_168 {strides = array<i32>} : memref<128xi32, #tpu.memory_space<vmem>>, vector<16xi32>,
      %get3A_169 = arith.constant 112 : index
      %get3A_170 = tpu.vector_load %arg9[%get3A_169] {strides = array<i32>} : memref<128xi32, #tpu.memory_space<vmem>>, vector<16xi32>,
      %get3A_171 = vector.shape_cast %get3A_170 : vector<16xi32> to vector<16xi32>
      %mul3A_172 = arith.constant 8 : i32
      %mul3A_173 = vector.broadcast %mul3A_172 : i32 to vector<16xi32>
      %mul3A_174 = arith.muli %get3A_171, %mul3A_173 : vector<16xi32>
      %get3A_175 = arith.constant 112 : index
      %get3A_176 = tpu.vector_load %arg10[%get3A_175] {strides = array<i32>} : memref<128xi32, #tpu.memory_space<vmem>>, vector<16xi32>,
      %get3A_177 = vector.shape_cast %get3A_176 : vector<16xi32> to vector<16xi32>
      %add3A_178 = arith.addi %mul3A_174, %get3A_177 : vector<16xi32>
      %swap3A_179 = arith.constant 112 : index
      %swap3A_180 = tpu.vector_load %arg13[%swap3A_179] {strides = array<i32>} : memref<128xi32, #tpu.memory_space<vmem>>, vector<16xi32>,
      %swap3A_181 = vector.shape_cast %swap3A_180 : vector<16xi32> to vector<16xi32>
      %swap3A_182 = vector.shape_cast %add3A_178 : vector<16xi32> to vector<16xi32>
      tpu.vector_store %arg13[%swap3A_179], %swap3A_182 {strides = array<i32>} : memref<128xi32, #tpu.memory_space<vmem>>, vector<16xi32>,
      %dma_start3A_183 = arith.constant 0 : i32
      %dma_start3A_184 = arith.constant 0 : i32
      %dma_start3A_185 = tpu.memref_slice %arg2[%dma_start3A_183, %dma_start3A_184] : memref<80000x128xf32, #tpu.memory_space<hbm>> -> memref<80000x128xf32, #tpu.memory_space<hbm>>
      tpu.enqueue_indirect_dma source(%dma_start3A_185 : memref<80000x128xf32, #tpu.memory_space<hbm>>) target(%arg14 : memref<128x128xf32, #tpu.memory_space<vmem>>) offsets(%arg13 : memref<128xi32, #tpu.memory_space<vmem>>) semaphore(%arg17 : memref<!tpu.dma_semaphore, #tpu.memory_space<semaphore_mem>>)
      %dma_wait3A_186 = arith.constant 0 : i32
      %dma_wait3A_187 = arith.constant 0 : i32
      %dma_wait3A_188 = tpu.memref_slice %arg2[%dma_wait3A_186, %dma_wait3A_187] : memref<80000x128xf32, #tpu.memory_space<hbm>> -> memref<80000x128xf32, #tpu.memory_space<hbm>>
      tpu.wait_indirect_dma semaphore(%arg17 : memref<!tpu.dma_semaphore, #tpu.memory_space<semaphore_mem>>) src(%dma_wait3A_188 : memref<80000x128xf32, #tpu.memory_space<hbm>>) dst(%arg14 : memref<128x128xf32, #tpu.memory_space<vmem>>)
      %scan3A_189 = arith.constant 0 : i32
      %scan3A_190 = arith.constant 0 : i32
      %scan3A_191 = arith.constant 128 : i32
      %scan3A_192 = arith.addi %scan3A_190, %scan3A_191 : i32
      %scan3A_193 = arith.constant 1 : i32
      scf.for %scan3A_195 = %scan3A_190 to %scan3A_192 step %scan3A_193  : i32 {
        %get3A_196 = arith.index_cast %scan3A_195 : i32 to index
        %get3A_197 = arith.constant 0 : index
        %get3A_198 = tpu.vector_load %arg12[%get3A_196, %get3A_197] {strides = array<i32>} : memref<128x16xf32, #tpu.memory_space<vmem>>, vector<1x16xf32>,
        %get3A_199 = vector.shape_cast %get3A_198 : vector<1x16xf32> to vector<16xf32>
        %get3A_200 = arith.index_cast %scan3A_195 : i32 to index
        %get3A_201 = arith.constant 0 : index
        %get3A_202 = tpu.vector_load %arg14[%get3A_200, %get3A_201] {strides = array<i32>} : memref<128x128xf32, #tpu.memory_space<vmem>>, vector<1x16xf32>,
        %get3A_203 = vector.shape_cast %get3A_202 : vector<1x16xf32> to vector<16xf32>
        %mul3A_204 = arith.mulf %get3A_203, %get3A_199 : vector<16xf32>
        %swap3A_205 = arith.index_cast %scan3A_195 : i32 to index
        %swap3A_206 = arith.constant 0 : index
        %swap3A_207 = tpu.vector_load %arg14[%swap3A_205, %swap3A_206] {strides = array<i32>} : memref<128x128xf32, #tpu.memory_space<vmem>>, vector<1x16xf32>,
        %swap3A_208 = vector.shape_cast %swap3A_207 : vector<1x16xf32> to vector<16xf32>
        %swap3A_209 = vector.shape_cast %mul3A_204 : vector<16xf32> to vector<1x16xf32>
        tpu.vector_store %arg14[%swap3A_205, %swap3A_206], %swap3A_209 {strides = array<i32>} : memref<128x128xf32, #tpu.memory_space<vmem>>, vector<1x16xf32>,
        %get3A_210 = arith.index_cast %scan3A_195 : i32 to index
        %get3A_211 = arith.constant 16 : index
        %get3A_212 = tpu.vector_load %arg14[%get3A_210, %get3A_211] {strides = array<i32>} : memref<128x128xf32, #tpu.memory_space<vmem>>, vector<1x16xf32>,
        %get3A_213 = vector.shape_cast %get3A_212 : vector<1x16xf32> to vector<16xf32>
        %mul3A_214 = arith.mulf %get3A_213, %get3A_199 : vector<16xf32>
        %swap3A_215 = arith.index_cast %scan3A_195 : i32 to index
        %swap3A_216 = arith.constant 16 : index
        %swap3A_217 = tpu.vector_load %arg14[%swap3A_215, %swap3A_216] {strides = array<i32>} : memref<128x128xf32, #tpu.memory_space<vmem>>, vector<1x16xf32>,
        %swap3A_218 = vector.shape_cast %swap3A_217 : vector<1x16xf32> to vector<16xf32>
        %swap3A_219 = vector.shape_cast %mul3A_214 : vector<16xf32> to vector<1x16xf32>
        tpu.vector_store %arg14[%swap3A_215, %swap3A_216], %swap3A_219 {strides = array<i32>} : memref<128x128xf32, #tpu.memory_space<vmem>>, vector<1x16xf32>,
        %get3A_220 = arith.index_cast %scan3A_195 : i32 to index
        %get3A_221 = arith.constant 32 : index
        %get3A_222 = tpu.vector_load %arg14[%get3A_220, %get3A_221] {strides = array<i32>} : memref<128x128xf32, #tpu.memory_space<vmem>>, vector<1x16xf32>,
        %get3A_223 = vector.shape_cast %get3A_222 : vector<1x16xf32> to vector<16xf32>
        %mul3A_224 = arith.mulf %get3A_223, %get3A_199 : vector<16xf32>
        %swap3A_225 = arith.index_cast %scan3A_195 : i32 to index
        %swap3A_226 = arith.constant 32 : index
        %swap3A_227 = tpu.vector_load %arg14[%swap3A_225, %swap3A_226] {strides = array<i32>} : memref<128x128xf32, #tpu.memory_space<vmem>>, vector<1x16xf32>,
        %swap3A_228 = vector.shape_cast %swap3A_227 : vector<1x16xf32> to vector<16xf32>
        %swap3A_229 = vector.shape_cast %mul3A_224 : vector<16xf32> to vector<1x16xf32>
        tpu.vector_store %arg14[%swap3A_225, %swap3A_226], %swap3A_229 {strides = array<i32>} : memref<128x128xf32, #tpu.memory_space<vmem>>, vector<1x16xf32>,
        %get3A_230 = arith.index_cast %scan3A_195 : i32 to index
        %get3A_231 = arith.constant 48 : index
        %get3A_232 = tpu.vector_load %arg14[%get3A_230, %get3A_231] {strides = array<i32>} : memref<128x128xf32, #tpu.memory_space<vmem>>, vector<1x16xf32>,
        %get3A_233 = vector.shape_cast %get3A_232 : vector<1x16xf32> to vector<16xf32>
        %mul3A_234 = arith.mulf %get3A_233, %get3A_199 : vector<16xf32>
        %swap3A_235 = arith.index_cast %scan3A_195 : i32 to index
        %swap3A_236 = arith.constant 48 : index
        %swap3A_237 = tpu.vector_load %arg14[%swap3A_235, %swap3A_236] {strides = array<i32>} : memref<128x128xf32, #tpu.memory_space<vmem>>, vector<1x16xf32>,
        %swap3A_238 = vector.shape_cast %swap3A_237 : vector<1x16xf32> to vector<16xf32>
        %swap3A_239 = vector.shape_cast %mul3A_234 : vector<16xf32> to vector<1x16xf32>
        tpu.vector_store %arg14[%swap3A_235, %swap3A_236], %swap3A_239 {strides = array<i32>} : memref<128x128xf32, #tpu.memory_space<vmem>>, vector<1x16xf32>,
        %get3A_240 = arith.index_cast %scan3A_195 : i32 to index
        %get3A_241 = arith.constant 64 : index
        %get3A_242 = tpu.vector_load %arg14[%get3A_240, %get3A_241] {strides = array<i32>} : memref<128x128xf32, #tpu.memory_space<vmem>>, vector<1x16xf32>,
        %get3A_243 = vector.shape_cast %get3A_242 : vector<1x16xf32> to vector<16xf32>
        %mul3A_244 = arith.mulf %get3A_243, %get3A_199 : vector<16xf32>
        %swap3A_245 = arith.index_cast %scan3A_195 : i32 to index
        %swap3A_246 = arith.constant 64 : index
        %swap3A_247 = tpu.vector_load %arg14[%swap3A_245, %swap3A_246] {strides = array<i32>} : memref<128x128xf32, #tpu.memory_space<vmem>>, vector<1x16xf32>,
        %swap3A_248 = vector.shape_cast %swap3A_247 : vector<1x16xf32> to vector<16xf32>
        %swap3A_249 = vector.shape_cast %mul3A_244 : vector<16xf32> to vector<1x16xf32>
        tpu.vector_store %arg14[%swap3A_245, %swap3A_246], %swap3A_249 {strides = array<i32>} : memref<128x128xf32, #tpu.memory_space<vmem>>, vector<1x16xf32>,
        %get3A_250 = arith.index_cast %scan3A_195 : i32 to index
        %get3A_251 = arith.constant 80 : index
        %get3A_252 = tpu.vector_load %arg14[%get3A_250, %get3A_251] {strides = array<i32>} : memref<128x128xf32, #tpu.memory_space<vmem>>, vector<1x16xf32>,
        %get3A_253 = vector.shape_cast %get3A_252 : vector<1x16xf32> to vector<16xf32>
        %mul3A_254 = arith.mulf %get3A_253, %get3A_199 : vector<16xf32>
        %swap3A_255 = arith.index_cast %scan3A_195 : i32 to index
        %swap3A_256 = arith.constant 80 : index
        %swap3A_257 = tpu.vector_load %arg14[%swap3A_255, %swap3A_256] {strides = array<i32>} : memref<128x128xf32, #tpu.memory_space<vmem>>, vector<1x16xf32>,
        %swap3A_258 = vector.shape_cast %swap3A_257 : vector<1x16xf32> to vector<16xf32>
        %swap3A_259 = vector.shape_cast %mul3A_254 : vector<16xf32> to vector<1x16xf32>
        tpu.vector_store %arg14[%swap3A_255, %swap3A_256], %swap3A_259 {strides = array<i32>} : memref<128x128xf32, #tpu.memory_space<vmem>>, vector<1x16xf32>,
        %get3A_260 = arith.index_cast %scan3A_195 : i32 to index
        %get3A_261 = arith.constant 96 : index
        %get3A_262 = tpu.vector_load %arg14[%get3A_260, %get3A_261] {strides = array<i32>} : memref<128x128xf32, #tpu.memory_space<vmem>>, vector<1x16xf32>,
        %get3A_263 = vector.shape_cast %get3A_262 : vector<1x16xf32> to vector<16xf32>
        %mul3A_264 = arith.mulf %get3A_263, %get3A_199 : vector<16xf32>
        %swap3A_265 = arith.index_cast %scan3A_195 : i32 to index
        %swap3A_266 = arith.constant 96 : index
        %swap3A_267 = tpu.vector_load %arg14[%swap3A_265, %swap3A_266] {strides = array<i32>} : memref<128x128xf32, #tpu.memory_space<vmem>>, vector<1x16xf32>,
        %swap3A_268 = vector.shape_cast %swap3A_267 : vector<1x16xf32> to vector<16xf32>
        %swap3A_269 = vector.shape_cast %mul3A_264 : vector<16xf32> to vector<1x16xf32>
        tpu.vector_store %arg14[%swap3A_265, %swap3A_266], %swap3A_269 {strides = array<i32>} : memref<128x128xf32, #tpu.memory_space<vmem>>, vector<1x16xf32>,
        %get3A_270 = arith.index_cast %scan3A_195 : i32 to index
        %get3A_271 = arith.constant 112 : index
        %get3A_272 = tpu.vector_load %arg14[%get3A_270, %get3A_271] {strides = array<i32>} : memref<128x128xf32, #tpu.memory_space<vmem>>, vector<1x16xf32>,
        %get3A_273 = vector.shape_cast %get3A_272 : vector<1x16xf32> to vector<16xf32>
        %mul3A_274 = arith.mulf %get3A_273, %get3A_199 : vector<16xf32>
        %swap3A_275 = arith.index_cast %scan3A_195 : i32 to index
        %swap3A_276 = arith.constant 112 : index
        %swap3A_277 = tpu.vector_load %arg14[%swap3A_275, %swap3A_276] {strides = array<i32>} : memref<128x128xf32, #tpu.memory_space<vmem>>, vector<1x16xf32>,
        %swap3A_278 = vector.shape_cast %swap3A_277 : vector<1x16xf32> to vector<16xf32>
        %swap3A_279 = vector.shape_cast %mul3A_274 : vector<16xf32> to vector<1x16xf32>
        tpu.vector_store %arg14[%swap3A_275, %swap3A_276], %swap3A_279 {strides = array<i32>} : memref<128x128xf32, #tpu.memory_space<vmem>>, vector<1x16xf32>,
      }
      %scan3A_194 = arith.constant 128 : i32
      "tpu.region"() ({
        %run_scoped3A = tpu.sem_alloc : memref<!tpu.dma_semaphore, #tpu.memory_space<semaphore_mem>>
        %dma_start3A_195 = arith.constant 0 : i32
        %dma_start3A_196 = arith.constant 0 : i32
        %dma_start3A_197 = tpu.memref_slice %arg16[%dma_start3A_195, %dma_start3A_196] : memref<10112x128xf32, #tpu.memory_space<vmem_shared>> -> memref<10112x128xf32, #tpu.memory_space<vmem_shared>>
        tpu.enqueue_indirect_dma source(%arg14 : memref<128x128xf32, #tpu.memory_space<vmem>>) target(%dma_start3A_197 : memref<10112x128xf32, #tpu.memory_space<vmem_shared>>) offsets(%arg11 : memref<128xi32, #tpu.memory_space<vmem>>) semaphore(%run_scoped3A : memref<!tpu.dma_semaphore, #tpu.memory_space<semaphore_mem>>) {add = true}
        %dma_wait3A_198 = arith.constant 0 : i32
        %dma_wait3A_199 = arith.constant 0 : i32
        %dma_wait3A_200 = tpu.memref_slice %arg16[%dma_wait3A_198, %dma_wait3A_199] : memref<10112x128xf32, #tpu.memory_space<vmem_shared>> -> memref<10112x128xf32, #tpu.memory_space<vmem_shared>>
        tpu.wait_indirect_dma semaphore(%run_scoped3A : memref<!tpu.dma_semaphore, #tpu.memory_space<semaphore_mem>>) src(%arg14 : memref<128x128xf32, #tpu.memory_space<vmem>>) dst(%dma_wait3A_200 : memref<10112x128xf32, #tpu.memory_space<vmem_shared>>)
        tpu.yield
      }) : () -> ()
    }
    %scan3A_29 = arith.constant 79 : i32
    %barrier3A_30 = arith.constant 0 : index
    tpu.barrier barrier_id(%barrier3A_30)
    %add3A_31 = arith.constant 0 : i32
    %add3A_32 = arith.addi %mul3A_4, %add3A_31 : i32
    "tpu.region"() ({
      %run_scoped3A = tpu.sem_alloc : memref<!tpu.dma_semaphore, #tpu.memory_space<semaphore_mem>>
      %dma_start3A = arith.constant 0 : i32
      %dma_start3A_51 = arith.constant 0 : i32
      %dma_start3A_52 = tpu.memref_slice %arg15[%dma_start3A, %dma_start3A_51] : memref<128x128xf32, #tpu.memory_space<vmem>> -> memref<128x128xf32, #tpu.memory_space<vmem>>
      %dma_start3A_53 = arith.constant 0 : i32
      %dma_start3A_54 = tpu.memref_slice %arg16[%add3A_32, %dma_start3A_53] : memref<10112x128xf32, #tpu.memory_space<vmem_shared>> -> memref<128x128xf32, #tpu.memory_space<vmem_shared>>
      %dma_start3A_55 = arith.constant 0 : i32
      %dma_start3A_56 = arith.constant 0 : i32
      %dma_start3A_57 = tpu.memref_slice %arg15[%dma_start3A_55, %dma_start3A_56] : memref<128x128xf32, #tpu.memory_space<vmem>> -> memref<128x128xf32, #tpu.memory_space<vmem>>
      %dma_start3A_58 = arith.constant 0 : i32
      %dma_start3A_59 = tpu.memref_slice %arg16[%add3A_32, %dma_start3A_58] : memref<10112x128xf32, #tpu.memory_space<vmem_shared>> -> memref<128x128xf32, #tpu.memory_space<vmem_shared>>
      tpu.enqueue_dma source(%dma_start3A_59 : memref<128x128xf32, #tpu.memory_space<vmem_shared>>) target(%dma_start3A_57 : memref<128x128xf32, #tpu.memory_space<vmem>>) target_semaphore(%run_scoped3A : memref<!tpu.dma_semaphore, #tpu.memory_space<semaphore_mem>>)
      %dma_wait3A = arith.constant 0 : i32
      %dma_wait3A_60 = arith.constant 0 : i32
      %dma_wait3A_61 = tpu.memref_slice %arg15[%dma_wait3A, %dma_wait3A_60] : memref<128x128xf32, #tpu.memory_space<vmem>> -> memref<128x128xf32, #tpu.memory_space<vmem>>
      %dma_wait3A_62 = arith.constant 0 : i32
      %dma_wait3A_63 = tpu.memref_slice %arg16[%add3A_32, %dma_wait3A_62] : memref<10112x128xf32, #tpu.memory_space<vmem_shared>> -> memref<128x128xf32, #tpu.memory_space<vmem_shared>>
      %dma_wait3A_64 = arith.constant 0 : i32
      %dma_wait3A_65 = arith.constant 0 : i32
      %dma_wait3A_66 = tpu.memref_slice %arg15[%dma_wait3A_64, %dma_wait3A_65] : memref<128x128xf32, #tpu.memory_space<vmem>> -> memref<128x128xf32, #tpu.memory_space<vmem>>
      %dma_wait3A_67 = arith.constant 0 : i32
      %dma_wait3A_68 = tpu.memref_slice %arg16[%add3A_32, %dma_wait3A_67] : memref<10112x128xf32, #tpu.memory_space<vmem_shared>> -> memref<128x128xf32, #tpu.memory_space<vmem_shared>>
      tpu.wait_dma2 semaphore(%run_scoped3A : memref<!tpu.dma_semaphore, #tpu.memory_space<semaphore_mem>>) src(%dma_wait3A_68 : memref<128x128xf32, #tpu.memory_space<vmem_shared>>) dst(%dma_wait3A_66 : memref<128x128xf32, #tpu.memory_space<vmem>>)
      tpu.yield
    }) : () -> ()
    %add3A_33 = arith.constant 0 : i32
    %add3A_34 = arith.addi %mul3A_4, %add3A_33 : i32
    "tpu.region"() ({
      %run_scoped3A = tpu.sem_alloc : memref<!tpu.dma_semaphore, #tpu.memory_space<semaphore_mem>>
      %dma_start3A = arith.constant 0 : i32
      %dma_start3A_51 = arith.constant 0 : i32
      %dma_start3A_52 = tpu.memref_slice %arg15[%dma_start3A, %dma_start3A_51] : memref<128x128xf32, #tpu.memory_space<vmem>> -> memref<128x128xf32, #tpu.memory_space<vmem>>
      %dma_start3A_53 = arith.constant 0 : i32
      %dma_start3A_54 = tpu.memref_slice %arg8[%arg0, %add3A_34, %dma_start3A_53] : memref<2x10112x128xf32, #tpu.memory_space<hbm>> -> memref<1x128x128xf32, #tpu.memory_space<hbm>>
      %dma_start3A_55 = tpu.memref_squeeze %dma_start3A_54 : memref<1x128x128xf32, #tpu.memory_space<hbm>> -> memref<128x128xf32, #tpu.memory_space<hbm>>
      %dma_start3A_56 = arith.constant 0 : i32
      %dma_start3A_57 = tpu.memref_slice %arg8[%arg0, %add3A_34, %dma_start3A_56] : memref<2x10112x128xf32, #tpu.memory_space<hbm>> -> memref<1x128x128xf32, #tpu.memory_space<hbm>>
      %dma_start3A_58 = tpu.memref_squeeze %dma_start3A_57 : memref<1x128x128xf32, #tpu.memory_space<hbm>> -> memref<128x128xf32, #tpu.memory_space<hbm>>
      %dma_start3A_59 = arith.constant 0 : i32
      %dma_start3A_60 = arith.constant 0 : i32
      %dma_start3A_61 = tpu.memref_slice %arg15[%dma_start3A_59, %dma_start3A_60] : memref<128x128xf32, #tpu.memory_space<vmem>> -> memref<128x128xf32, #tpu.memory_space<vmem>>
      tpu.enqueue_dma source(%dma_start3A_61 : memref<128x128xf32, #tpu.memory_space<vmem>>) target(%dma_start3A_58 : memref<128x128xf32, #tpu.memory_space<hbm>>) target_semaphore(%run_scoped3A : memref<!tpu.dma_semaphore, #tpu.memory_space<semaphore_mem>>)
      %dma_wait3A = arith.constant 0 : i32
      %dma_wait3A_62 = arith.constant 0 : i32
      %dma_wait3A_63 = tpu.memref_slice %arg15[%dma_wait3A, %dma_wait3A_62] : memref<128x128xf32, #tpu.memory_space<vmem>> -> memref<128x128xf32, #tpu.memory_space<vmem>>
      %dma_wait3A_64 = arith.constant 0 : i32
      %dma_wait3A_65 = tpu.memref_slice %arg8[%arg0, %add3A_34, %dma_wait3A_64] : memref<2x10112x128xf32, #tpu.memory_space<hbm>> -> memref<1x128x128xf32, #tpu.memory_space<hbm>>
      %dma_wait3A_66 = tpu.memref_squeeze %dma_wait3A_65 : memref<1x128x128xf32, #tpu.memory_space<hbm>> -> memref<128x128xf32, #tpu.memory_space<hbm>>
      %dma_wait3A_67 = arith.constant 0 : i32
      %dma_wait3A_68 = tpu.memref_slice %arg8[%arg0, %add3A_34, %dma_wait3A_67] : memref<2x10112x128xf32, #tpu.memory_space<hbm>> -> memref<1x128x128xf32, #tpu.memory_space<hbm>>
      %dma_wait3A_69 = tpu.memref_squeeze %dma_wait3A_68 : memref<1x128x128xf32, #tpu.memory_space<hbm>> -> memref<128x128xf32, #tpu.memory_space<hbm>>
      %dma_wait3A_70 = arith.constant 0 : i32
      %dma_wait3A_71 = arith.constant 0 : i32
      %dma_wait3A_72 = tpu.memref_slice %arg15[%dma_wait3A_70, %dma_wait3A_71] : memref<128x128xf32, #tpu.memory_space<vmem>> -> memref<128x128xf32, #tpu.memory_space<vmem>>
      tpu.wait_dma2 semaphore(%run_scoped3A : memref<!tpu.dma_semaphore, #tpu.memory_space<semaphore_mem>>) src(%dma_wait3A_72 : memref<128x128xf32, #tpu.memory_space<vmem>>) dst(%dma_wait3A_69 : memref<128x128xf32, #tpu.memory_space<hbm>>)
      tpu.yield
    }) : () -> ()
    %add3A_35 = arith.constant 128 : i32
    %add3A_36 = arith.addi %mul3A_4, %add3A_35 : i32
    "tpu.region"() ({
      %run_scoped3A = tpu.sem_alloc : memref<!tpu.dma_semaphore, #tpu.memory_space<semaphore_mem>>
      %dma_start3A = arith.constant 0 : i32
      %dma_start3A_51 = arith.constant 0 : i32
      %dma_start3A_52 = tpu.memref_slice %arg15[%dma_start3A, %dma_start3A_51] : memref<128x128xf32, #tpu.memory_space<vmem>> -> memref<128x128xf32, #tpu.memory_space<vmem>>
      %dma_start3A_53 = arith.constant 0 : i32
      %dma_start3A_54 = tpu.memref_slice %arg16[%add3A_36, %dma_start3A_53] : memref<10112x128xf32, #tpu.memory_space<vmem_shared>> -> memref<128x128xf32, #tpu.memory_space<vmem_shared>>
      %dma_start3A_55 = arith.constant 0 : i32
      %dma_start3A_56 = arith.constant 0 : i32
      %dma_start3A_57 = tpu.memref_slice %arg15[%dma_start3A_55, %dma_start3A_56] : memref<128x128xf32, #tpu.memory_space<vmem>> -> memref<128x128xf32, #tpu.memory_space<vmem>>
      %dma_start3A_58 = arith.constant 0 : i32
      %dma_start3A_59 = tpu.memref_slice %arg16[%add3A_36, %dma_start3A_58] : memref<10112x128xf32, #tpu.memory_space<vmem_shared>> -> memref<128x128xf32, #tpu.memory_space<vmem_shared>>
      tpu.enqueue_dma source(%dma_start3A_59 : memref<128x128xf32, #tpu.memory_space<vmem_shared>>) target(%dma_start3A_57 : memref<128x128xf32, #tpu.memory_space<vmem>>) target_semaphore(%run_scoped3A : memref<!tpu.dma_semaphore, #tpu.memory_space<semaphore_mem>>)
      %dma_wait3A = arith.constant 0 : i32
      %dma_wait3A_60 = arith.constant 0 : i32
      %dma_wait3A_61 = tpu.memref_slice %arg15[%dma_wait3A, %dma_wait3A_60] : memref<128x128xf32, #tpu.memory_space<vmem>> -> memref<128x128xf32, #tpu.memory_space<vmem>>
      %dma_wait3A_62 = arith.constant 0 : i32
      %dma_wait3A_63 = tpu.memref_slice %arg16[%add3A_36, %dma_wait3A_62] : memref<10112x128xf32, #tpu.memory_space<vmem_shared>> -> memref<128x128xf32, #tpu.memory_space<vmem_shared>>
      %dma_wait3A_64 = arith.constant 0 : i32
      %dma_wait3A_65 = arith.constant 0 : i32
      %dma_wait3A_66 = tpu.memref_slice %arg15[%dma_wait3A_64, %dma_wait3A_65] : memref<128x128xf32, #tpu.memory_space<vmem>> -> memref<128x128xf32, #tpu.memory_space<vmem>>
      %dma_wait3A_67 = arith.constant 0 : i32
      %dma_wait3A_68 = tpu.memref_slice %arg16[%add3A_36, %dma_wait3A_67] : memref<10112x128xf32, #tpu.memory_space<vmem_shared>> -> memref<128x128xf32, #tpu.memory_space<vmem_shared>>
      tpu.wait_dma2 semaphore(%run_scoped3A : memref<!tpu.dma_semaphore, #tpu.memory_space<semaphore_mem>>) src(%dma_wait3A_68 : memref<128x128xf32, #tpu.memory_space<vmem_shared>>) dst(%dma_wait3A_66 : memref<128x128xf32, #tpu.memory_space<vmem>>)
      tpu.yield
    }) : () -> ()
    %add3A_37 = arith.constant 128 : i32
    %add3A_38 = arith.addi %mul3A_4, %add3A_37 : i32
    "tpu.region"() ({
      %run_scoped3A = tpu.sem_alloc : memref<!tpu.dma_semaphore, #tpu.memory_space<semaphore_mem>>
      %dma_start3A = arith.constant 0 : i32
      %dma_start3A_51 = arith.constant 0 : i32
      %dma_start3A_52 = tpu.memref_slice %arg15[%dma_start3A, %dma_start3A_51] : memref<128x128xf32, #tpu.memory_space<vmem>> -> memref<128x128xf32, #tpu.memory_space<vmem>>
      %dma_start3A_53 = arith.constant 0 : i32
      %dma_start3A_54 = tpu.memref_slice %arg8[%arg0, %add3A_38, %dma_start3A_53] : memref<2x10112x128xf32, #tpu.memory_space<hbm>> -> memref<1x128x128xf32, #tpu.memory_space<hbm>>
      %dma_start3A_55 = tpu.memref_squeeze %dma_start3A_54 : memref<1x128x128xf32, #tpu.memory_space<hbm>> -> memref<128x128xf32, #tpu.memory_space<hbm>>
      %dma_start3A_56 = arith.constant 0 : i32
      %dma_start3A_57 = tpu.memref_slice %arg8[%arg0, %add3A_38, %dma_start3A_56] : memref<2x10112x128xf32, #tpu.memory_space<hbm>> -> memref<1x128x128xf32, #tpu.memory_space<hbm>>
      %dma_start3A_58 = tpu.memref_squeeze %dma_start3A_57 : memref<1x128x128xf32, #tpu.memory_space<hbm>> -> memref<128x128xf32, #tpu.memory_space<hbm>>
      %dma_start3A_59 = arith.constant 0 : i32
      %dma_start3A_60 = arith.constant 0 : i32
      %dma_start3A_61 = tpu.memref_slice %arg15[%dma_start3A_59, %dma_start3A_60] : memref<128x128xf32, #tpu.memory_space<vmem>> -> memref<128x128xf32, #tpu.memory_space<vmem>>
      tpu.enqueue_dma source(%dma_start3A_61 : memref<128x128xf32, #tpu.memory_space<vmem>>) target(%dma_start3A_58 : memref<128x128xf32, #tpu.memory_space<hbm>>) target_semaphore(%run_scoped3A : memref<!tpu.dma_semaphore, #tpu.memory_space<semaphore_mem>>)
      %dma_wait3A = arith.constant 0 : i32
      %dma_wait3A_62 = arith.constant 0 : i32
      %dma_wait3A_63 = tpu.memref_slice %arg15[%dma_wait3A, %dma_wait3A_62] : memref<128x128xf32, #tpu.memory_space<vmem>> -> memref<128x128xf32, #tpu.memory_space<vmem>>
      %dma_wait3A_64 = arith.constant 0 : i32
      %dma_wait3A_65 = tpu.memref_slice %arg8[%arg0, %add3A_38, %dma_wait3A_64] : memref<2x10112x128xf32, #tpu.memory_space<hbm>> -> memref<1x128x128xf32, #tpu.memory_space<hbm>>
      %dma_wait3A_66 = tpu.memref_squeeze %dma_wait3A_65 : memref<1x128x128xf32, #tpu.memory_space<hbm>> -> memref<128x128xf32, #tpu.memory_space<hbm>>
      %dma_wait3A_67 = arith.constant 0 : i32
      %dma_wait3A_68 = tpu.memref_slice %arg8[%arg0, %add3A_38, %dma_wait3A_67] : memref<2x10112x128xf32, #tpu.memory_space<hbm>> -> memref<1x128x128xf32, #tpu.memory_space<hbm>>
      %dma_wait3A_69 = tpu.memref_squeeze %dma_wait3A_68 : memref<1x128x128xf32, #tpu.memory_space<hbm>> -> memref<128x128xf32, #tpu.memory_space<hbm>>
      %dma_wait3A_70 = arith.constant 0 : i32
      %dma_wait3A_71 = arith.constant 0 : i32
      %dma_wait3A_72 = tpu.memref_slice %arg15[%dma_wait3A_70, %dma_wait3A_71] : memref<128x128xf32, #tpu.memory_space<vmem>> -> memref<128x128xf32, #tpu.memory_space<vmem>>
      tpu.wait_dma2 semaphore(%run_scoped3A : memref<!tpu.dma_semaphore, #tpu.memory_space<semaphore_mem>>) src(%dma_wait3A_72 : memref<128x128xf32, #tpu.memory_space<vmem>>) dst(%dma_wait3A_69 : memref<128x128xf32, #tpu.memory_space<hbm>>)
      tpu.yield
    }) : () -> ()
    %add3A_39 = arith.constant 256 : i32
    %add3A_40 = arith.addi %mul3A_4, %add3A_39 : i32
    "tpu.region"() ({
      %run_scoped3A = tpu.sem_alloc : memref<!tpu.dma_semaphore, #tpu.memory_space<semaphore_mem>>
      %dma_start3A = arith.constant 0 : i32
      %dma_start3A_51 = arith.constant 0 : i32
      %dma_start3A_52 = tpu.memref_slice %arg15[%dma_start3A, %dma_start3A_51] : memref<128x128xf32, #tpu.memory_space<vmem>> -> memref<128x128xf32, #tpu.memory_space<vmem>>
      %dma_start3A_53 = arith.constant 0 : i32
      %dma_start3A_54 = tpu.memref_slice %arg16[%add3A_40, %dma_start3A_53] : memref<10112x128xf32, #tpu.memory_space<vmem_shared>> -> memref<128x128xf32, #tpu.memory_space<vmem_shared>>
      %dma_start3A_55 = arith.constant 0 : i32
      %dma_start3A_56 = arith.constant 0 : i32
      %dma_start3A_57 = tpu.memref_slice %arg15[%dma_start3A_55, %dma_start3A_56] : memref<128x128xf32, #tpu.memory_space<vmem>> -> memref<128x128xf32, #tpu.memory_space<vmem>>
      %dma_start3A_58 = arith.constant 0 : i32
      %dma_start3A_59 = tpu.memref_slice %arg16[%add3A_40, %dma_start3A_58] : memref<10112x128xf32, #tpu.memory_space<vmem_shared>> -> memref<128x128xf32, #tpu.memory_space<vmem_shared>>
      tpu.enqueue_dma source(%dma_start3A_59 : memref<128x128xf32, #tpu.memory_space<vmem_shared>>) target(%dma_start3A_57 : memref<128x128xf32, #tpu.memory_space<vmem>>) target_semaphore(%run_scoped3A : memref<!tpu.dma_semaphore, #tpu.memory_space<semaphore_mem>>)
      %dma_wait3A = arith.constant 0 : i32
      %dma_wait3A_60 = arith.constant 0 : i32
      %dma_wait3A_61 = tpu.memref_slice %arg15[%dma_wait3A, %dma_wait3A_60] : memref<128x128xf32, #tpu.memory_space<vmem>> -> memref<128x128xf32, #tpu.memory_space<vmem>>
      %dma_wait3A_62 = arith.constant 0 : i32
      %dma_wait3A_63 = tpu.memref_slice %arg16[%add3A_40, %dma_wait3A_62] : memref<10112x128xf32, #tpu.memory_space<vmem_shared>> -> memref<128x128xf32, #tpu.memory_space<vmem_shared>>
      %dma_wait3A_64 = arith.constant 0 : i32
      %dma_wait3A_65 = arith.constant 0 : i32
      %dma_wait3A_66 = tpu.memref_slice %arg15[%dma_wait3A_64, %dma_wait3A_65] : memref<128x128xf32, #tpu.memory_space<vmem>> -> memref<128x128xf32, #tpu.memory_space<vmem>>
      %dma_wait3A_67 = arith.constant 0 : i32
      %dma_wait3A_68 = tpu.memref_slice %arg16[%add3A_40, %dma_wait3A_67] : memref<10112x128xf32, #tpu.memory_space<vmem_shared>> -> memref<128x128xf32, #tpu.memory_space<vmem_shared>>
      tpu.wait_dma2 semaphore(%run_scoped3A : memref<!tpu.dma_semaphore, #tpu.memory_space<semaphore_mem>>) src(%dma_wait3A_68 : memref<128x128xf32, #tpu.memory_space<vmem_shared>>) dst(%dma_wait3A_66 : memref<128x128xf32, #tpu.memory_space<vmem>>)
      tpu.yield
    }) : () -> ()
    %add3A_41 = arith.constant 256 : i32
    %add3A_42 = arith.addi %mul3A_4, %add3A_41 : i32
    "tpu.region"() ({
      %run_scoped3A = tpu.sem_alloc : memref<!tpu.dma_semaphore, #tpu.memory_space<semaphore_mem>>
      %dma_start3A = arith.constant 0 : i32
      %dma_start3A_51 = arith.constant 0 : i32
      %dma_start3A_52 = tpu.memref_slice %arg15[%dma_start3A, %dma_start3A_51] : memref<128x128xf32, #tpu.memory_space<vmem>> -> memref<128x128xf32, #tpu.memory_space<vmem>>
      %dma_start3A_53 = arith.constant 0 : i32
      %dma_start3A_54 = tpu.memref_slice %arg8[%arg0, %add3A_42, %dma_start3A_53] : memref<2x10112x128xf32, #tpu.memory_space<hbm>> -> memref<1x128x128xf32, #tpu.memory_space<hbm>>
      %dma_start3A_55 = tpu.memref_squeeze %dma_start3A_54 : memref<1x128x128xf32, #tpu.memory_space<hbm>> -> memref<128x128xf32, #tpu.memory_space<hbm>>
      %dma_start3A_56 = arith.constant 0 : i32
      %dma_start3A_57 = tpu.memref_slice %arg8[%arg0, %add3A_42, %dma_start3A_56] : memref<2x10112x128xf32, #tpu.memory_space<hbm>> -> memref<1x128x128xf32, #tpu.memory_space<hbm>>
      %dma_start3A_58 = tpu.memref_squeeze %dma_start3A_57 : memref<1x128x128xf32, #tpu.memory_space<hbm>> -> memref<128x128xf32, #tpu.memory_space<hbm>>
      %dma_start3A_59 = arith.constant 0 : i32
      %dma_start3A_60 = arith.constant 0 : i32
      %dma_start3A_61 = tpu.memref_slice %arg15[%dma_start3A_59, %dma_start3A_60] : memref<128x128xf32, #tpu.memory_space<vmem>> -> memref<128x128xf32, #tpu.memory_space<vmem>>
      tpu.enqueue_dma source(%dma_start3A_61 : memref<128x128xf32, #tpu.memory_space<vmem>>) target(%dma_start3A_58 : memref<128x128xf32, #tpu.memory_space<hbm>>) target_semaphore(%run_scoped3A : memref<!tpu.dma_semaphore, #tpu.memory_space<semaphore_mem>>)
      %dma_wait3A = arith.constant 0 : i32
      %dma_wait3A_62 = arith.constant 0 : i32
      %dma_wait3A_63 = tpu.memref_slice %arg15[%dma_wait3A, %dma_wait3A_62] : memref<128x128xf32, #tpu.memory_space<vmem>> -> memref<128x128xf32, #tpu.memory_space<vmem>>
      %dma_wait3A_64 = arith.constant 0 : i32
      %dma_wait3A_65 = tpu.memref_slice %arg8[%arg0, %add3A_42, %dma_wait3A_64] : memref<2x10112x128xf32, #tpu.memory_space<hbm>> -> memref<1x128x128xf32, #tpu.memory_space<hbm>>
      %dma_wait3A_66 = tpu.memref_squeeze %dma_wait3A_65 : memref<1x128x128xf32, #tpu.memory_space<hbm>> -> memref<128x128xf32, #tpu.memory_space<hbm>>
      %dma_wait3A_67 = arith.constant 0 : i32
      %dma_wait3A_68 = tpu.memref_slice %arg8[%arg0, %add3A_42, %dma_wait3A_67] : memref<2x10112x128xf32, #tpu.memory_space<hbm>> -> memref<1x128x128xf32, #tpu.memory_space<hbm>>
      %dma_wait3A_69 = tpu.memref_squeeze %dma_wait3A_68 : memref<1x128x128xf32, #tpu.memory_space<hbm>> -> memref<128x128xf32, #tpu.memory_space<hbm>>
      %dma_wait3A_70 = arith.constant 0 : i32
      %dma_wait3A_71 = arith.constant 0 : i32
      %dma_wait3A_72 = tpu.memref_slice %arg15[%dma_wait3A_70, %dma_wait3A_71] : memref<128x128xf32, #tpu.memory_space<vmem>> -> memref<128x128xf32, #tpu.memory_space<vmem>>
      tpu.wait_dma2 semaphore(%run_scoped3A : memref<!tpu.dma_semaphore, #tpu.memory_space<semaphore_mem>>) src(%dma_wait3A_72 : memref<128x128xf32, #tpu.memory_space<vmem>>) dst(%dma_wait3A_69 : memref<128x128xf32, #tpu.memory_space<hbm>>)
      tpu.yield
    }) : () -> ()
    %add3A_43 = arith.constant 384 : i32
    %add3A_44 = arith.addi %mul3A_4, %add3A_43 : i32
    "tpu.region"() ({
      %run_scoped3A = tpu.sem_alloc : memref<!tpu.dma_semaphore, #tpu.memory_space<semaphore_mem>>
      %dma_start3A = arith.constant 0 : i32
      %dma_start3A_51 = arith.constant 0 : i32
      %dma_start3A_52 = tpu.memref_slice %arg15[%dma_start3A, %dma_start3A_51] : memref<128x128xf32, #tpu.memory_space<vmem>> -> memref<128x128xf32, #tpu.memory_space<vmem>>
      %dma_start3A_53 = arith.constant 0 : i32
      %dma_start3A_54 = tpu.memref_slice %arg16[%add3A_44, %dma_start3A_53] : memref<10112x128xf32, #tpu.memory_space<vmem_shared>> -> memref<128x128xf32, #tpu.memory_space<vmem_shared>>
      %dma_start3A_55 = arith.constant 0 : i32
      %dma_start3A_56 = arith.constant 0 : i32
      %dma_start3A_57 = tpu.memref_slice %arg15[%dma_start3A_55, %dma_start3A_56] : memref<128x128xf32, #tpu.memory_space<vmem>> -> memref<128x128xf32, #tpu.memory_space<vmem>>
      %dma_start3A_58 = arith.constant 0 : i32
      %dma_start3A_59 = tpu.memref_slice %arg16[%add3A_44, %dma_start3A_58] : memref<10112x128xf32, #tpu.memory_space<vmem_shared>> -> memref<128x128xf32, #tpu.memory_space<vmem_shared>>
      tpu.enqueue_dma source(%dma_start3A_59 : memref<128x128xf32, #tpu.memory_space<vmem_shared>>) target(%dma_start3A_57 : memref<128x128xf32, #tpu.memory_space<vmem>>) target_semaphore(%run_scoped3A : memref<!tpu.dma_semaphore, #tpu.memory_space<semaphore_mem>>)
      %dma_wait3A = arith.constant 0 : i32
      %dma_wait3A_60 = arith.constant 0 : i32
      %dma_wait3A_61 = tpu.memref_slice %arg15[%dma_wait3A, %dma_wait3A_60] : memref<128x128xf32, #tpu.memory_space<vmem>> -> memref<128x128xf32, #tpu.memory_space<vmem>>
      %dma_wait3A_62 = arith.constant 0 : i32
      %dma_wait3A_63 = tpu.memref_slice %arg16[%add3A_44, %dma_wait3A_62] : memref<10112x128xf32, #tpu.memory_space<vmem_shared>> -> memref<128x128xf32, #tpu.memory_space<vmem_shared>>
      %dma_wait3A_64 = arith.constant 0 : i32
      %dma_wait3A_65 = arith.constant 0 : i32
      %dma_wait3A_66 = tpu.memref_slice %arg15[%dma_wait3A_64, %dma_wait3A_65] : memref<128x128xf32, #tpu.memory_space<vmem>> -> memref<128x128xf32, #tpu.memory_space<vmem>>
      %dma_wait3A_67 = arith.constant 0 : i32
      %dma_wait3A_68 = tpu.memref_slice %arg16[%add3A_44, %dma_wait3A_67] : memref<10112x128xf32, #tpu.memory_space<vmem_shared>> -> memref<128x128xf32, #tpu.memory_space<vmem_shared>>
      tpu.wait_dma2 semaphore(%run_scoped3A : memref<!tpu.dma_semaphore, #tpu.memory_space<semaphore_mem>>) src(%dma_wait3A_68 : memref<128x128xf32, #tpu.memory_space<vmem_shared>>) dst(%dma_wait3A_66 : memref<128x128xf32, #tpu.memory_space<vmem>>)
      tpu.yield
    }) : () -> ()
    %add3A_45 = arith.constant 384 : i32
    %add3A_46 = arith.addi %mul3A_4, %add3A_45 : i32
    "tpu.region"() ({
      %run_scoped3A = tpu.sem_alloc : memref<!tpu.dma_semaphore, #tpu.memory_space<semaphore_mem>>
      %dma_start3A = arith.constant 0 : i32
      %dma_start3A_51 = arith.constant 0 : i32
      %dma_start3A_52 = tpu.memref_slice %arg15[%dma_start3A, %dma_start3A_51] : memref<128x128xf32, #tpu.memory_space<vmem>> -> memref<128x128xf32, #tpu.memory_space<vmem>>
      %dma_start3A_53 = arith.constant 0 : i32
      %dma_start3A_54 = tpu.memref_slice %arg8[%arg0, %add3A_46, %dma_start3A_53] : memref<2x10112x128xf32, #tpu.memory_space<hbm>> -> memref<1x128x128xf32, #tpu.memory_space<hbm>>
      %dma_start3A_55 = tpu.memref_squeeze %dma_start3A_54 : memref<1x128x128xf32, #tpu.memory_space<hbm>> -> memref<128x128xf32, #tpu.memory_space<hbm>>
      %dma_start3A_56 = arith.constant 0 : i32
      %dma_start3A_57 = tpu.memref_slice %arg8[%arg0, %add3A_46, %dma_start3A_56] : memref<2x10112x128xf32, #tpu.memory_space<hbm>> -> memref<1x128x128xf32, #tpu.memory_space<hbm>>
      %dma_start3A_58 = tpu.memref_squeeze %dma_start3A_57 : memref<1x128x128xf32, #tpu.memory_space<hbm>> -> memref<128x128xf32, #tpu.memory_space<hbm>>
      %dma_start3A_59 = arith.constant 0 : i32
      %dma_start3A_60 = arith.constant 0 : i32
      %dma_start3A_61 = tpu.memref_slice %arg15[%dma_start3A_59, %dma_start3A_60] : memref<128x128xf32, #tpu.memory_space<vmem>> -> memref<128x128xf32, #tpu.memory_space<vmem>>
      tpu.enqueue_dma source(%dma_start3A_61 : memref<128x128xf32, #tpu.memory_space<vmem>>) target(%dma_start3A_58 : memref<128x128xf32, #tpu.memory_space<hbm>>) target_semaphore(%run_scoped3A : memref<!tpu.dma_semaphore, #tpu.memory_space<semaphore_mem>>)
      %dma_wait3A = arith.constant 0 : i32
      %dma_wait3A_62 = arith.constant 0 : i32
      %dma_wait3A_63 = tpu.memref_slice %arg15[%dma_wait3A, %dma_wait3A_62] : memref<128x128xf32, #tpu.memory_space<vmem>> -> memref<128x128xf32, #tpu.memory_space<vmem>>
      %dma_wait3A_64 = arith.constant 0 : i32
      %dma_wait3A_65 = tpu.memref_slice %arg8[%arg0, %add3A_46, %dma_wait3A_64] : memref<2x10112x128xf32, #tpu.memory_space<hbm>> -> memref<1x128x128xf32, #tpu.memory_space<hbm>>
      %dma_wait3A_66 = tpu.memref_squeeze %dma_wait3A_65 : memref<1x128x128xf32, #tpu.memory_space<hbm>> -> memref<128x128xf32, #tpu.memory_space<hbm>>
      %dma_wait3A_67 = arith.constant 0 : i32
      %dma_wait3A_68 = tpu.memref_slice %arg8[%arg0, %add3A_46, %dma_wait3A_67] : memref<2x10112x128xf32, #tpu.memory_space<hbm>> -> memref<1x128x128xf32, #tpu.memory_space<hbm>>
      %dma_wait3A_69 = tpu.memref_squeeze %dma_wait3A_68 : memref<1x128x128xf32, #tpu.memory_space<hbm>> -> memref<128x128xf32, #tpu.memory_space<hbm>>
      %dma_wait3A_70 = arith.constant 0 : i32
      %dma_wait3A_71 = arith.constant 0 : i32
      %dma_wait3A_72 = tpu.memref_slice %arg15[%dma_wait3A_70, %dma_wait3A_71] : memref<128x128xf32, #tpu.memory_space<vmem>> -> memref<128x128xf32, #tpu.memory_space<vmem>>
      tpu.wait_dma2 semaphore(%run_scoped3A : memref<!tpu.dma_semaphore, #tpu.memory_space<semaphore_mem>>) src(%dma_wait3A_72 : memref<128x128xf32, #tpu.memory_space<vmem>>) dst(%dma_wait3A_69 : memref<128x128xf32, #tpu.memory_space<hbm>>)
      tpu.yield
    }) : () -> ()
    %add3A_47 = arith.constant 512 : i32
    %add3A_48 = arith.addi %mul3A_4, %add3A_47 : i32
    "tpu.region"() ({
      %run_scoped3A = tpu.sem_alloc : memref<!tpu.dma_semaphore, #tpu.memory_space<semaphore_mem>>
      %dma_start3A = arith.constant 0 : i32
      %dma_start3A_51 = arith.constant 0 : i32
      %dma_start3A_52 = tpu.memref_slice %arg15[%dma_start3A, %dma_start3A_51] : memref<128x128xf32, #tpu.memory_space<vmem>> -> memref<120x128xf32, #tpu.memory_space<vmem>>
      %dma_start3A_53 = arith.constant 0 : i32
      %dma_start3A_54 = tpu.memref_slice %arg16[%add3A_48, %dma_start3A_53] : memref<10112x128xf32, #tpu.memory_space<vmem_shared>> -> memref<120x128xf32, #tpu.memory_space<vmem_shared>>
      %dma_start3A_55 = arith.constant 0 : i32
      %dma_start3A_56 = arith.constant 0 : i32
      %dma_start3A_57 = tpu.memref_slice %arg15[%dma_start3A_55, %dma_start3A_56] : memref<128x128xf32, #tpu.memory_space<vmem>> -> memref<120x128xf32, #tpu.memory_space<vmem>>
      %dma_start3A_58 = arith.constant 0 : i32
      %dma_start3A_59 = tpu.memref_slice %arg16[%add3A_48, %dma_start3A_58] : memref<10112x128xf32, #tpu.memory_space<vmem_shared>> -> memref<120x128xf32, #tpu.memory_space<vmem_shared>>
      tpu.enqueue_dma source(%dma_start3A_59 : memref<120x128xf32, #tpu.memory_space<vmem_shared>>) target(%dma_start3A_57 : memref<120x128xf32, #tpu.memory_space<vmem>>) target_semaphore(%run_scoped3A : memref<!tpu.dma_semaphore, #tpu.memory_space<semaphore_mem>>)
      %dma_wait3A = arith.constant 0 : i32
      %dma_wait3A_60 = arith.constant 0 : i32
      %dma_wait3A_61 = tpu.memref_slice %arg15[%dma_wait3A, %dma_wait3A_60] : memref<128x128xf32, #tpu.memory_space<vmem>> -> memref<120x128xf32, #tpu.memory_space<vmem>>
      %dma_wait3A_62 = arith.constant 0 : i32
      %dma_wait3A_63 = tpu.memref_slice %arg16[%add3A_48, %dma_wait3A_62] : memref<10112x128xf32, #tpu.memory_space<vmem_shared>> -> memref<120x128xf32, #tpu.memory_space<vmem_shared>>
      %dma_wait3A_64 = arith.constant 0 : i32
      %dma_wait3A_65 = arith.constant 0 : i32
      %dma_wait3A_66 = tpu.memref_slice %arg15[%dma_wait3A_64, %dma_wait3A_65] : memref<128x128xf32, #tpu.memory_space<vmem>> -> memref<120x128xf32, #tpu.memory_space<vmem>>
      %dma_wait3A_67 = arith.constant 0 : i32
      %dma_wait3A_68 = tpu.memref_slice %arg16[%add3A_48, %dma_wait3A_67] : memref<10112x128xf32, #tpu.memory_space<vmem_shared>> -> memref<120x128xf32, #tpu.memory_space<vmem_shared>>
      tpu.wait_dma2 semaphore(%run_scoped3A : memref<!tpu.dma_semaphore, #tpu.memory_space<semaphore_mem>>) src(%dma_wait3A_68 : memref<120x128xf32, #tpu.memory_space<vmem_shared>>) dst(%dma_wait3A_66 : memref<120x128xf32, #tpu.memory_space<vmem>>)
      tpu.yield
    }) : () -> ()
    %add3A_49 = arith.constant 512 : i32
    %add3A_50 = arith.addi %mul3A_4, %add3A_49 : i32
    "tpu.region"() ({
      %run_scoped3A = tpu.sem_alloc : memref<!tpu.dma_semaphore, #tpu.memory_space<semaphore_mem>>
      %dma_start3A = arith.constant 0 : i32
      %dma_start3A_51 = arith.constant 0 : i32
      %dma_start3A_52 = tpu.memref_slice %arg15[%dma_start3A, %dma_start3A_51] : memref<128x128xf32, #tpu.memory_space<vmem>> -> memref<120x128xf32, #tpu.memory_space<vmem>>
      %dma_start3A_53 = arith.constant 0 : i32
      %dma_start3A_54 = tpu.memref_slice %arg8[%arg0, %add3A_50, %dma_start3A_53] : memref<2x10112x128xf32, #tpu.memory_space<hbm>> -> memref<1x120x128xf32, #tpu.memory_space<hbm>>
      %dma_start3A_55 = tpu.memref_squeeze %dma_start3A_54 : memref<1x120x128xf32, #tpu.memory_space<hbm>> -> memref<120x128xf32, #tpu.memory_space<hbm>>
      %dma_start3A_56 = arith.constant 0 : i32
      %dma_start3A_57 = tpu.memref_slice %arg8[%arg0, %add3A_50, %dma_start3A_56] : memref<2x10112x128xf32, #tpu.memory_space<hbm>> -> memref<1x120x128xf32, #tpu.memory_space<hbm>>
      %dma_start3A_58 = tpu.memref_squeeze %dma_start3A_57 : memref<1x120x128xf32, #tpu.memory_space<hbm>> -> memref<120x128xf32, #tpu.memory_space<hbm>>
      %dma_start3A_59 = arith.constant 0 : i32
      %dma_start3A_60 = arith.constant 0 : i32
      %dma_start3A_61 = tpu.memref_slice %arg15[%dma_start3A_59, %dma_start3A_60] : memref<128x128xf32, #tpu.memory_space<vmem>> -> memref<120x128xf32, #tpu.memory_space<vmem>>
      tpu.enqueue_dma source(%dma_start3A_61 : memref<120x128xf32, #tpu.memory_space<vmem>>) target(%dma_start3A_58 : memref<120x128xf32, #tpu.memory_space<hbm>>) target_semaphore(%run_scoped3A : memref<!tpu.dma_semaphore, #tpu.memory_space<semaphore_mem>>)
      %dma_wait3A = arith.constant 0 : i32
      %dma_wait3A_62 = arith.constant 0 : i32
      %dma_wait3A_63 = tpu.memref_slice %arg15[%dma_wait3A, %dma_wait3A_62] : memref<128x128xf32, #tpu.memory_space<vmem>> -> memref<120x128xf32, #tpu.memory_space<vmem>>
      %dma_wait3A_64 = arith.constant 0 : i32
      %dma_wait3A_65 = tpu.memref_slice %arg8[%arg0, %add3A_50, %dma_wait3A_64] : memref<2x10112x128xf32, #tpu.memory_space<hbm>> -> memref<1x120x128xf32, #tpu.memory_space<hbm>>
      %dma_wait3A_66 = tpu.memref_squeeze %dma_wait3A_65 : memref<1x120x128xf32, #tpu.memory_space<hbm>> -> memref<120x128xf32, #tpu.memory_space<hbm>>
      %dma_wait3A_67 = arith.constant 0 : i32
      %dma_wait3A_68 = tpu.memref_slice %arg8[%arg0, %add3A_50, %dma_wait3A_67] : memref<2x10112x128xf32, #tpu.memory_space<hbm>> -> memref<1x120x128xf32, #tpu.memory_space<hbm>>
      %dma_wait3A_69 = tpu.memref_squeeze %dma_wait3A_68 : memref<1x120x128xf32, #tpu.memory_space<hbm>> -> memref<120x128xf32, #tpu.memory_space<hbm>>
      %dma_wait3A_70 = arith.constant 0 : i32
      %dma_wait3A_71 = arith.constant 0 : i32
      %dma_wait3A_72 = tpu.memref_slice %arg15[%dma_wait3A_70, %dma_wait3A_71] : memref<128x128xf32, #tpu.memory_space<vmem>> -> memref<120x128xf32, #tpu.memory_space<vmem>>
      tpu.wait_dma2 semaphore(%run_scoped3A : memref<!tpu.dma_semaphore, #tpu.memory_space<semaphore_mem>>) src(%dma_wait3A_72 : memref<120x128xf32, #tpu.memory_space<vmem>>) dst(%dma_wait3A_69 : memref<120x128xf32, #tpu.memory_space<hbm>>)
      tpu.yield
    }) : () -> ()
    return
  }
}

module attributes {stable_mosaic.version = 14 : i64} {
  func.func @_project_body(%arg0: i32, %arg1: memref<1000x128xf32, #tpu.memory_space<vmem>>, %arg2: memref<4x128x128xf32, #tpu.memory_space<vmem>>, %arg3: memref<8x4xf32, #tpu.memory_space<smem>>, %arg4: memref<1000x8x128xf32, #tpu.memory_space<vmem>>) attributes {dimension_semantics = [#tpu.dimension_semantics<arbitrary>], iteration_bounds = array<i64: 10>, scalar_prefetch = 0 : i64, scratch_operands = 0 : i64, tpu.core_type = #tpu.core_type<tc>, window_params = [{transform_indices = @transform_0, window_bounds = array<i64: 1000, 128>}, {pipeline_mode = #tpu.pipeline_mode<synchronous>, transform_indices = @transform_1, window_bounds = array<i64: 4, 128, 128>}, {transform_indices = @transform_2, window_bounds = array<i64: 8, 4>}, {transform_indices = @transform_3, window_bounds = array<i64: 1000, 8, 128>}]} {
    %get3A = arith.constant 0 : index
    %get3A_0 = arith.constant 0 : index
    %get3A_1 = vector.load %arg1[%get3A, %get3A_0] : memref<1000x128xf32, #tpu.memory_space<vmem>>, vector<1000x128xf32>
    %get3A_2 = arith.constant 0 : index
    %get3A_3 = arith.constant 0 : index
    %get3A_4 = arith.constant 0 : index
    %get3A_5 = vector.load %arg2[%get3A_2, %get3A_3, %get3A_4] : memref<4x128x128xf32, #tpu.memory_space<vmem>>, vector<1x128x128xf32>
    %get3A_6 = vector.shape_cast %get3A_5 : vector<1x128x128xf32> to vector<128x128xf32>
    %dot_general3A = arith.constant dense<0.000000e+00> : vector<1000x128xf32>
    %dot_general3A_7 = tpu.matmul %get3A_1, %get3A_6, %dot_general3A {dimension_numbers = #tpu.dot_dimension_numbers<[1], [0], [0], [1], [0, 0, 1, 1], [], []>, transpose_lhs_hint = false} : vector<1000x128xf32>, vector<128x128xf32>, vector<1000x128xf32> -> vector<1000x128xf32>
    %get3A_8 = arith.constant 1 : index
    %get3A_9 = arith.constant 0 : index
    %get3A_10 = arith.constant 0 : index
    %get3A_11 = vector.load %arg2[%get3A_8, %get3A_9, %get3A_10] : memref<4x128x128xf32, #tpu.memory_space<vmem>>, vector<1x128x128xf32>
    %get3A_12 = vector.shape_cast %get3A_11 : vector<1x128x128xf32> to vector<128x128xf32>
    %dot_general3A_13 = arith.constant dense<0.000000e+00> : vector<1000x128xf32>
    %dot_general3A_14 = tpu.matmul %get3A_1, %get3A_12, %dot_general3A_13 {dimension_numbers = #tpu.dot_dimension_numbers<[1], [0], [0], [1], [0, 0, 1, 1], [], []>, transpose_lhs_hint = false} : vector<1000x128xf32>, vector<128x128xf32>, vector<1000x128xf32> -> vector<1000x128xf32>
    %get3A_15 = arith.constant 2 : index
    %get3A_16 = arith.constant 0 : index
    %get3A_17 = arith.constant 0 : index
    %get3A_18 = vector.load %arg2[%get3A_15, %get3A_16, %get3A_17] : memref<4x128x128xf32, #tpu.memory_space<vmem>>, vector<1x128x128xf32>
    %get3A_19 = vector.shape_cast %get3A_18 : vector<1x128x128xf32> to vector<128x128xf32>
    %dot_general3A_20 = arith.constant dense<0.000000e+00> : vector<1000x128xf32>
    %dot_general3A_21 = tpu.matmul %get3A_1, %get3A_19, %dot_general3A_20 {dimension_numbers = #tpu.dot_dimension_numbers<[1], [0], [0], [1], [0, 0, 1, 1], [], []>, transpose_lhs_hint = false} : vector<1000x128xf32>, vector<128x128xf32>, vector<1000x128xf32> -> vector<1000x128xf32>
    %get3A_22 = arith.constant 3 : index
    %get3A_23 = arith.constant 0 : index
    %get3A_24 = arith.constant 0 : index
    %get3A_25 = vector.load %arg2[%get3A_22, %get3A_23, %get3A_24] : memref<4x128x128xf32, #tpu.memory_space<vmem>>, vector<1x128x128xf32>
    %get3A_26 = vector.shape_cast %get3A_25 : vector<1x128x128xf32> to vector<128x128xf32>
    %dot_general3A_27 = arith.constant dense<0.000000e+00> : vector<1000x128xf32>
    %dot_general3A_28 = tpu.matmul %get3A_1, %get3A_26, %dot_general3A_27 {dimension_numbers = #tpu.dot_dimension_numbers<[1], [0], [0], [1], [0, 0, 1, 1], [], []>, transpose_lhs_hint = false} : vector<1000x128xf32>, vector<128x128xf32>, vector<1000x128xf32> -> vector<1000x128xf32>
    %get3A_29 = arith.constant 0 : index
    %get3A_30 = arith.constant 0 : index
    %get3A_31 = memref.load %arg3[%get3A_29, %get3A_30] : memref<8x4xf32, #tpu.memory_space<smem>>
    %mul3A = vector.broadcast %get3A_31 : f32 to vector<1000x128xf32>
    %mul3A_32 = arith.mulf %dot_general3A_7, %mul3A : vector<1000x128xf32>
    %get3A_33 = arith.constant 0 : index
    %get3A_34 = arith.constant 1 : index
    %get3A_35 = memref.load %arg3[%get3A_33, %get3A_34] : memref<8x4xf32, #tpu.memory_space<smem>>
    %mul3A_36 = vector.broadcast %get3A_35 : f32 to vector<1000x128xf32>
    %mul3A_37 = arith.mulf %dot_general3A_14, %mul3A_36 : vector<1000x128xf32>
    %add3A = arith.addf %mul3A_32, %mul3A_37 : vector<1000x128xf32>
    %get3A_38 = arith.constant 0 : index
    %get3A_39 = arith.constant 2 : index
    %get3A_40 = memref.load %arg3[%get3A_38, %get3A_39] : memref<8x4xf32, #tpu.memory_space<smem>>
    %mul3A_41 = vector.broadcast %get3A_40 : f32 to vector<1000x128xf32>
    %mul3A_42 = arith.mulf %dot_general3A_21, %mul3A_41 : vector<1000x128xf32>
    %add3A_43 = arith.addf %add3A, %mul3A_42 : vector<1000x128xf32>
    %get3A_44 = arith.constant 0 : index
    %get3A_45 = arith.constant 3 : index
    %get3A_46 = memref.load %arg3[%get3A_44, %get3A_45] : memref<8x4xf32, #tpu.memory_space<smem>>
    %mul3A_47 = vector.broadcast %get3A_46 : f32 to vector<1000x128xf32>
    %mul3A_48 = arith.mulf %dot_general3A_28, %mul3A_47 : vector<1000x128xf32>
    %add3A_49 = arith.addf %add3A_43, %mul3A_48 : vector<1000x128xf32>
    %swap3A = arith.constant 0 : index
    %swap3A_50 = arith.constant 0 : index
    %swap3A_51 = arith.constant 0 : index
    %swap3A_52 = vector.load %arg4[%swap3A, %swap3A_50, %swap3A_51] : memref<1000x8x128xf32, #tpu.memory_space<vmem>>, vector<1000x1x128xf32>
    %swap3A_53 = vector.shape_cast %swap3A_52 : vector<1000x1x128xf32> to vector<1000x128xf32>
    %swap3A_54 = vector.shape_cast %add3A_49 : vector<1000x128xf32> to vector<1000x1x128xf32>
    tpu.vector_store %arg4[%swap3A, %swap3A_50, %swap3A_51], %swap3A_54 {strides = array<i32>} : memref<1000x8x128xf32, #tpu.memory_space<vmem>>, vector<1000x1x128xf32>,
    %get3A_55 = arith.constant 1 : index
    %get3A_56 = arith.constant 0 : index
    %get3A_57 = memref.load %arg3[%get3A_55, %get3A_56] : memref<8x4xf32, #tpu.memory_space<smem>>
    %mul3A_58 = vector.broadcast %get3A_57 : f32 to vector<1000x128xf32>
    %mul3A_59 = arith.mulf %dot_general3A_7, %mul3A_58 : vector<1000x128xf32>
    %get3A_60 = arith.constant 1 : index
    %get3A_61 = arith.constant 1 : index
    %get3A_62 = memref.load %arg3[%get3A_60, %get3A_61] : memref<8x4xf32, #tpu.memory_space<smem>>
    %mul3A_63 = vector.broadcast %get3A_62 : f32 to vector<1000x128xf32>
    %mul3A_64 = arith.mulf %dot_general3A_14, %mul3A_63 : vector<1000x128xf32>
    %add3A_65 = arith.addf %mul3A_59, %mul3A_64 : vector<1000x128xf32>
    %get3A_66 = arith.constant 1 : index
    %get3A_67 = arith.constant 2 : index
    %get3A_68 = memref.load %arg3[%get3A_66, %get3A_67] : memref<8x4xf32, #tpu.memory_space<smem>>
    %mul3A_69 = vector.broadcast %get3A_68 : f32 to vector<1000x128xf32>
    %mul3A_70 = arith.mulf %dot_general3A_21, %mul3A_69 : vector<1000x128xf32>
    %add3A_71 = arith.addf %add3A_65, %mul3A_70 : vector<1000x128xf32>
    %get3A_72 = arith.constant 1 : index
    %get3A_73 = arith.constant 3 : index
    %get3A_74 = memref.load %arg3[%get3A_72, %get3A_73] : memref<8x4xf32, #tpu.memory_space<smem>>
    %mul3A_75 = vector.broadcast %get3A_74 : f32 to vector<1000x128xf32>
    %mul3A_76 = arith.mulf %dot_general3A_28, %mul3A_75 : vector<1000x128xf32>
    %add3A_77 = arith.addf %add3A_71, %mul3A_76 : vector<1000x128xf32>
    %swap3A_78 = arith.constant 0 : index
    %swap3A_79 = arith.constant 1 : index
    %swap3A_80 = arith.constant 0 : index
    %swap3A_81 = vector.load %arg4[%swap3A_78, %swap3A_79, %swap3A_80] : memref<1000x8x128xf32, #tpu.memory_space<vmem>>, vector<1000x1x128xf32>
    %swap3A_82 = vector.shape_cast %swap3A_81 : vector<1000x1x128xf32> to vector<1000x128xf32>
    %swap3A_83 = vector.shape_cast %add3A_77 : vector<1000x128xf32> to vector<1000x1x128xf32>
    tpu.vector_store %arg4[%swap3A_78, %swap3A_79, %swap3A_80], %swap3A_83 {strides = array<i32>} : memref<1000x8x128xf32, #tpu.memory_space<vmem>>, vector<1000x1x128xf32>,
    %get3A_84 = arith.constant 2 : index
    %get3A_85 = arith.constant 0 : index
    %get3A_86 = memref.load %arg3[%get3A_84, %get3A_85] : memref<8x4xf32, #tpu.memory_space<smem>>
    %mul3A_87 = vector.broadcast %get3A_86 : f32 to vector<1000x128xf32>
    %mul3A_88 = arith.mulf %dot_general3A_7, %mul3A_87 : vector<1000x128xf32>
    %get3A_89 = arith.constant 2 : index
    %get3A_90 = arith.constant 1 : index
    %get3A_91 = memref.load %arg3[%get3A_89, %get3A_90] : memref<8x4xf32, #tpu.memory_space<smem>>
    %mul3A_92 = vector.broadcast %get3A_91 : f32 to vector<1000x128xf32>
    %mul3A_93 = arith.mulf %dot_general3A_14, %mul3A_92 : vector<1000x128xf32>
    %add3A_94 = arith.addf %mul3A_88, %mul3A_93 : vector<1000x128xf32>
    %get3A_95 = arith.constant 2 : index
    %get3A_96 = arith.constant 2 : index
    %get3A_97 = memref.load %arg3[%get3A_95, %get3A_96] : memref<8x4xf32, #tpu.memory_space<smem>>
    %mul3A_98 = vector.broadcast %get3A_97 : f32 to vector<1000x128xf32>
    %mul3A_99 = arith.mulf %dot_general3A_21, %mul3A_98 : vector<1000x128xf32>
    %add3A_100 = arith.addf %add3A_94, %mul3A_99 : vector<1000x128xf32>
    %get3A_101 = arith.constant 2 : index
    %get3A_102 = arith.constant 3 : index
    %get3A_103 = memref.load %arg3[%get3A_101, %get3A_102] : memref<8x4xf32, #tpu.memory_space<smem>>
    %mul3A_104 = vector.broadcast %get3A_103 : f32 to vector<1000x128xf32>
    %mul3A_105 = arith.mulf %dot_general3A_28, %mul3A_104 : vector<1000x128xf32>
    %add3A_106 = arith.addf %add3A_100, %mul3A_105 : vector<1000x128xf32>
    %swap3A_107 = arith.constant 0 : index
    %swap3A_108 = arith.constant 2 : index
    %swap3A_109 = arith.constant 0 : index
    %swap3A_110 = vector.load %arg4[%swap3A_107, %swap3A_108, %swap3A_109] : memref<1000x8x128xf32, #tpu.memory_space<vmem>>, vector<1000x1x128xf32>
    %swap3A_111 = vector.shape_cast %swap3A_110 : vector<1000x1x128xf32> to vector<1000x128xf32>
    %swap3A_112 = vector.shape_cast %add3A_106 : vector<1000x128xf32> to vector<1000x1x128xf32>
    tpu.vector_store %arg4[%swap3A_107, %swap3A_108, %swap3A_109], %swap3A_112 {strides = array<i32>} : memref<1000x8x128xf32, #tpu.memory_space<vmem>>, vector<1000x1x128xf32>,
    %get3A_113 = arith.constant 3 : index
    %get3A_114 = arith.constant 0 : index
    %get3A_115 = memref.load %arg3[%get3A_113, %get3A_114] : memref<8x4xf32, #tpu.memory_space<smem>>
    %mul3A_116 = vector.broadcast %get3A_115 : f32 to vector<1000x128xf32>
    %mul3A_117 = arith.mulf %dot_general3A_7, %mul3A_116 : vector<1000x128xf32>
    %get3A_118 = arith.constant 3 : index
    %get3A_119 = arith.constant 1 : index
    %get3A_120 = memref.load %arg3[%get3A_118, %get3A_119] : memref<8x4xf32, #tpu.memory_space<smem>>
    %mul3A_121 = vector.broadcast %get3A_120 : f32 to vector<1000x128xf32>
    %mul3A_122 = arith.mulf %dot_general3A_14, %mul3A_121 : vector<1000x128xf32>
    %add3A_123 = arith.addf %mul3A_117, %mul3A_122 : vector<1000x128xf32>
    %get3A_124 = arith.constant 3 : index
    %get3A_125 = arith.constant 2 : index
    %get3A_126 = memref.load %arg3[%get3A_124, %get3A_125] : memref<8x4xf32, #tpu.memory_space<smem>>
    %mul3A_127 = vector.broadcast %get3A_126 : f32 to vector<1000x128xf32>
    %mul3A_128 = arith.mulf %dot_general3A_21, %mul3A_127 : vector<1000x128xf32>
    %add3A_129 = arith.addf %add3A_123, %mul3A_128 : vector<1000x128xf32>
    %get3A_130 = arith.constant 3 : index
    %get3A_131 = arith.constant 3 : index
    %get3A_132 = memref.load %arg3[%get3A_130, %get3A_131] : memref<8x4xf32, #tpu.memory_space<smem>>
    %mul3A_133 = vector.broadcast %get3A_132 : f32 to vector<1000x128xf32>
    %mul3A_134 = arith.mulf %dot_general3A_28, %mul3A_133 : vector<1000x128xf32>
    %add3A_135 = arith.addf %add3A_129, %mul3A_134 : vector<1000x128xf32>
    %swap3A_136 = arith.constant 0 : index
    %swap3A_137 = arith.constant 3 : index
    %swap3A_138 = arith.constant 0 : index
    %swap3A_139 = vector.load %arg4[%swap3A_136, %swap3A_137, %swap3A_138] : memref<1000x8x128xf32, #tpu.memory_space<vmem>>, vector<1000x1x128xf32>
    %swap3A_140 = vector.shape_cast %swap3A_139 : vector<1000x1x128xf32> to vector<1000x128xf32>
    %swap3A_141 = vector.shape_cast %add3A_135 : vector<1000x128xf32> to vector<1000x1x128xf32>
    tpu.vector_store %arg4[%swap3A_136, %swap3A_137, %swap3A_138], %swap3A_141 {strides = array<i32>} : memref<1000x8x128xf32, #tpu.memory_space<vmem>>, vector<1000x1x128xf32>,
    %get3A_142 = arith.constant 4 : index
    %get3A_143 = arith.constant 0 : index
    %get3A_144 = memref.load %arg3[%get3A_142, %get3A_143] : memref<8x4xf32, #tpu.memory_space<smem>>
    %mul3A_145 = vector.broadcast %get3A_144 : f32 to vector<1000x128xf32>
    %mul3A_146 = arith.mulf %dot_general3A_7, %mul3A_145 : vector<1000x128xf32>
    %get3A_147 = arith.constant 4 : index
    %get3A_148 = arith.constant 1 : index
    %get3A_149 = memref.load %arg3[%get3A_147, %get3A_148] : memref<8x4xf32, #tpu.memory_space<smem>>
    %mul3A_150 = vector.broadcast %get3A_149 : f32 to vector<1000x128xf32>
    %mul3A_151 = arith.mulf %dot_general3A_14, %mul3A_150 : vector<1000x128xf32>
    %add3A_152 = arith.addf %mul3A_146, %mul3A_151 : vector<1000x128xf32>
    %get3A_153 = arith.constant 4 : index
    %get3A_154 = arith.constant 2 : index
    %get3A_155 = memref.load %arg3[%get3A_153, %get3A_154] : memref<8x4xf32, #tpu.memory_space<smem>>
    %mul3A_156 = vector.broadcast %get3A_155 : f32 to vector<1000x128xf32>
    %mul3A_157 = arith.mulf %dot_general3A_21, %mul3A_156 : vector<1000x128xf32>
    %add3A_158 = arith.addf %add3A_152, %mul3A_157 : vector<1000x128xf32>
    %get3A_159 = arith.constant 4 : index
    %get3A_160 = arith.constant 3 : index
    %get3A_161 = memref.load %arg3[%get3A_159, %get3A_160] : memref<8x4xf32, #tpu.memory_space<smem>>
    %mul3A_162 = vector.broadcast %get3A_161 : f32 to vector<1000x128xf32>
    %mul3A_163 = arith.mulf %dot_general3A_28, %mul3A_162 : vector<1000x128xf32>
    %add3A_164 = arith.addf %add3A_158, %mul3A_163 : vector<1000x128xf32>
    %swap3A_165 = arith.constant 0 : index
    %swap3A_166 = arith.constant 4 : index
    %swap3A_167 = arith.constant 0 : index
    %swap3A_168 = vector.load %arg4[%swap3A_165, %swap3A_166, %swap3A_167] : memref<1000x8x128xf32, #tpu.memory_space<vmem>>, vector<1000x1x128xf32>
    %swap3A_169 = vector.shape_cast %swap3A_168 : vector<1000x1x128xf32> to vector<1000x128xf32>
    %swap3A_170 = vector.shape_cast %add3A_164 : vector<1000x128xf32> to vector<1000x1x128xf32>
    tpu.vector_store %arg4[%swap3A_165, %swap3A_166, %swap3A_167], %swap3A_170 {strides = array<i32>} : memref<1000x8x128xf32, #tpu.memory_space<vmem>>, vector<1000x1x128xf32>,
    %get3A_171 = arith.constant 5 : index
    %get3A_172 = arith.constant 0 : index
    %get3A_173 = memref.load %arg3[%get3A_171, %get3A_172] : memref<8x4xf32, #tpu.memory_space<smem>>
    %mul3A_174 = vector.broadcast %get3A_173 : f32 to vector<1000x128xf32>
    %mul3A_175 = arith.mulf %dot_general3A_7, %mul3A_174 : vector<1000x128xf32>
    %get3A_176 = arith.constant 5 : index
    %get3A_177 = arith.constant 1 : index
    %get3A_178 = memref.load %arg3[%get3A_176, %get3A_177] : memref<8x4xf32, #tpu.memory_space<smem>>
    %mul3A_179 = vector.broadcast %get3A_178 : f32 to vector<1000x128xf32>
    %mul3A_180 = arith.mulf %dot_general3A_14, %mul3A_179 : vector<1000x128xf32>
    %add3A_181 = arith.addf %mul3A_175, %mul3A_180 : vector<1000x128xf32>
    %get3A_182 = arith.constant 5 : index
    %get3A_183 = arith.constant 2 : index
    %get3A_184 = memref.load %arg3[%get3A_182, %get3A_183] : memref<8x4xf32, #tpu.memory_space<smem>>
    %mul3A_185 = vector.broadcast %get3A_184 : f32 to vector<1000x128xf32>
    %mul3A_186 = arith.mulf %dot_general3A_21, %mul3A_185 : vector<1000x128xf32>
    %add3A_187 = arith.addf %add3A_181, %mul3A_186 : vector<1000x128xf32>
    %get3A_188 = arith.constant 5 : index
    %get3A_189 = arith.constant 3 : index
    %get3A_190 = memref.load %arg3[%get3A_188, %get3A_189] : memref<8x4xf32, #tpu.memory_space<smem>>
    %mul3A_191 = vector.broadcast %get3A_190 : f32 to vector<1000x128xf32>
    %mul3A_192 = arith.mulf %dot_general3A_28, %mul3A_191 : vector<1000x128xf32>
    %add3A_193 = arith.addf %add3A_187, %mul3A_192 : vector<1000x128xf32>
    %swap3A_194 = arith.constant 0 : index
    %swap3A_195 = arith.constant 5 : index
    %swap3A_196 = arith.constant 0 : index
    %swap3A_197 = vector.load %arg4[%swap3A_194, %swap3A_195, %swap3A_196] : memref<1000x8x128xf32, #tpu.memory_space<vmem>>, vector<1000x1x128xf32>
    %swap3A_198 = vector.shape_cast %swap3A_197 : vector<1000x1x128xf32> to vector<1000x128xf32>
    %swap3A_199 = vector.shape_cast %add3A_193 : vector<1000x128xf32> to vector<1000x1x128xf32>
    tpu.vector_store %arg4[%swap3A_194, %swap3A_195, %swap3A_196], %swap3A_199 {strides = array<i32>} : memref<1000x8x128xf32, #tpu.memory_space<vmem>>, vector<1000x1x128xf32>,
    %get3A_200 = arith.constant 6 : index
    %get3A_201 = arith.constant 0 : index
    %get3A_202 = memref.load %arg3[%get3A_200, %get3A_201] : memref<8x4xf32, #tpu.memory_space<smem>>
    %mul3A_203 = vector.broadcast %get3A_202 : f32 to vector<1000x128xf32>
    %mul3A_204 = arith.mulf %dot_general3A_7, %mul3A_203 : vector<1000x128xf32>
    %get3A_205 = arith.constant 6 : index
    %get3A_206 = arith.constant 1 : index
    %get3A_207 = memref.load %arg3[%get3A_205, %get3A_206] : memref<8x4xf32, #tpu.memory_space<smem>>
    %mul3A_208 = vector.broadcast %get3A_207 : f32 to vector<1000x128xf32>
    %mul3A_209 = arith.mulf %dot_general3A_14, %mul3A_208 : vector<1000x128xf32>
    %add3A_210 = arith.addf %mul3A_204, %mul3A_209 : vector<1000x128xf32>
    %get3A_211 = arith.constant 6 : index
    %get3A_212 = arith.constant 2 : index
    %get3A_213 = memref.load %arg3[%get3A_211, %get3A_212] : memref<8x4xf32, #tpu.memory_space<smem>>
    %mul3A_214 = vector.broadcast %get3A_213 : f32 to vector<1000x128xf32>
    %mul3A_215 = arith.mulf %dot_general3A_21, %mul3A_214 : vector<1000x128xf32>
    %add3A_216 = arith.addf %add3A_210, %mul3A_215 : vector<1000x128xf32>
    %get3A_217 = arith.constant 6 : index
    %get3A_218 = arith.constant 3 : index
    %get3A_219 = memref.load %arg3[%get3A_217, %get3A_218] : memref<8x4xf32, #tpu.memory_space<smem>>
    %mul3A_220 = vector.broadcast %get3A_219 : f32 to vector<1000x128xf32>
    %mul3A_221 = arith.mulf %dot_general3A_28, %mul3A_220 : vector<1000x128xf32>
    %add3A_222 = arith.addf %add3A_216, %mul3A_221 : vector<1000x128xf32>
    %swap3A_223 = arith.constant 0 : index
    %swap3A_224 = arith.constant 6 : index
    %swap3A_225 = arith.constant 0 : index
    %swap3A_226 = vector.load %arg4[%swap3A_223, %swap3A_224, %swap3A_225] : memref<1000x8x128xf32, #tpu.memory_space<vmem>>, vector<1000x1x128xf32>
    %swap3A_227 = vector.shape_cast %swap3A_226 : vector<1000x1x128xf32> to vector<1000x128xf32>
    %swap3A_228 = vector.shape_cast %add3A_222 : vector<1000x128xf32> to vector<1000x1x128xf32>
    tpu.vector_store %arg4[%swap3A_223, %swap3A_224, %swap3A_225], %swap3A_228 {strides = array<i32>} : memref<1000x8x128xf32, #tpu.memory_space<vmem>>, vector<1000x1x128xf32>,
    %get3A_229 = arith.constant 7 : index
    %get3A_230 = arith.constant 0 : index
    %get3A_231 = memref.load %arg3[%get3A_229, %get3A_230] : memref<8x4xf32, #tpu.memory_space<smem>>
    %mul3A_232 = vector.broadcast %get3A_231 : f32 to vector<1000x128xf32>
    %mul3A_233 = arith.mulf %dot_general3A_7, %mul3A_232 : vector<1000x128xf32>
    %get3A_234 = arith.constant 7 : index
    %get3A_235 = arith.constant 1 : index
    %get3A_236 = memref.load %arg3[%get3A_234, %get3A_235] : memref<8x4xf32, #tpu.memory_space<smem>>
    %mul3A_237 = vector.broadcast %get3A_236 : f32 to vector<1000x128xf32>
    %mul3A_238 = arith.mulf %dot_general3A_14, %mul3A_237 : vector<1000x128xf32>
    %add3A_239 = arith.addf %mul3A_233, %mul3A_238 : vector<1000x128xf32>
    %get3A_240 = arith.constant 7 : index
    %get3A_241 = arith.constant 2 : index
    %get3A_242 = memref.load %arg3[%get3A_240, %get3A_241] : memref<8x4xf32, #tpu.memory_space<smem>>
    %mul3A_243 = vector.broadcast %get3A_242 : f32 to vector<1000x128xf32>
    %mul3A_244 = arith.mulf %dot_general3A_21, %mul3A_243 : vector<1000x128xf32>
    %add3A_245 = arith.addf %add3A_239, %mul3A_244 : vector<1000x128xf32>
    %get3A_246 = arith.constant 7 : index
    %get3A_247 = arith.constant 3 : index
    %get3A_248 = memref.load %arg3[%get3A_246, %get3A_247] : memref<8x4xf32, #tpu.memory_space<smem>>
    %mul3A_249 = vector.broadcast %get3A_248 : f32 to vector<1000x128xf32>
    %mul3A_250 = arith.mulf %dot_general3A_28, %mul3A_249 : vector<1000x128xf32>
    %add3A_251 = arith.addf %add3A_245, %mul3A_250 : vector<1000x128xf32>
    %swap3A_252 = arith.constant 0 : index
    %swap3A_253 = arith.constant 7 : index
    %swap3A_254 = arith.constant 0 : index
    %swap3A_255 = vector.load %arg4[%swap3A_252, %swap3A_253, %swap3A_254] : memref<1000x8x128xf32, #tpu.memory_space<vmem>>, vector<1000x1x128xf32>
    %swap3A_256 = vector.shape_cast %swap3A_255 : vector<1000x1x128xf32> to vector<1000x128xf32>
    %swap3A_257 = vector.shape_cast %add3A_251 : vector<1000x128xf32> to vector<1000x1x128xf32>
    tpu.vector_store %arg4[%swap3A_252, %swap3A_253, %swap3A_254], %swap3A_257 {strides = array<i32>} : memref<1000x8x128xf32, #tpu.memory_space<vmem>>, vector<1000x1x128xf32>,
    return
  }
  func.func @transform_0(%arg0: i32) -> (i32, i32) {
    %c0_i32 = arith.constant 0 : i32
    %c0_i32_0 = arith.constant 0 : i32
    return %arg0, %c0_i32 : i32, i32
  }
  func.func @transform_1(%arg0: i32) -> (i32, i32, i32) {
    %c0_i32 = arith.constant 0 : i32
    %c0_i32_0 = arith.constant 0 : i32
    %c0_i32_1 = arith.constant 0 : i32
    %c0_i32_2 = arith.constant 0 : i32
    return %c0_i32, %c0_i32_0, %c0_i32_1 : i32, i32, i32
  }
  func.func @transform_2(%arg0: i32) -> (i32, i32) {
    %c0_i32 = arith.constant 0 : i32
    %c0_i32_0 = arith.constant 0 : i32
    %c0_i32_1 = arith.constant 0 : i32
    return %c0_i32, %c0_i32_0 : i32, i32
  }
  func.func @transform_3(%arg0: i32) -> (i32, i32, i32) {
    %c0_i32 = arith.constant 0 : i32
    %c0_i32_0 = arith.constant 0 : i32
    %c0_i32_1 = arith.constant 0 : i32
    return %arg0, %c0_i32, %c0_i32_0 : i32, i32, i32
  }
}

module attributes {stable_mosaic.version = 14 : i64} {
  func.func @_combine_project_body(%arg0: i32, %arg1: memref<2x1000x128xf32, #tpu.memory_space<vmem>>, %arg2: memref<1x128xf32, #tpu.memory_space<vmem>>, %arg3: memref<4x128x128xf32, #tpu.memory_space<vmem>>, %arg4: memref<8x4xf32, #tpu.memory_space<smem>>, %arg5: memref<1000x8x128xf32, #tpu.memory_space<vmem>>) attributes {dimension_semantics = [#tpu.dimension_semantics<arbitrary>], iteration_bounds = array<i64: 10>, scalar_prefetch = 0 : i64, scratch_operands = 0 : i64, tpu.core_type = #tpu.core_type<tc>, window_params = [{transform_indices = @transform_0, window_bounds = array<i64: 2, 1000, 128>}, {pipeline_mode = #tpu.pipeline_mode<synchronous>, transform_indices = @transform_1, window_bounds = array<i64: 1, 128>}, {pipeline_mode = #tpu.pipeline_mode<synchronous>, transform_indices = @transform_2, window_bounds = array<i64: 4, 128, 128>}, {transform_indices = @transform_3, window_bounds = array<i64: 8, 4>}, {transform_indices = @transform_4, window_bounds = array<i64: 1000, 8, 128>}]} {
    %get3A = arith.constant 0 : index
    %get3A_0 = arith.constant 0 : index
    %get3A_1 = arith.constant 0 : index
    %get3A_2 = vector.load %arg1[%get3A, %get3A_0, %get3A_1] : memref<2x1000x128xf32, #tpu.memory_space<vmem>>, vector<1x1000x128xf32>
    %get3A_3 = vector.shape_cast %get3A_2 : vector<1x1000x128xf32> to vector<1000x128xf32>
    %get3A_4 = arith.constant 1 : index
    %get3A_5 = arith.constant 0 : index
    %get3A_6 = arith.constant 0 : index
    %get3A_7 = vector.load %arg1[%get3A_4, %get3A_5, %get3A_6] : memref<2x1000x128xf32, #tpu.memory_space<vmem>>, vector<1x1000x128xf32>
    %get3A_8 = vector.shape_cast %get3A_7 : vector<1x1000x128xf32> to vector<1000x128xf32>
    %add3A = arith.addf %get3A_3, %get3A_8 : vector<1000x128xf32>
    %get3A_9 = arith.constant 0 : index
    %get3A_10 = arith.constant 0 : index
    %get3A_11 = vector.load %arg2[%get3A_9, %get3A_10] : memref<1x128xf32, #tpu.memory_space<vmem>>, vector<1x128xf32>
    %add3A_12 = vector.broadcast %get3A_11 : vector<1x128xf32> to vector<1000x128xf32>
    %add3A_13 = arith.addf %add3A, %add3A_12 : vector<1000x128xf32>
    %max3A = arith.constant 0.000000e+00 : f32
    %max3A_14 = vector.broadcast %max3A : f32 to vector<1000x128xf32>
    %max3A_15 = arith.maximumf %add3A_13, %max3A_14 : vector<1000x128xf32>
    %get3A_16 = arith.constant 0 : index
    %get3A_17 = arith.constant 0 : index
    %get3A_18 = arith.constant 0 : index
    %get3A_19 = vector.load %arg3[%get3A_16, %get3A_17, %get3A_18] : memref<4x128x128xf32, #tpu.memory_space<vmem>>, vector<1x128x128xf32>
    %get3A_20 = vector.shape_cast %get3A_19 : vector<1x128x128xf32> to vector<128x128xf32>
    %dot_general3A = arith.constant dense<0.000000e+00> : vector<1000x128xf32>
    %dot_general3A_21 = tpu.matmul %max3A_15, %get3A_20, %dot_general3A {dimension_numbers = #tpu.dot_dimension_numbers<[1], [0], [0], [1], [0, 0, 1, 1], [], []>, transpose_lhs_hint = false} : vector<1000x128xf32>, vector<128x128xf32>, vector<1000x128xf32> -> vector<1000x128xf32>
    %get3A_22 = arith.constant 1 : index
    %get3A_23 = arith.constant 0 : index
    %get3A_24 = arith.constant 0 : index
    %get3A_25 = vector.load %arg3[%get3A_22, %get3A_23, %get3A_24] : memref<4x128x128xf32, #tpu.memory_space<vmem>>, vector<1x128x128xf32>
    %get3A_26 = vector.shape_cast %get3A_25 : vector<1x128x128xf32> to vector<128x128xf32>
    %dot_general3A_27 = arith.constant dense<0.000000e+00> : vector<1000x128xf32>
    %dot_general3A_28 = tpu.matmul %max3A_15, %get3A_26, %dot_general3A_27 {dimension_numbers = #tpu.dot_dimension_numbers<[1], [0], [0], [1], [0, 0, 1, 1], [], []>, transpose_lhs_hint = false} : vector<1000x128xf32>, vector<128x128xf32>, vector<1000x128xf32> -> vector<1000x128xf32>
    %get3A_29 = arith.constant 2 : index
    %get3A_30 = arith.constant 0 : index
    %get3A_31 = arith.constant 0 : index
    %get3A_32 = vector.load %arg3[%get3A_29, %get3A_30, %get3A_31] : memref<4x128x128xf32, #tpu.memory_space<vmem>>, vector<1x128x128xf32>
    %get3A_33 = vector.shape_cast %get3A_32 : vector<1x128x128xf32> to vector<128x128xf32>
    %dot_general3A_34 = arith.constant dense<0.000000e+00> : vector<1000x128xf32>
    %dot_general3A_35 = tpu.matmul %max3A_15, %get3A_33, %dot_general3A_34 {dimension_numbers = #tpu.dot_dimension_numbers<[1], [0], [0], [1], [0, 0, 1, 1], [], []>, transpose_lhs_hint = false} : vector<1000x128xf32>, vector<128x128xf32>, vector<1000x128xf32> -> vector<1000x128xf32>
    %get3A_36 = arith.constant 3 : index
    %get3A_37 = arith.constant 0 : index
    %get3A_38 = arith.constant 0 : index
    %get3A_39 = vector.load %arg3[%get3A_36, %get3A_37, %get3A_38] : memref<4x128x128xf32, #tpu.memory_space<vmem>>, vector<1x128x128xf32>
    %get3A_40 = vector.shape_cast %get3A_39 : vector<1x128x128xf32> to vector<128x128xf32>
    %dot_general3A_41 = arith.constant dense<0.000000e+00> : vector<1000x128xf32>
    %dot_general3A_42 = tpu.matmul %max3A_15, %get3A_40, %dot_general3A_41 {dimension_numbers = #tpu.dot_dimension_numbers<[1], [0], [0], [1], [0, 0, 1, 1], [], []>, transpose_lhs_hint = false} : vector<1000x128xf32>, vector<128x128xf32>, vector<1000x128xf32> -> vector<1000x128xf32>
    %get3A_43 = arith.constant 0 : index
    %get3A_44 = arith.constant 0 : index
    %get3A_45 = memref.load %arg4[%get3A_43, %get3A_44] : memref<8x4xf32, #tpu.memory_space<smem>>
    %mul3A = vector.broadcast %get3A_45 : f32 to vector<1000x128xf32>
    %mul3A_46 = arith.mulf %dot_general3A_21, %mul3A : vector<1000x128xf32>
    %get3A_47 = arith.constant 0 : index
    %get3A_48 = arith.constant 1 : index
    %get3A_49 = memref.load %arg4[%get3A_47, %get3A_48] : memref<8x4xf32, #tpu.memory_space<smem>>
    %mul3A_50 = vector.broadcast %get3A_49 : f32 to vector<1000x128xf32>
    %mul3A_51 = arith.mulf %dot_general3A_28, %mul3A_50 : vector<1000x128xf32>
    %add3A_52 = arith.addf %mul3A_46, %mul3A_51 : vector<1000x128xf32>
    %get3A_53 = arith.constant 0 : index
    %get3A_54 = arith.constant 2 : index
    %get3A_55 = memref.load %arg4[%get3A_53, %get3A_54] : memref<8x4xf32, #tpu.memory_space<smem>>
    %mul3A_56 = vector.broadcast %get3A_55 : f32 to vector<1000x128xf32>
    %mul3A_57 = arith.mulf %dot_general3A_35, %mul3A_56 : vector<1000x128xf32>
    %add3A_58 = arith.addf %add3A_52, %mul3A_57 : vector<1000x128xf32>
    %get3A_59 = arith.constant 0 : index
    %get3A_60 = arith.constant 3 : index
    %get3A_61 = memref.load %arg4[%get3A_59, %get3A_60] : memref<8x4xf32, #tpu.memory_space<smem>>
    %mul3A_62 = vector.broadcast %get3A_61 : f32 to vector<1000x128xf32>
    %mul3A_63 = arith.mulf %dot_general3A_42, %mul3A_62 : vector<1000x128xf32>
    %add3A_64 = arith.addf %add3A_58, %mul3A_63 : vector<1000x128xf32>
    %swap3A = arith.constant 0 : index
    %swap3A_65 = arith.constant 0 : index
    %swap3A_66 = arith.constant 0 : index
    %swap3A_67 = vector.load %arg5[%swap3A, %swap3A_65, %swap3A_66] : memref<1000x8x128xf32, #tpu.memory_space<vmem>>, vector<1000x1x128xf32>
    %swap3A_68 = vector.shape_cast %swap3A_67 : vector<1000x1x128xf32> to vector<1000x128xf32>
    %swap3A_69 = vector.shape_cast %add3A_64 : vector<1000x128xf32> to vector<1000x1x128xf32>
    tpu.vector_store %arg5[%swap3A, %swap3A_65, %swap3A_66], %swap3A_69 {strides = array<i32>} : memref<1000x8x128xf32, #tpu.memory_space<vmem>>, vector<1000x1x128xf32>,
    %get3A_70 = arith.constant 1 : index
    %get3A_71 = arith.constant 0 : index
    %get3A_72 = memref.load %arg4[%get3A_70, %get3A_71] : memref<8x4xf32, #tpu.memory_space<smem>>
    %mul3A_73 = vector.broadcast %get3A_72 : f32 to vector<1000x128xf32>
    %mul3A_74 = arith.mulf %dot_general3A_21, %mul3A_73 : vector<1000x128xf32>
    %get3A_75 = arith.constant 1 : index
    %get3A_76 = arith.constant 1 : index
    %get3A_77 = memref.load %arg4[%get3A_75, %get3A_76] : memref<8x4xf32, #tpu.memory_space<smem>>
    %mul3A_78 = vector.broadcast %get3A_77 : f32 to vector<1000x128xf32>
    %mul3A_79 = arith.mulf %dot_general3A_28, %mul3A_78 : vector<1000x128xf32>
    %add3A_80 = arith.addf %mul3A_74, %mul3A_79 : vector<1000x128xf32>
    %get3A_81 = arith.constant 1 : index
    %get3A_82 = arith.constant 2 : index
    %get3A_83 = memref.load %arg4[%get3A_81, %get3A_82] : memref<8x4xf32, #tpu.memory_space<smem>>
    %mul3A_84 = vector.broadcast %get3A_83 : f32 to vector<1000x128xf32>
    %mul3A_85 = arith.mulf %dot_general3A_35, %mul3A_84 : vector<1000x128xf32>
    %add3A_86 = arith.addf %add3A_80, %mul3A_85 : vector<1000x128xf32>
    %get3A_87 = arith.constant 1 : index
    %get3A_88 = arith.constant 3 : index
    %get3A_89 = memref.load %arg4[%get3A_87, %get3A_88] : memref<8x4xf32, #tpu.memory_space<smem>>
    %mul3A_90 = vector.broadcast %get3A_89 : f32 to vector<1000x128xf32>
    %mul3A_91 = arith.mulf %dot_general3A_42, %mul3A_90 : vector<1000x128xf32>
    %add3A_92 = arith.addf %add3A_86, %mul3A_91 : vector<1000x128xf32>
    %swap3A_93 = arith.constant 0 : index
    %swap3A_94 = arith.constant 1 : index
    %swap3A_95 = arith.constant 0 : index
    %swap3A_96 = vector.load %arg5[%swap3A_93, %swap3A_94, %swap3A_95] : memref<1000x8x128xf32, #tpu.memory_space<vmem>>, vector<1000x1x128xf32>
    %swap3A_97 = vector.shape_cast %swap3A_96 : vector<1000x1x128xf32> to vector<1000x128xf32>
    %swap3A_98 = vector.shape_cast %add3A_92 : vector<1000x128xf32> to vector<1000x1x128xf32>
    tpu.vector_store %arg5[%swap3A_93, %swap3A_94, %swap3A_95], %swap3A_98 {strides = array<i32>} : memref<1000x8x128xf32, #tpu.memory_space<vmem>>, vector<1000x1x128xf32>,
    %get3A_99 = arith.constant 2 : index
    %get3A_100 = arith.constant 0 : index
    %get3A_101 = memref.load %arg4[%get3A_99, %get3A_100] : memref<8x4xf32, #tpu.memory_space<smem>>
    %mul3A_102 = vector.broadcast %get3A_101 : f32 to vector<1000x128xf32>
    %mul3A_103 = arith.mulf %dot_general3A_21, %mul3A_102 : vector<1000x128xf32>
    %get3A_104 = arith.constant 2 : index
    %get3A_105 = arith.constant 1 : index
    %get3A_106 = memref.load %arg4[%get3A_104, %get3A_105] : memref<8x4xf32, #tpu.memory_space<smem>>
    %mul3A_107 = vector.broadcast %get3A_106 : f32 to vector<1000x128xf32>
    %mul3A_108 = arith.mulf %dot_general3A_28, %mul3A_107 : vector<1000x128xf32>
    %add3A_109 = arith.addf %mul3A_103, %mul3A_108 : vector<1000x128xf32>
    %get3A_110 = arith.constant 2 : index
    %get3A_111 = arith.constant 2 : index
    %get3A_112 = memref.load %arg4[%get3A_110, %get3A_111] : memref<8x4xf32, #tpu.memory_space<smem>>
    %mul3A_113 = vector.broadcast %get3A_112 : f32 to vector<1000x128xf32>
    %mul3A_114 = arith.mulf %dot_general3A_35, %mul3A_113 : vector<1000x128xf32>
    %add3A_115 = arith.addf %add3A_109, %mul3A_114 : vector<1000x128xf32>
    %get3A_116 = arith.constant 2 : index
    %get3A_117 = arith.constant 3 : index
    %get3A_118 = memref.load %arg4[%get3A_116, %get3A_117] : memref<8x4xf32, #tpu.memory_space<smem>>
    %mul3A_119 = vector.broadcast %get3A_118 : f32 to vector<1000x128xf32>
    %mul3A_120 = arith.mulf %dot_general3A_42, %mul3A_119 : vector<1000x128xf32>
    %add3A_121 = arith.addf %add3A_115, %mul3A_120 : vector<1000x128xf32>
    %swap3A_122 = arith.constant 0 : index
    %swap3A_123 = arith.constant 2 : index
    %swap3A_124 = arith.constant 0 : index
    %swap3A_125 = vector.load %arg5[%swap3A_122, %swap3A_123, %swap3A_124] : memref<1000x8x128xf32, #tpu.memory_space<vmem>>, vector<1000x1x128xf32>
    %swap3A_126 = vector.shape_cast %swap3A_125 : vector<1000x1x128xf32> to vector<1000x128xf32>
    %swap3A_127 = vector.shape_cast %add3A_121 : vector<1000x128xf32> to vector<1000x1x128xf32>
    tpu.vector_store %arg5[%swap3A_122, %swap3A_123, %swap3A_124], %swap3A_127 {strides = array<i32>} : memref<1000x8x128xf32, #tpu.memory_space<vmem>>, vector<1000x1x128xf32>,
    %get3A_128 = arith.constant 3 : index
    %get3A_129 = arith.constant 0 : index
    %get3A_130 = memref.load %arg4[%get3A_128, %get3A_129] : memref<8x4xf32, #tpu.memory_space<smem>>
    %mul3A_131 = vector.broadcast %get3A_130 : f32 to vector<1000x128xf32>
    %mul3A_132 = arith.mulf %dot_general3A_21, %mul3A_131 : vector<1000x128xf32>
    %get3A_133 = arith.constant 3 : index
    %get3A_134 = arith.constant 1 : index
    %get3A_135 = memref.load %arg4[%get3A_133, %get3A_134] : memref<8x4xf32, #tpu.memory_space<smem>>
    %mul3A_136 = vector.broadcast %get3A_135 : f32 to vector<1000x128xf32>
    %mul3A_137 = arith.mulf %dot_general3A_28, %mul3A_136 : vector<1000x128xf32>
    %add3A_138 = arith.addf %mul3A_132, %mul3A_137 : vector<1000x128xf32>
    %get3A_139 = arith.constant 3 : index
    %get3A_140 = arith.constant 2 : index
    %get3A_141 = memref.load %arg4[%get3A_139, %get3A_140] : memref<8x4xf32, #tpu.memory_space<smem>>
    %mul3A_142 = vector.broadcast %get3A_141 : f32 to vector<1000x128xf32>
    %mul3A_143 = arith.mulf %dot_general3A_35, %mul3A_142 : vector<1000x128xf32>
    %add3A_144 = arith.addf %add3A_138, %mul3A_143 : vector<1000x128xf32>
    %get3A_145 = arith.constant 3 : index
    %get3A_146 = arith.constant 3 : index
    %get3A_147 = memref.load %arg4[%get3A_145, %get3A_146] : memref<8x4xf32, #tpu.memory_space<smem>>
    %mul3A_148 = vector.broadcast %get3A_147 : f32 to vector<1000x128xf32>
    %mul3A_149 = arith.mulf %dot_general3A_42, %mul3A_148 : vector<1000x128xf32>
    %add3A_150 = arith.addf %add3A_144, %mul3A_149 : vector<1000x128xf32>
    %swap3A_151 = arith.constant 0 : index
    %swap3A_152 = arith.constant 3 : index
    %swap3A_153 = arith.constant 0 : index
    %swap3A_154 = vector.load %arg5[%swap3A_151, %swap3A_152, %swap3A_153] : memref<1000x8x128xf32, #tpu.memory_space<vmem>>, vector<1000x1x128xf32>
    %swap3A_155 = vector.shape_cast %swap3A_154 : vector<1000x1x128xf32> to vector<1000x128xf32>
    %swap3A_156 = vector.shape_cast %add3A_150 : vector<1000x128xf32> to vector<1000x1x128xf32>
    tpu.vector_store %arg5[%swap3A_151, %swap3A_152, %swap3A_153], %swap3A_156 {strides = array<i32>} : memref<1000x8x128xf32, #tpu.memory_space<vmem>>, vector<1000x1x128xf32>,
    %get3A_157 = arith.constant 4 : index
    %get3A_158 = arith.constant 0 : index
    %get3A_159 = memref.load %arg4[%get3A_157, %get3A_158] : memref<8x4xf32, #tpu.memory_space<smem>>
    %mul3A_160 = vector.broadcast %get3A_159 : f32 to vector<1000x128xf32>
    %mul3A_161 = arith.mulf %dot_general3A_21, %mul3A_160 : vector<1000x128xf32>
    %get3A_162 = arith.constant 4 : index
    %get3A_163 = arith.constant 1 : index
    %get3A_164 = memref.load %arg4[%get3A_162, %get3A_163] : memref<8x4xf32, #tpu.memory_space<smem>>
    %mul3A_165 = vector.broadcast %get3A_164 : f32 to vector<1000x128xf32>
    %mul3A_166 = arith.mulf %dot_general3A_28, %mul3A_165 : vector<1000x128xf32>
    %add3A_167 = arith.addf %mul3A_161, %mul3A_166 : vector<1000x128xf32>
    %get3A_168 = arith.constant 4 : index
    %get3A_169 = arith.constant 2 : index
    %get3A_170 = memref.load %arg4[%get3A_168, %get3A_169] : memref<8x4xf32, #tpu.memory_space<smem>>
    %mul3A_171 = vector.broadcast %get3A_170 : f32 to vector<1000x128xf32>
    %mul3A_172 = arith.mulf %dot_general3A_35, %mul3A_171 : vector<1000x128xf32>
    %add3A_173 = arith.addf %add3A_167, %mul3A_172 : vector<1000x128xf32>
    %get3A_174 = arith.constant 4 : index
    %get3A_175 = arith.constant 3 : index
    %get3A_176 = memref.load %arg4[%get3A_174, %get3A_175] : memref<8x4xf32, #tpu.memory_space<smem>>
    %mul3A_177 = vector.broadcast %get3A_176 : f32 to vector<1000x128xf32>
    %mul3A_178 = arith.mulf %dot_general3A_42, %mul3A_177 : vector<1000x128xf32>
    %add3A_179 = arith.addf %add3A_173, %mul3A_178 : vector<1000x128xf32>
    %swap3A_180 = arith.constant 0 : index
    %swap3A_181 = arith.constant 4 : index
    %swap3A_182 = arith.constant 0 : index
    %swap3A_183 = vector.load %arg5[%swap3A_180, %swap3A_181, %swap3A_182] : memref<1000x8x128xf32, #tpu.memory_space<vmem>>, vector<1000x1x128xf32>
    %swap3A_184 = vector.shape_cast %swap3A_183 : vector<1000x1x128xf32> to vector<1000x128xf32>
    %swap3A_185 = vector.shape_cast %add3A_179 : vector<1000x128xf32> to vector<1000x1x128xf32>
    tpu.vector_store %arg5[%swap3A_180, %swap3A_181, %swap3A_182], %swap3A_185 {strides = array<i32>} : memref<1000x8x128xf32, #tpu.memory_space<vmem>>, vector<1000x1x128xf32>,
    %get3A_186 = arith.constant 5 : index
    %get3A_187 = arith.constant 0 : index
    %get3A_188 = memref.load %arg4[%get3A_186, %get3A_187] : memref<8x4xf32, #tpu.memory_space<smem>>
    %mul3A_189 = vector.broadcast %get3A_188 : f32 to vector<1000x128xf32>
    %mul3A_190 = arith.mulf %dot_general3A_21, %mul3A_189 : vector<1000x128xf32>
    %get3A_191 = arith.constant 5 : index
    %get3A_192 = arith.constant 1 : index
    %get3A_193 = memref.load %arg4[%get3A_191, %get3A_192] : memref<8x4xf32, #tpu.memory_space<smem>>
    %mul3A_194 = vector.broadcast %get3A_193 : f32 to vector<1000x128xf32>
    %mul3A_195 = arith.mulf %dot_general3A_28, %mul3A_194 : vector<1000x128xf32>
    %add3A_196 = arith.addf %mul3A_190, %mul3A_195 : vector<1000x128xf32>
    %get3A_197 = arith.constant 5 : index
    %get3A_198 = arith.constant 2 : index
    %get3A_199 = memref.load %arg4[%get3A_197, %get3A_198] : memref<8x4xf32, #tpu.memory_space<smem>>
    %mul3A_200 = vector.broadcast %get3A_199 : f32 to vector<1000x128xf32>
    %mul3A_201 = arith.mulf %dot_general3A_35, %mul3A_200 : vector<1000x128xf32>
    %add3A_202 = arith.addf %add3A_196, %mul3A_201 : vector<1000x128xf32>
    %get3A_203 = arith.constant 5 : index
    %get3A_204 = arith.constant 3 : index
    %get3A_205 = memref.load %arg4[%get3A_203, %get3A_204] : memref<8x4xf32, #tpu.memory_space<smem>>
    %mul3A_206 = vector.broadcast %get3A_205 : f32 to vector<1000x128xf32>
    %mul3A_207 = arith.mulf %dot_general3A_42, %mul3A_206 : vector<1000x128xf32>
    %add3A_208 = arith.addf %add3A_202, %mul3A_207 : vector<1000x128xf32>
    %swap3A_209 = arith.constant 0 : index
    %swap3A_210 = arith.constant 5 : index
    %swap3A_211 = arith.constant 0 : index
    %swap3A_212 = vector.load %arg5[%swap3A_209, %swap3A_210, %swap3A_211] : memref<1000x8x128xf32, #tpu.memory_space<vmem>>, vector<1000x1x128xf32>
    %swap3A_213 = vector.shape_cast %swap3A_212 : vector<1000x1x128xf32> to vector<1000x128xf32>
    %swap3A_214 = vector.shape_cast %add3A_208 : vector<1000x128xf32> to vector<1000x1x128xf32>
    tpu.vector_store %arg5[%swap3A_209, %swap3A_210, %swap3A_211], %swap3A_214 {strides = array<i32>} : memref<1000x8x128xf32, #tpu.memory_space<vmem>>, vector<1000x1x128xf32>,
    %get3A_215 = arith.constant 6 : index
    %get3A_216 = arith.constant 0 : index
    %get3A_217 = memref.load %arg4[%get3A_215, %get3A_216] : memref<8x4xf32, #tpu.memory_space<smem>>
    %mul3A_218 = vector.broadcast %get3A_217 : f32 to vector<1000x128xf32>
    %mul3A_219 = arith.mulf %dot_general3A_21, %mul3A_218 : vector<1000x128xf32>
    %get3A_220 = arith.constant 6 : index
    %get3A_221 = arith.constant 1 : index
    %get3A_222 = memref.load %arg4[%get3A_220, %get3A_221] : memref<8x4xf32, #tpu.memory_space<smem>>
    %mul3A_223 = vector.broadcast %get3A_222 : f32 to vector<1000x128xf32>
    %mul3A_224 = arith.mulf %dot_general3A_28, %mul3A_223 : vector<1000x128xf32>
    %add3A_225 = arith.addf %mul3A_219, %mul3A_224 : vector<1000x128xf32>
    %get3A_226 = arith.constant 6 : index
    %get3A_227 = arith.constant 2 : index
    %get3A_228 = memref.load %arg4[%get3A_226, %get3A_227] : memref<8x4xf32, #tpu.memory_space<smem>>
    %mul3A_229 = vector.broadcast %get3A_228 : f32 to vector<1000x128xf32>
    %mul3A_230 = arith.mulf %dot_general3A_35, %mul3A_229 : vector<1000x128xf32>
    %add3A_231 = arith.addf %add3A_225, %mul3A_230 : vector<1000x128xf32>
    %get3A_232 = arith.constant 6 : index
    %get3A_233 = arith.constant 3 : index
    %get3A_234 = memref.load %arg4[%get3A_232, %get3A_233] : memref<8x4xf32, #tpu.memory_space<smem>>
    %mul3A_235 = vector.broadcast %get3A_234 : f32 to vector<1000x128xf32>
    %mul3A_236 = arith.mulf %dot_general3A_42, %mul3A_235 : vector<1000x128xf32>
    %add3A_237 = arith.addf %add3A_231, %mul3A_236 : vector<1000x128xf32>
    %swap3A_238 = arith.constant 0 : index
    %swap3A_239 = arith.constant 6 : index
    %swap3A_240 = arith.constant 0 : index
    %swap3A_241 = vector.load %arg5[%swap3A_238, %swap3A_239, %swap3A_240] : memref<1000x8x128xf32, #tpu.memory_space<vmem>>, vector<1000x1x128xf32>
    %swap3A_242 = vector.shape_cast %swap3A_241 : vector<1000x1x128xf32> to vector<1000x128xf32>
    %swap3A_243 = vector.shape_cast %add3A_237 : vector<1000x128xf32> to vector<1000x1x128xf32>
    tpu.vector_store %arg5[%swap3A_238, %swap3A_239, %swap3A_240], %swap3A_243 {strides = array<i32>} : memref<1000x8x128xf32, #tpu.memory_space<vmem>>, vector<1000x1x128xf32>,
    %get3A_244 = arith.constant 7 : index
    %get3A_245 = arith.constant 0 : index
    %get3A_246 = memref.load %arg4[%get3A_244, %get3A_245] : memref<8x4xf32, #tpu.memory_space<smem>>
    %mul3A_247 = vector.broadcast %get3A_246 : f32 to vector<1000x128xf32>
    %mul3A_248 = arith.mulf %dot_general3A_21, %mul3A_247 : vector<1000x128xf32>
    %get3A_249 = arith.constant 7 : index
    %get3A_250 = arith.constant 1 : index
    %get3A_251 = memref.load %arg4[%get3A_249, %get3A_250] : memref<8x4xf32, #tpu.memory_space<smem>>
    %mul3A_252 = vector.broadcast %get3A_251 : f32 to vector<1000x128xf32>
    %mul3A_253 = arith.mulf %dot_general3A_28, %mul3A_252 : vector<1000x128xf32>
    %add3A_254 = arith.addf %mul3A_248, %mul3A_253 : vector<1000x128xf32>
    %get3A_255 = arith.constant 7 : index
    %get3A_256 = arith.constant 2 : index
    %get3A_257 = memref.load %arg4[%get3A_255, %get3A_256] : memref<8x4xf32, #tpu.memory_space<smem>>
    %mul3A_258 = vector.broadcast %get3A_257 : f32 to vector<1000x128xf32>
    %mul3A_259 = arith.mulf %dot_general3A_35, %mul3A_258 : vector<1000x128xf32>
    %add3A_260 = arith.addf %add3A_254, %mul3A_259 : vector<1000x128xf32>
    %get3A_261 = arith.constant 7 : index
    %get3A_262 = arith.constant 3 : index
    %get3A_263 = memref.load %arg4[%get3A_261, %get3A_262] : memref<8x4xf32, #tpu.memory_space<smem>>
    %mul3A_264 = vector.broadcast %get3A_263 : f32 to vector<1000x128xf32>
    %mul3A_265 = arith.mulf %dot_general3A_42, %mul3A_264 : vector<1000x128xf32>
    %add3A_266 = arith.addf %add3A_260, %mul3A_265 : vector<1000x128xf32>
    %swap3A_267 = arith.constant 0 : index
    %swap3A_268 = arith.constant 7 : index
    %swap3A_269 = arith.constant 0 : index
    %swap3A_270 = vector.load %arg5[%swap3A_267, %swap3A_268, %swap3A_269] : memref<1000x8x128xf32, #tpu.memory_space<vmem>>, vector<1000x1x128xf32>
    %swap3A_271 = vector.shape_cast %swap3A_270 : vector<1000x1x128xf32> to vector<1000x128xf32>
    %swap3A_272 = vector.shape_cast %add3A_266 : vector<1000x128xf32> to vector<1000x1x128xf32>
    tpu.vector_store %arg5[%swap3A_267, %swap3A_268, %swap3A_269], %swap3A_272 {strides = array<i32>} : memref<1000x8x128xf32, #tpu.memory_space<vmem>>, vector<1000x1x128xf32>,
    return
  }
  func.func @transform_0(%arg0: i32) -> (i32, i32, i32) {
    %c0_i32 = arith.constant 0 : i32
    %c0_i32_0 = arith.constant 0 : i32
    %c0_i32_1 = arith.constant 0 : i32
    return %c0_i32, %arg0, %c0_i32_0 : i32, i32, i32
  }
  func.func @transform_1(%arg0: i32) -> (i32, i32) {
    %c0_i32 = arith.constant 0 : i32
    %c0_i32_0 = arith.constant 0 : i32
    %c0_i32_1 = arith.constant 0 : i32
    return %c0_i32, %c0_i32_0 : i32, i32
  }
  func.func @transform_2(%arg0: i32) -> (i32, i32, i32) {
    %c0_i32 = arith.constant 0 : i32
    %c0_i32_0 = arith.constant 0 : i32
    %c0_i32_1 = arith.constant 0 : i32
    %c0_i32_2 = arith.constant 0 : i32
    return %c0_i32, %c0_i32_0, %c0_i32_1 : i32, i32, i32
  }
  func.func @transform_3(%arg0: i32) -> (i32, i32) {
    %c0_i32 = arith.constant 0 : i32
    %c0_i32_0 = arith.constant 0 : i32
    %c0_i32_1 = arith.constant 0 : i32
    return %c0_i32, %c0_i32_0 : i32, i32
  }
  func.func @transform_4(%arg0: i32) -> (i32, i32, i32) {
    %c0_i32 = arith.constant 0 : i32
    %c0_i32_0 = arith.constant 0 : i32
    %c0_i32_1 = arith.constant 0 : i32
    return %arg0, %c0_i32, %c0_i32_0 : i32, i32, i32
  }
}

module attributes {stable_mosaic.version = 14 : i64} {
  func.func @_final_body(%arg0: i32, %arg1: memref<2x1000x128xf32, #tpu.memory_space<vmem>>, %arg2: memref<1x128xf32, #tpu.memory_space<vmem>>, %arg3: memref<1000x128xf32, #tpu.memory_space<vmem>>) attributes {dimension_semantics = [#tpu.dimension_semantics<arbitrary>], iteration_bounds = array<i64: 10>, scalar_prefetch = 0 : i64, scratch_operands = 0 : i64, tpu.core_type = #tpu.core_type<tc>, window_params = [{transform_indices = @transform_0, window_bounds = array<i64: 2, 1000, 128>}, {pipeline_mode = #tpu.pipeline_mode<synchronous>, transform_indices = @transform_1, window_bounds = array<i64: 1, 128>}, {transform_indices = @transform_2, window_bounds = array<i64: 1000, 128>}]} {
    %get3A = arith.constant 0 : index
    %get3A_0 = arith.constant 0 : index
    %get3A_1 = arith.constant 0 : index
    %get3A_2 = vector.load %arg1[%get3A, %get3A_0, %get3A_1] : memref<2x1000x128xf32, #tpu.memory_space<vmem>>, vector<1x1000x128xf32>
    %get3A_3 = vector.shape_cast %get3A_2 : vector<1x1000x128xf32> to vector<1000x128xf32>
    %get3A_4 = arith.constant 1 : index
    %get3A_5 = arith.constant 0 : index
    %get3A_6 = arith.constant 0 : index
    %get3A_7 = vector.load %arg1[%get3A_4, %get3A_5, %get3A_6] : memref<2x1000x128xf32, #tpu.memory_space<vmem>>, vector<1x1000x128xf32>
    %get3A_8 = vector.shape_cast %get3A_7 : vector<1x1000x128xf32> to vector<1000x128xf32>
    %add3A = arith.addf %get3A_3, %get3A_8 : vector<1000x128xf32>
    %get3A_9 = arith.constant 0 : index
    %get3A_10 = arith.constant 0 : index
    %get3A_11 = vector.load %arg2[%get3A_9, %get3A_10] : memref<1x128xf32, #tpu.memory_space<vmem>>, vector<1x128xf32>
    %add3A_12 = vector.broadcast %get3A_11 : vector<1x128xf32> to vector<1000x128xf32>
    %add3A_13 = arith.addf %add3A, %add3A_12 : vector<1000x128xf32>
    %swap3A = arith.constant 0 : index
    %swap3A_14 = arith.constant 0 : index
    %swap3A_15 = vector.load %arg3[%swap3A, %swap3A_14] : memref<1000x128xf32, #tpu.memory_space<vmem>>, vector<1000x128xf32>
    tpu.vector_store %arg3[%swap3A, %swap3A_14], %add3A_13 {strides = array<i32>} : memref<1000x128xf32, #tpu.memory_space<vmem>>, vector<1000x128xf32>,
    return
  }
  func.func @transform_0(%arg0: i32) -> (i32, i32, i32) {
    %c0_i32 = arith.constant 0 : i32
    %c0_i32_0 = arith.constant 0 : i32
    %c0_i32_1 = arith.constant 0 : i32
    return %c0_i32, %arg0, %c0_i32_0 : i32, i32, i32
  }
  func.func @transform_1(%arg0: i32) -> (i32, i32) {
    %c0_i32 = arith.constant 0 : i32
    %c0_i32_0 = arith.constant 0 : i32
    %c0_i32_1 = arith.constant 0 : i32
    return %c0_i32, %c0_i32_0 : i32, i32
  }
  func.func @transform_2(%arg0: i32) -> (i32, i32) {
    %c0_i32 = arith.constant 0 : i32
    %c0_i32_0 = arith.constant 0 : i32
    return %arg0, %c0_i32 : i32, i32
  }
}

</mosaic_0001>

<sc_bundles>
// kernel: kernel.10.cloned.1.call-start
scs
__scs_entry_jumppad:
0x0: {  	(pc) =	sbr.rel $0x88, $3  }
0x1: {  	(tag) =	ssettag $0x0;
	lr =	simm.s32 $0x1  }
0x2: {  	[smem:$0x3F97] =	sst lr;
	_ =	strace $0xD0000000  }
0x3: {  	_ = 	snop  }
0x4: {  	_ = 	snop  }
0x5: {  	_ = 	snop  }
0x6: {  	_ = 	snop  }
0x7: {  	_ = 	snop  }
__scs_overlays_trampoline_lowered:
0x8: {  	[smem:$0x3FA6] =	sst s0  }
0x9: {  	[smem:$0x3FA7] =	sst s1  }
0xa: {  	[smem:$0x3FA8] =	sst s2  }
0xb: {  	[smem:$0x3FA9] =	sst s3  }
0xc: {  	[smem:$0x3FAA] =	sst s4  }
0xd: {  	[smem:$0x3FAB] =	sst s5  }
0xe: {  	[smem:$0x3FAC] =	sst s6  }
0xf: {  	[smem:$0x3FAD] =	sst s7  }
0x10: {  	[smem:$0x3FAE] =	sst s8  }
0x11: {  	[smem:$0x3FAF] =	sst s9;
	s0 =	simm.s32 @!p0 $0x0  }
0x12: {  	s1 =	sld [smem:$0x3F95];
	s0 =	simm.s32 @p0 $0x1  }
0x13: {  	[smem:$0x3FB0] =	sst s0;
	s0 =	simm.s32 @!p1 $0x0  }
0x14: {  	s2 =	sld [smem:$0x3F94];
	s0 =	simm.s32 @p1 $0x1  }
0x15: {  	[smem:$0x3FB1] =	sst s0;
	s0 =	simm.s32 @!p2 $0x0  }
0x16: {  	s3 =	sld [smem:$0x3FDB];
	s0 =	simm.s32 @p2 $0x1  }
0x17: {  	s4 =	simm.s32 $0x1BF5;
	[smem:$0x3FB3] =	sst s0  }
0x18: {  	s0 =	sld [smem:$0x3F96];
	_ =	swait.ge [sflag:s4], $0x0  }
0x19: {  	s7 =	sld [smem:$0x3F97]  }
0x1a: {  	s8 =	sadd.s32 $0xFFFFE003, lr  }
0x1b: {  	s9 =	sadd.s32 $0xFFFFFEF7, lr;
	s5 =	simm.s32 $0xFFFFFFFF;
	p2 =	slt.u32 s8, $0xFFFFF086  }
0x1c: {  	p1 =	slt.u32 s9, $0xF7A;
	s5 =	simm.s32 @!p2 $0x0  }
0x1d: {  	s5 =	simm.s32 @p1 $0x1;
	p0 =	seq.s32 s7, s2  }
0x1e: {  	s7 =	smul.u32 @!p0 $0xF7A, s2;
	p2 =	seq.s32 @!p0 s5, $0x0  }
0x1f: {  	s9 =	smul.u32 $0xF7A, s1;
	s8 =	simm.s32 @!p0 $0x1BF5;
	p2 =	por !p2, p0  }
0x20: {  	[sflag:s8] =	ssyncset.s32 @!p0 $0xFFFFF086;
	s6 =	sadd.s32 @!p0 s3, s7;
	s7 =	simm.s32 @!p0 $0x108  }
0x21: {  	s3 =	sadd.s32 s3, s9;
	s6 =	sadd.s32 @!p0 $0x88, s6;
	s7 =	simm.s32 @p2 $0x1082  }
0x22: {  	[simem:s7], [sflag:s8] =	dma.local @!p0 [hbm:s6], $0xF7A  }
0x23: {  	s9 =	sor.u32 $0xD0000000, s2;
	s6 =	simm.s32 $0x108;
	_ =	swait.ge @!p0 [sflag:s8], $0x0  }
0x24: {  	s3 =	sadd.s32 $0x88, s3;
	s6 =	simm.s32 @!p1 $0x1082;
	[sflag:s4] =	ssyncset.s32 $0xFFFFF086  }
0x25: {  	[simem:s6], [sflag:s4] =	dma.local [hbm:s3], $0xF7A  }
0x26: {  	[smem:$0x3F97] =	sst s1;
	(tag) =	ssettag s2;
	_ =	strace s9  }
0x27: {  	s1 =	sld [smem:$0x3FA7]  }
0x28: {  	s2 =	sld [smem:$0x3FA8]  }
0x29: {  	s4 =	sld [smem:$0x3FAA]  }
0x2a: {  	p0 =	seq.s32 s5, $0x0;
	s5 =	sld [smem:$0x3FAB]  }
0x2b: {  	s6 =	sld [smem:$0x3FAC]  }
0x2c: {  	s7 =	sld [smem:$0x3FAD]  }
0x2d: {  	s3 =	simm.s32 $0x108;
	s8 =	sld [smem:$0x3FAE]  }
0x2e: {  	s3 =	simm.s32 @!p0 $0x1082;
	s9 =	sld [smem:$0x3FAF]  }
0x2f: {  	lr =	sadd.s32 s0, s3;
	s0 =	sld [smem:$0x3FA6]  }
0x30: {  	s3 =	sld [smem:$0x3FA9]  }
0x31: {  	[smem:$0x3FB2] =	sst s10  }
0x32: {  	s10 =	sld [smem:$0x3FB0];
	_ =	sdelay $0x3  }
0x33: {  	p0 =	seq.s32 s10, $0x1;
	s10 =	sld [smem:$0x3FB2];
	_ =	sdelay $0x3  }
0x34: {  	[smem:$0x3FB2] =	sst s10  }
0x35: {  	s10 =	sld [smem:$0x3FB1];
	_ =	sdelay $0x3  }
0x36: {  	p1 =	seq.s32 s10, $0x1;
	s10 =	sld [smem:$0x3FB2];
	_ =	sdelay $0x3  }
0x37: {  	[smem:$0x3FB2] =	sst s10  }
0x38: {  	s10 =	sld [smem:$0x3FB3]  }
0x39: {  	_ = 	snop;
	(pc) =	sbr.ind lr, $3  }
0x3a: {  	_ = 	snop  }
0x3b: {  	_ = 	snop  }
0x3c: {  	p2 =	seq.s32 s10, $0x1;
	s10 =	sld [smem:$0x3FB2]  }
0x3d: {  	_ =	shalt  }
0x3e: {  	_ =	shalt  }
0x3f: {  	_ =	shalt  }
0x40: {  	_ =	shalt  }
0x41: {  	_ =	shalt  }
0x42: {  	_ =	shalt  }
0x43: {  	_ =	shalt  }
0x44: {  	_ =	shalt  }
0x45: {  	_ =	shalt  }
0x46: {  	_ =	shalt  }
0x47: {  	_ =	shalt  }
0x48: {  	_ =	shalt  }
0x49: {  	_ =	shalt  }
0x4a: {  	_ =	shalt  }
0x4b: {  	_ =	shalt  }
0x4c: {  	_ =	shalt  }
0x4d: {  	_ =	shalt  }
0x4e: {  	_ =	shalt  }
0x4f: {  	_ =	shalt  }
0x50: {  	_ =	shalt  }
0x51: {  	_ =	shalt  }
0x52: {  	_ =	shalt  }
0x53: {  	_ =	shalt  }
0x54: {  	_ =	shalt  }
0x55: {  	_ =	shalt  }
0x56: {  	_ =	shalt  }
0x57: {  	_ =	shalt  }
0x58: {  	_ =	shalt  }
0x59: {  	_ =	shalt  }
0x5a: {  	_ =	shalt  }
0x5b: {  	_ =	shalt  }
0x5c: {  	_ =	shalt  }
0x5d: {  	_ =	shalt  }
0x5e: {  	_ =	shalt  }
0x5f: {  	_ =	shalt  }
0x60: {  	_ =	shalt  }
0x61: {  	_ =	shalt  }
0x62: {  	_ =	shalt  }
0x63: {  	_ =	shalt  }
0x64: {  	_ =	shalt  }
0x65: {  	_ =	shalt  }
0x66: {  	_ =	shalt  }
0x67: {  	_ =	shalt  }
0x68: {  	_ =	shalt  }
0x69: {  	_ =	shalt  }
0x6a: {  	_ =	shalt  }
0x6b: {  	_ =	shalt  }
0x6c: {  	_ =	shalt  }
0x6d: {  	_ =	shalt  }
0x6e: {  	_ =	shalt  }
0x6f: {  	_ =	shalt  }
0x70: {  	_ =	shalt  }
0x71: {  	_ =	shalt  }
0x72: {  	_ =	shalt  }
0x73: {  	_ =	shalt  }
0x74: {  	_ =	shalt  }
0x75: {  	_ =	shalt  }
0x76: {  	_ =	shalt  }
0x77: {  	_ =	shalt  }
0x78: {  	_ =	shalt  }
0x79: {  	_ =	shalt  }
0x7a: {  	_ =	shalt  }
0x7b: {  	_ =	shalt  }
0x7c: {  	_ =	shalt  }
0x7d: {  	_ =	shalt  }
0x7e: {  	_ =	shalt  }
0x7f: {  	_ =	shalt  }
0x80: {  	_ =	shalt  }
0x81: {  	_ =	shalt  }
0x82: {  	_ =	shalt  }
0x83: {  	_ =	shalt  }
0x84: {  	_ =	shalt  }
0x85: {  	_ =	shalt  }
0x86: {  	_ =	shalt  }
0x87: {  	_ =	shalt  }
.Lfunc_end0:
.L_simem_size_0:
called_computation.1_lowered:
.L_overlay_start_0:
0x88: {  	s2 =	sld [smem:$0x3FD9]  }
0x89: {  	s3 =	sld [smem:$0x3FFE];
	_ =	sdelay $0x1  }
0x8a: {  	s1 =	srdreg.scid  }
0x8b: {  	s0 =	sand.u32 $0x1, s1  }
0x8c: {  	s17 =	sshll.u32 s0, $0xA;
	s2 =	sadd.s32 s3, s2  }
0x8d: {  	s2 =	sadd.s32 s2, s17  }
0x8e: {  	[smem:$0x3FBE] =	sst s2  }
0x8f: {  	_ = 	snop  }
0x90: {  	s2 =	sld [smem:$0x3FD0];
	(tm) =	ssettm $0x1  }
0x91: {  	s18 =	sld [smem:$0x3FFB];
	_ =	sdelay $0x3  }
0x92: {  	_ =	strace s18  }
0x93: {  	s3 =	sld [smem:$0x3FFC];
	_ =	sdelay $0x3  }
0x94: {  	_ =	strace s3  }
0x95: {  	s3 =	sld [smem:$0x3FFD];
	_ =	sdelay $0x3  }
0x96: {  	_ =	strace s3  }
0x97: {  	_ =	strace $0x8FFFFFFF  }
0x98: {  	s19 =	sld [smem:$0x3FDB];
	_ =	sdelay $0x1  }
0x99: {  	s4 =	simm.s32 $_scs_section_size  }
0x9a: {  	s5 =	simm.s32 $_size__tile_overlayer_lowered;
	s6 =	simm.s32 $_tile_overlayer_lowered  }
0x9b: {  	s22 =	simm.s32 $0x1BFF;
	s21 =	sshll.u32 s6, $0x1;
	s3 =	sadd.s32 s4, s19  }
0x9c: {  	s7 =	simm.s32 $0x0;
	s20 =	sshll.u32 s5, $0x1;
	s5 =	sadd.s32 s21, s3  }
0x9d: {  	[timem:s7], [sflag:s22] =	dma.local [hbm:s5], s20  }
0x9e: {  	_ =	swait.ge [sflag:s22], s20  }
0x9f: {  	s4 =	ssub.s32 $0x0, s20;
	[sflag:s22] =	ssyncset.done $0x0  }
0xa0: {  	[sflag:s22] =	ssyncadd.s32 s4;
	_ =	sdelay $0x1  }
0xa1: {  	s23 =	simm.s32 $0x1B8B  }
0xa2: {  	_ =	swait.ge [sflag:s23], $0x1  }
0xa3: {  	[sflag:s23] =	ssyncset.done $0x0  }
0xa4: {  	s25 =	simm.s32 $0x1B8E;
	s24 =	sld [smem:$0x3FFE];
	[sflag:s23] =	ssyncadd.s32 $0xFFFFFFFF  }
0xa5: {  	s26 =	simm.s32 $execute0_lowered;
	[smem:$0x3FD2] =	sst s25  }
0xa6: {  	s5 =	sshll.u32 s26, $0x1;
	_ =	strace $0x80000049;
	[dreg:$0x1] =	wrdreg $0xFFFFFFFF  }
0xa7: {  	s28 =	simm.s32 $_size_execute0_lowered;
	s3 =	sadd.s32 s3, s5;
	[dreg:$0x0] =	wrdreg $0x0  }
0xa8: {  	s5 =	sshll.u32 s28, $0x1;
	[dreg:$0x2] =	wrdreg s3  }
0xa9: {  	[dreg:$0x3] =	wrdreg s5  }
0xaa: {  	[dreg:$0x4] =	wrdreg $0xC0  }
0xab: {  	_ =	task [dreg:s7], $0x5FFFF  }
0xac: {  	[dreg:$0x1] =	wrdreg $0xFFFFFFFF  }
0xad: {  	[dreg:$0x0] =	wrdreg $0x60  }
0xae: {  	[dreg:$0x2] =	wrdreg s24  }
0xaf: {  	[dreg:$0x3] =	wrdreg s2  }
0xb0: {  	[dreg:$0x4] =	wrdreg $0xC2000  }
0xb1: {  	[dreg:$0x5] =	wrdreg $0x9  }
0xb2: {  	_ =	task.clear_ibuf [dreg:s7], $0x6FFFF;
	_ =	strace $0x90000049  }
0xb3: {  	s29 =	simm.s32 $0x9;
	_ =	strace $0x8000004B  }
0xb4: {  	_ =	swait.ge [sflag:s29], $0x1  }
0xb5: {  	[sflag:s29] =	ssyncadd.s32 $0xFFFFFFFF  }
0xb6: {  	_ =	strace $0x9000004B  }
0xb7: {  	_ =	sfence  }
0xb8: {  	s30 =	sld [smem:$0x0];
	_ =	sdelay $0x2  }
0xb9: {  	s31 =	sshll.u32 s1, $0xD;
	s1 =	sshrl.u32 s1, $0x2  }
0xba: {  	s3 =	sand.u32 $0x4000, s31;
	s1 =	sadd.s32 s1, s30  }
0xbb: {  	s0 =	sor.u32 s3, s0;
	s1 =	sshll.u32 s1, $0x11  }
0xbc: {  	s0 =	sor.u32 s1, s0  }
0xbd: {  	s0 =	sadd.s32 $0x8F2B, s0  }
0xbe: {  	[sflag:s0] =	ssyncadd.remote.s32 $0x1  }
0xbf: {  	_ =	sfence.sel $0xFFFF  }
0xc0: {  	[dreg:$0x0] =	wrdreg $0xFFFFFFFF;
	(pc) =	sbr.abs _section_cstart, $3  }
0xc1: {  	[dreg:$0x1] =	wrdreg $0xFFFFFFFF  }
0xc2: {  	_ =	task.clear_ibuf [dreg:s7], $0x2FFFF;
	_ =	strace $0x9FFFFFFF  }
0xc3: {  	(tm) =	ssettm $0x7FFFFFFF  }
tec
execute0_lowered:
.L_overlay_start_1:
0x0: {  	(tag) =	ssettag $0x1  }
0x1: {  	s0 =	rddreg [dreg:$0x0]  }
0x2: {  	s1 =	rddreg [dreg:$0x1]  }
0x3: {  	s2 =	rddreg [dreg:$0x2];
	s3 =	simm.s32 $0x0  }
0x4: {  	s4 =	srdreg.scid;
	s18 =	stileid.u32;
	s28 =	simm.s32 $0x2  }
0x5: {  	s29 =	simm.s32 $0x80;
	s30 =	simm.s32 $0x100;
	s31 =	simm.s32 $0x180  }
0x6: {  	[smem:$0x7FF] =	sst s3;
	s5 =	sadd.s32 $0x14E00, s0;
	s6 =	sadd.s32 $0xB000, s0  }
0x7: {  	s4 =	sand.u32 $0x1, s4;
	s7 =	sadd.s32 $0x63D600, s0;
	s9 =	smul.u32 $0x13C00, s18  }
0x8: {  	s10 =	sadd.s32 $0x664E00, s0;
	s12 =	smul.u32 $0x278, s18;
	s8 =	ssub.s32 $0x2, s4  }
0x9: {  	s20 =	smul.u32 $0x4F000, s18;
	_ =	strace $0x8000004A;
	s11 =	sshrl.u32 s8, $0x1  }
0xa: {  	s13 =	sshrl.u32 s9, $0x3;
	s24 =	sadd.s32 $0x80, s12;
	s14 =	sadd.s32 $0x100, s12  }
0xb: {  	s26 =	sadd.s32 $0x180, s12;
	s12 =	sadd.s32 $0x200, s12;
	s8 =	ssub.s32 s8, s11  }
0xc: {  	s11 =	sshll.u32 s4, $0x4;
	s13 =	sadd.s32 s7, s13;
	s21 =	sshll.u32 s24, $0x7  }
0xd: {  	s22 =	sshll.u32 s14, $0x7;
	s25 =	sshll.u32 s14, $0x4;
	s4 =	smul.u32 $0x13C000, s4  }
0xe: {  	s23 =	sshll.u32 s26, $0x7;
	[dreg:$0x4] =	wrdreg s13;
	s13 =	sshll.u32 s24, $0x4  }
0xf: {  	s24 =	sshll.u32 s12, $0x7;
	s12 =	sshll.u32 s12, $0x4;
	s13 =	sadd.s32 s7, s13  }
0x10: {  	s9 =	sadd.s32 s9, s4;
	s14 =	sadd.s32 s4, s21;
	s17 =	sadd.s32 s4, s22  }
0x11: {  	s19 =	sadd.s32 s4, s23;
	s4 =	sadd.s32 s4, s24;
	s21 =	sadd.s32 s21, s2  }
0x12: {  	s22 =	sadd.s32 s22, s2;
	s23 =	sadd.s32 s23, s2;
	s24 =	sadd.s32 s24, s2  }
0x13: {  	[dreg:$0x5] =	wrdreg s13;
	s13 =	sadd.s32 s7, s25;
	s9 =	sshrl.u32 s9, $0x3  }
0x14: {  	s16 =	sshrl.u32 s14, $0x3;
	s4 =	sshrl.u32 s4, $0x3;
	s25 =	sor.u32 s18, s11  }
0x15: {  	s18 =	sadd.s32 $0x14D600, s0;
	[dreg:$0x6] =	wrdreg s13;
	s13 =	sshll.u32 s26, $0x4  }
0x16: {  	s15 =	sadd.s32 s10, s9;
	s9 =	sshrl.u32 s19, $0x3;
	s19 =	smul.u32 $0x2780, s25  }
0x17: {  	s26 =	sshrl.u32 s20, $0x2;
	s25 =	smax.u32 s8, $0x1;
	s8 =	simm.s32 $0x0  }
0x18: {  	s13 =	sadd.s32 s7, s13;
	s7 =	sadd.s32 s7, s12;
	[dreg:$0x9] =	wrdreg s15  }
0x19: {  	s15 =	sadd.s32 s10, s9;
	s20 =	sadd.s32 s26, s2;
	[dreg:$0x7] =	wrdreg s13  }
0x1a: {  	s26 =	simm.s32 $0x8200;
	[dreg:$0x8] =	wrdreg s7;
	s7 =	sadd.s32 s10, s16  }
0x1b: {  	s16 =	sadd.s32 s10, s4;
	s4 =	simm.s32 $0x4180;
	s13 =	simm.s32 $0x0  }
0x1c: {  	[dreg:$0xa] =	wrdreg s7;
	s7 =	sshrl.u32 s17, $0x3;
	s17 =	sadd.s32 $0x1200, s0  }
0x1d: {  	s0 =	simm.s32 $0x1;
	s14 =	sadd.s32 s10, s7;
	s7 =	simm.s32 $0x4200  }
.LBB2_1:
0x1e: {  	s9 =	rddreg [dreg:$0x4]  }
0x1f: {  	[tilespmem:s26], [sflag:$0x2] =	stream.linear.gather [hbm4b:s9+s3], $0x4000, $0x38;
	[tilespmem:$0x1FE00] =	vst v63  }
0x20: {  	_ =	swait.ge [sflag:s28], $0x4000  }
0x21: {  	[sflag:s28] =	ssyncset.done $0x0  }
0x22: {  	[sflag:s28] =	ssyncadd.s32 $0xFFFFC000  }
0x23: {  	[spmem:s20] =	stream.linear.scatter [tilespmem:s26], [sflag:$0x2], $0x4000, $0x38;
	[tilespmem:$0x1FE00] =	vst v63  }
0x24: {  	_ =	swait.ge [sflag:s28], $0x4000  }
0x25: {  	[sflag:s28] =	ssyncset.done $0x0  }
0x26: {  	s12 =	rddreg [dreg:$0x5];
	[sflag:s28] =	ssyncadd.s32 $0xFFFFC000  }
0x27: {  	[tilespmem:s26], [sflag:$0x2] =	stream.linear.gather [hbm4b:s12+s3], $0x4000, $0x38;
	[tilespmem:$0x1FE00] =	vst v63  }
0x28: {  	_ =	swait.ge [sflag:s28], $0x4000  }
0x29: {  	[sflag:s28] =	ssyncset.done $0x0  }
0x2a: {  	[sflag:s28] =	ssyncadd.s32 $0xFFFFC000  }
0x2b: {  	[spmem:s21] =	stream.linear.scatter [tilespmem:s26], [sflag:$0x2], $0x4000, $0x38;
	[tilespmem:$0x1FE00] =	vst v63  }
0x2c: {  	_ =	swait.ge [sflag:s28], $0x4000  }
0x2d: {  	[sflag:s28] =	ssyncset.done $0x0  }
0x2e: {  	s10 =	rddreg [dreg:$0x6];
	[sflag:s28] =	ssyncadd.s32 $0xFFFFC000  }
0x2f: {  	[tilespmem:s26], [sflag:$0x2] =	stream.linear.gather [hbm4b:s10+s3], $0x4000, $0x38;
	[tilespmem:$0x1FE00] =	vst v63  }
0x30: {  	_ =	swait.ge [sflag:s28], $0x4000  }
0x31: {  	[sflag:s28] =	ssyncset.done $0x0  }
0x32: {  	[sflag:s28] =	ssyncadd.s32 $0xFFFFC000  }
0x33: {  	[spmem:s22] =	stream.linear.scatter [tilespmem:s26], [sflag:$0x2], $0x4000, $0x38;
	[tilespmem:$0x1FE00] =	vst v63  }
0x34: {  	_ =	swait.ge [sflag:s28], $0x4000  }
0x35: {  	[sflag:s28] =	ssyncset.done $0x0  }
0x36: {  	s11 =	rddreg [dreg:$0x7];
	[sflag:s28] =	ssyncadd.s32 $0xFFFFC000  }
0x37: {  	[tilespmem:s26], [sflag:$0x2] =	stream.linear.gather [hbm4b:s11+s3], $0x4000, $0x38;
	[tilespmem:$0x1FE00] =	vst v63  }
0x38: {  	_ =	swait.ge [sflag:s28], $0x4000  }
0x39: {  	[sflag:s28] =	ssyncset.done $0x0  }
0x3a: {  	[sflag:s28] =	ssyncadd.s32 $0xFFFFC000  }
0x3b: {  	[spmem:s23] =	stream.linear.scatter [tilespmem:s26], [sflag:$0x2], $0x4000, $0x38;
	[tilespmem:$0x1FE00] =	vst v63  }
0x3c: {  	_ =	swait.ge [sflag:s28], $0x4000  }
0x3d: {  	[sflag:s28] =	ssyncset.done $0x0  }
0x3e: {  	s12 =	rddreg [dreg:$0x8];
	[sflag:s28] =	ssyncadd.s32 $0xFFFFC000  }
0x3f: {  	[tilespmem:s26], [sflag:$0x2] =	stream.linear.gather [hbm4b:s12+s3], $0x3C00, $0x38;
	[tilespmem:$0x1FE00] =	vst v63  }
0x40: {  	_ =	swait.ge [sflag:s28], $0x3C00  }
0x41: {  	[sflag:s28] =	ssyncset.done $0x0  }
0x42: {  	[sflag:s28] =	ssyncadd.s32 $0xFFFFC400  }
0x43: {  	[spmem:s24] =	stream.linear.scatter [tilespmem:s26], [sflag:$0x2], $0x3C00, $0x38;
	[tilespmem:$0x1FE00] =	vst v63  }
0x44: {  	_ =	swait.ge [sflag:s28], $0x3C00  }
0x45: {  	[sflag:s28] =	ssyncset.done $0x0  }
0x46: {  	[sflag:s28] =	ssyncadd.s32 $0xFFFFC400  }
0x47: {  	s9 =	simm.s32 $0x0;
	[bflag:$0x0] =	sbarrier.arrive $0xFFFF  }
.LBB2_2:
0x48: {  	s10 =	sshll.u32 s9, $0x7  }
0x49: {  	s10 =	sadd.s32 s19, s10  }
0x4a: {  	s11 =	sshrl.u32 s10, $0x3  }
0x4b: {  	s12 =	sadd.s32 s1, s11  }
0x4c: {  	[tilespmem:s13], [sflag:$0x1] =	stream.linear.gather [hbm4b:s12+s13], $0x80, $0x38;
	[tilespmem:$0x1FE00] =	vst v63  }
0x4d: {  	s12 =	sadd.s32 s6, s11  }
0x4e: {  	[tilespmem:s29], [sflag:$0x1] =	stream.linear.gather [hbm4b:s12+s13], $0x80, $0x38;
	[tilespmem:$0x1FE00] =	vst v63  }
0x4f: {  	s10 =	sshll.u32 s10, $0x4;
	s11 =	sadd.s32 s17, s11  }
0x50: {  	[tilespmem:s30], [sflag:$0x1] =	stream.linear.gather [hbm4b:s11+s13], $0x80, $0x38;
	[tilespmem:$0x1FE00] =	vst v63  }
0x51: {  	s10 =	sadd.s32 s18, s10  }
0x52: {  	[tilespmem:s31], [sflag:$0x1] =	stream.linear.gather [hbm4b:s10+s13], $0x4000, $0x38;
	[tilespmem:$0x1FE00] =	vst v63  }
0x53: {  	_ =	swait.ge [sflag:s0], $0x80  }
0x54: {  	[sflag:s0] =	ssyncset.done $0x0  }
0x55: {  	[sflag:s0] =	ssyncadd.s32 $0xFFFFFF80  }
0x56: {  	_ =	swait.ge [sflag:s0], $0x80  }
0x57: {  	[sflag:s0] =	ssyncset.done $0x0  }
0x58: {  	[sflag:s0] =	ssyncadd.s32 $0xFFFFFF80  }
0x59: {  	_ =	swait.ge [sflag:s0], $0x80  }
0x5a: {  	[sflag:s0] =	ssyncset.done $0x0  }
0x5b: {  	[sflag:s0] =	ssyncadd.s32 $0xFFFFFF80  }
0x5c: {  	_ =	swait.ge [sflag:s0], $0x4000  }
0x5d: {  	[sflag:s0] =	ssyncset.done $0x0  }
0x5e: {  	[sflag:s0] =	ssyncadd.s32 $0xFFFFC000  }
0x5f: {  	v0 =	vld [tilespmem:$0x0]  }
0x60: {  	v1 =	vld [tilespmem:$0x80]  }
0x61: {  	v2 =	vld [tilespmem:$0x10]  }
0x62: {  	v3 =	vld [tilespmem:$0x90]  }
0x63: {  	v4 =	vld [tilespmem:$0x20]  }
0x64: {  	v5 =	vld [tilespmem:$0xA0]  }
0x65: {  	v6 =	vld [tilespmem:$0x30]  }
0x66: {  	v7 =	vld [tilespmem:$0xB0]  }
0x67: {  	v8 =	vld [tilespmem:$0x40]  }
0x68: {  	v9 =	vld [tilespmem:$0xC0]  }
0x69: {  	v10 =	vld [tilespmem:$0x50]  }
0x6a: {  	v11 =	vld [tilespmem:$0xD0]  }
0x6b: {  	v12 =	vld [tilespmem:$0x60];
	v0 =	vshll.u32 v0, $0x3  }
0x6c: {  	v0 =	vadd.s32 v1, v0;
	v1 =	vshll.u32 v2, $0x3;
	v2 =	vld [tilespmem:$0xE0]  }
0x6d: {  	[tilespmem:$0x4180] =	vst v0;
	v0 =	vadd.s32 v3, v1;
	v1 =	vshll.u32 v4, $0x3;
	v3 =	vld [tilespmem:$0x70]  }
0x6e: {  	v4 =	vld [tilespmem:$0xF0];
	[tilespmem:$0x4190] =	vst v0;
	v0 =	vadd.s32 v5, v1;
	v1 =	vshll.u32 v6, $0x3  }
0x6f: {  	[tilespmem:$0x41A0] =	vst v0;
	v0 =	vadd.s32 v7, v1;
	v1 =	vshll.u32 v8, $0x3  }
0x70: {  	[tilespmem:$0x41B0] =	vst v0;
	v0 =	vadd.s32 v9, v1;
	v1 =	vshll.u32 v10, $0x3  }
0x71: {  	[tilespmem:$0x41C0] =	vst v0;
	v0 =	vadd.s32 v11, v1;
	v1 =	vshll.u32 v12, $0x3  }
0x72: {  	[tilespmem:$0x41D0] =	vst v0;
	v0 =	vadd.s32 v2, v1;
	v1 =	vshll.u32 v3, $0x3  }
0x73: {  	[tilespmem:$0x41E0] =	vst v0;
	v0 =	vadd.s32 v4, v1  }
0x74: {  	[tilespmem:$0x41F0] =	vst v0  }
0x75: {  	[tilespmem:s7], [sflag:$0x1] =	stream.indirect.gather [hbm4b:s5+s29], $0x80, s4, s29, $0xb8;
	[tilespmem:$0x1FE00] =	vst v63  }
0x76: {  	_ =	swait.ge [sflag:s0], $0x4000  }
0x77: {  	[sflag:s0] =	ssyncset.done $0x0  }
0x78: {  	s10 =	simm.s32 $0x0;
	[sflag:s0] =	ssyncadd.s32 $0xFFFFC000  }
0x79: {  	v0 =	vld [tilespmem:s10+$0x180]  }
0x7a: {  	v4 =	vld [tilespmem:s10+$0x4200]  }
0x7b: {  	v6 =	vld [tilespmem:s10+$0x4210]  }
0x7c: {  	v5 =	vld [tilespmem:s10+$0x4220]  }
0x7d: {  	v3 =	vld [tilespmem:s10+$0x4230]  }
0x7e: {  	v1 =	vld [tilespmem:s10+$0x4240]  }
0x7f: {  	v2 =	vld [tilespmem:s10+$0x4250];
	v7 =	vmul.f32 v4, v0  }
0x80: {  	s11 =	simm.s32 $0x200;
	v6 =	vmul.f32 v6, v0;
	v4 =	vld [tilespmem:s10+$0x4260]  }
.LBB2_3:
0x81: {  	s12 =	sshra.s32 s11, $0x2;
	p0 =	sne.s32 s11, $0xFE00;
	[tilespmem:s10+$0x4200] =	vst v7;
	v5 =	vmul.f32 v5, v0;
	v7 =	vld [tilespmem:s10+$0x4270]  }
0x82: {  	v8 =	vld [tilespmem:s12+$0x180];
	[tilespmem:s10+$0x4210] =	vst v6;
	v3 =	vmul.f32 v3, v0  }
0x83: {  	v6 =	vld [tilespmem:s12+$0x4200];
	[tilespmem:s10+$0x4220] =	vst v5;
	v1 =	vmul.f32 v1, v0  }
0x84: {  	v9 =	vld [tilespmem:s12+$0x4210];
	[tilespmem:s10+$0x4230] =	vst v3;
	v2 =	vmul.f32 v2, v0  }
.Ltmp0:
0x85: {  	v5 =	vld [tilespmem:s12+$0x4220];
	[tilespmem:s10+$0x4240] =	vst v1;
	v4 =	vmul.f32 v4, v0;
	(pc) =	sbr.rel @p0 .LBB2_3-.Ltmp0, $4  }
0x86: {  	v3 =	vld [tilespmem:s12+$0x4230];
	[tilespmem:s10+$0x4250] =	vst v2;
	v10 =	vmul.f32 v7, v0  }
0x87: {  	v1 =	vld [tilespmem:s12+$0x4240];
	[tilespmem:s10+$0x4260] =	vst v4;
	v0 =	vmov v8  }
0x88: {  	v7 =	vmul.f32 v6, v0;
	v2 =	vld [tilespmem:s12+$0x4250];
	[tilespmem:s10+$0x4270] =	vst v10;
	s10 =	smov.u32 s12  }
0x89: {  	s11 =	sadd.s32 $0x200, s11;
	v6 =	vmul.f32 v9, v0;
	v4 =	vld [tilespmem:s10+$0x4260]  }
0x8a: {  	[tilespmem:s10+$0x4200] =	vst v7;
	v5 =	vmul.f32 v5, v0;
	v61 =	vld [tilespmem:s10+$0x4270]  }
0x8b: {  	[tilespmem:s10+$0x4210] =	vst v6;
	v3 =	vmul.f32 v3, v0  }
0x8c: {  	[tilespmem:s10+$0x4220] =	vst v5;
	v1 =	vmul.f32 v1, v0  }
0x8d: {  	[tilespmem:s10+$0x4230] =	vst v3;
	v2 =	vmul.f32 v2, v0  }
0x8e: {  	[tilespmem:s10+$0x4240] =	vst v1;
	v62 =	vmul.f32 v4, v0  }
0x8f: {  	s9 =	sadd.s32 $0x1, s9;
	[tilespmem:s10+$0x4250] =	vst v2;
	v63 =	vmul.f32 v61, v0  }
0x90: {  	p0 =	sne.s32 s9, $0x4F;
	[tilespmem:s10+$0x4260] =	vst v62  }
.Ltmp1:
0x91: {  	[tilespmem:s10+$0x4270] =	vst v63;
	(pc) =	sbr.rel @p0 .LBB2_2-.Ltmp1, $4  }
0x92: {  	[spmem:s2] =	stream.indirect.scatter.add.f32 [tilespmem:s7], [sflag:$0x2], $0x80, s30, s29, $0xb8;
	[tilespmem:$0x1FE00] =	vst v63  }
0x93: {  	_ =	swait.ge [sflag:s28], $0x4000  }
0x94: {  	[sflag:s28] =	ssyncset.done $0x0  }
0x95: {  	[sflag:s28] =	ssyncadd.s32 $0xFFFFC000  }
0x96: {  	[bflag:$0x0] =	sbarrier.arrive $0xFFFF  }
0x97: {  	[tilespmem:s26], [sflag:$0x2] =	stream.linear.gather [spmem:s20], $0x4000, $0x38;
	[tilespmem:$0x1FE00] =	vst v63  }
0x98: {  	_ =	swait.ge [sflag:s28], $0x4000  }
0x99: {  	[sflag:s28] =	ssyncset.done $0x0  }
0x9a: {  	s9 =	rddreg [dreg:$0x9];
	[sflag:s28] =	ssyncadd.s32 $0xFFFFC000  }
0x9b: {  	[hbm4b:s9+s3] =	stream.linear.scatter [tilespmem:s26], [sflag:$0x2], $0x4000, $0x38;
	[tilespmem:$0x1FE00] =	vst v63  }
0x9c: {  	_ =	swait.ge [sflag:s28], $0x4000  }
0x9d: {  	[sflag:s28] =	ssyncset.done $0x0  }
0x9e: {  	[sflag:s28] =	ssyncadd.s32 $0xFFFFC000  }
0x9f: {  	[tilespmem:s26], [sflag:$0x2] =	stream.linear.gather [spmem:s21], $0x4000, $0x38;
	[tilespmem:$0x1FE00] =	vst v63  }
0xa0: {  	_ =	swait.ge [sflag:s28], $0x4000  }
0xa1: {  	[sflag:s28] =	ssyncset.done $0x0  }
0xa2: {  	s12 =	rddreg [dreg:$0xa];
	[sflag:s28] =	ssyncadd.s32 $0xFFFFC000  }
0xa3: {  	[hbm4b:s12+s3] =	stream.linear.scatter [tilespmem:s26], [sflag:$0x2], $0x4000, $0x38;
	[tilespmem:$0x1FE00] =	vst v63  }
0xa4: {  	_ =	swait.ge [sflag:s28], $0x4000  }
0xa5: {  	[sflag:s28] =	ssyncset.done $0x0  }
0xa6: {  	[sflag:s28] =	ssyncadd.s32 $0xFFFFC000  }
0xa7: {  	[tilespmem:s26], [sflag:$0x2] =	stream.linear.gather [spmem:s22], $0x4000, $0x38;
	[tilespmem:$0x1FE00] =	vst v63  }
0xa8: {  	_ =	swait.ge [sflag:s28], $0x4000  }
0xa9: {  	[sflag:s28] =	ssyncset.done $0x0  }
0xaa: {  	[sflag:s28] =	ssyncadd.s32 $0xFFFFC000  }
0xab: {  	[hbm4b:s14+s3] =	stream.linear.scatter [tilespmem:s26], [sflag:$0x2], $0x4000, $0x38;
	[tilespmem:$0x1FE00] =	vst v63  }
0xac: {  	_ =	swait.ge [sflag:s28], $0x4000  }
0xad: {  	[sflag:s28] =	ssyncset.done $0x0  }
0xae: {  	[sflag:s28] =	ssyncadd.s32 $0xFFFFC000  }
0xaf: {  	[tilespmem:s26], [sflag:$0x2] =	stream.linear.gather [spmem:s23], $0x4000, $0x38;
	[tilespmem:$0x1FE00] =	vst v63  }
0xb0: {  	_ =	swait.ge [sflag:s28], $0x4000  }
0xb1: {  	[sflag:s28] =	ssyncset.done $0x0  }
0xb2: {  	[sflag:s28] =	ssyncadd.s32 $0xFFFFC000  }
0xb3: {  	[hbm4b:s15+s3] =	stream.linear.scatter [tilespmem:s26], [sflag:$0x2], $0x4000, $0x38;
	[tilespmem:$0x1FE00] =	vst v63  }
0xb4: {  	_ =	swait.ge [sflag:s28], $0x4000  }
0xb5: {  	[sflag:s28] =	ssyncset.done $0x0  }
0xb6: {  	[sflag:s28] =	ssyncadd.s32 $0xFFFFC000  }
0xb7: {  	[tilespmem:s26], [sflag:$0x2] =	stream.linear.gather [spmem:s24], $0x3C00, $0x38;
	[tilespmem:$0x1FE00] =	vst v63  }
0xb8: {  	s8 =	sadd.s32 $0x1, s8;
	_ =	swait.ge [sflag:s28], $0x3C00  }
0xb9: {  	p0 =	sne.s32 s8, s25;
	[sflag:s28] =	ssyncset.done $0x0  }
.Ltmp2:
0xba: {  	[sflag:s28] =	ssyncadd.s32 $0xFFFFC400;
	(pc) =	sbr.rel @p0 .LBB2_1-.Ltmp2, $4  }
0xbb: {  	[hbm4b:s16+s3] =	stream.linear.scatter [tilespmem:s26], [sflag:$0x2], $0x3C00, $0x38;
	[tilespmem:$0x1FE00] =	vst v63  }
0xbc: {  	_ =	swait.ge [sflag:s28], $0x3C00  }
0xbd: {  	[sflag:s28] =	ssyncset.done $0x0  }
0xbe: {  	[sflag:s28] =	ssyncadd.s32 $0xFFFFC400  }
0xbf: {  	_ =	sfence.sel $0x180000  }
0xc0: {  	[bflag:$0x0] =	sbarrier.arrive $0xFFFF  }
0xc1: {  	_ =	strace $0x9000004A  }
0xc2: {  	s0 =	stileid.u32;
	[bflag:$0x2] =	sbarrier.arrive $0xFFFF  }
0xc3: {  	p0 =	sne.s32 s0, $0x0;
	s0 =	rddreg [dreg:$0x3]  }
0xc4: {  	s0 =	sadd.s32 @!p0 $0x100000, s0  }
0xc5: {  	[sflag:s0] =	ssyncadd.tile.s32 @!p0 $0x1;
	_ =	shalt  }
.Lfunc_end2:
_tile_overlayer_lowered:
.L_overlay_start_2:
0xc6: {  	(tag) =	ssettag $0x2  }
0xc7: {  	s0 =	rddreg [dreg:$0x0];
	s2 =	stileid.u32  }
0xc8: {  	s1 =	rddreg [dreg:$0x1];
	p0 =	sne.s32 s2, $0x0  }
0xc9: {  	s3 =	rddreg [dreg:$0x2];
	[bflag:$0x3] =	sbarrier.arrive $0xFFFF;
	s2 =	simm.s32 @!p0 $0x1C02  }
0xca: {  	[timem:s3], [sflag:s2] =	dma.local @!p0 [hbm:s0], s1  }
0xcb: {  	s0 =	simm.s32 @!p0 $0x2  }
0xcc: {  	_ =	swait.ge @!p0 [sflag:s0], s1  }
0xcd: {  	s1 =	ssub.s32 @!p0 $0x0, s1;
	[sflag:s0] =	ssyncset.done @!p0 $0x0  }
0xce: {  	[sflag:s0] =	ssyncadd.s32 @!p0 s1  }
0xcf: {  	[bflag:$0x3] =	sbarrier.arrive $0xFFFF  }
0xd0: {  	_ =	shalt  }

// kernel: kernel.7.cloned.1.call-start
scs
__scs_entry_jumppad:
0x0: {  	(pc) =	sbr.rel $0x88, $3  }
0x1: {  	(tag) =	ssettag $0x0;
	lr =	simm.s32 $0x1  }
0x2: {  	[smem:$0x3F97] =	sst lr;
	_ =	strace $0xD0000000  }
0x3: {  	_ = 	snop  }
0x4: {  	_ = 	snop  }
0x5: {  	_ = 	snop  }
0x6: {  	_ = 	snop  }
0x7: {  	_ = 	snop  }
__scs_overlays_trampoline_lowered:
0x8: {  	[smem:$0x3FA6] =	sst s0  }
0x9: {  	[smem:$0x3FA7] =	sst s1  }
0xa: {  	[smem:$0x3FA8] =	sst s2  }
0xb: {  	[smem:$0x3FA9] =	sst s3  }
0xc: {  	[smem:$0x3FAA] =	sst s4  }
0xd: {  	[smem:$0x3FAB] =	sst s5  }
0xe: {  	[smem:$0x3FAC] =	sst s6  }
0xf: {  	[smem:$0x3FAD] =	sst s7  }
0x10: {  	[smem:$0x3FAE] =	sst s8  }
0x11: {  	[smem:$0x3FAF] =	sst s9;
	s0 =	simm.s32 @!p0 $0x0  }
0x12: {  	s1 =	sld [smem:$0x3F95];
	s0 =	simm.s32 @p0 $0x1  }
0x13: {  	[smem:$0x3FB0] =	sst s0;
	s0 =	simm.s32 @!p1 $0x0  }
0x14: {  	s2 =	sld [smem:$0x3F94];
	s0 =	simm.s32 @p1 $0x1  }
0x15: {  	[smem:$0x3FB1] =	sst s0;
	s0 =	simm.s32 @!p2 $0x0  }
0x16: {  	s3 =	sld [smem:$0x3FDB];
	s0 =	simm.s32 @p2 $0x1  }
0x17: {  	s4 =	simm.s32 $0x1BF5;
	[smem:$0x3FB3] =	sst s0  }
0x18: {  	s0 =	sld [smem:$0x3F96];
	_ =	swait.ge [sflag:s4], $0x0  }
0x19: {  	s7 =	sld [smem:$0x3F97]  }
0x1a: {  	s8 =	sadd.s32 $0xFFFFE003, lr  }
0x1b: {  	s9 =	sadd.s32 $0xFFFFFEF7, lr;
	s5 =	simm.s32 $0xFFFFFFFF;
	p2 =	slt.u32 s8, $0xFFFFF086  }
0x1c: {  	p1 =	slt.u32 s9, $0xF7A;
	s5 =	simm.s32 @!p2 $0x0  }
0x1d: {  	s5 =	simm.s32 @p1 $0x1;
	p0 =	seq.s32 s7, s2  }
0x1e: {  	s7 =	smul.u32 @!p0 $0xF7A, s2;
	p2 =	seq.s32 @!p0 s5, $0x0  }
0x1f: {  	s9 =	smul.u32 $0xF7A, s1;
	s8 =	simm.s32 @!p0 $0x1BF5;
	p2 =	por !p2, p0  }
0x20: {  	[sflag:s8] =	ssyncset.s32 @!p0 $0xFFFFF086;
	s6 =	sadd.s32 @!p0 s3, s7;
	s7 =	simm.s32 @!p0 $0x108  }
0x21: {  	s3 =	sadd.s32 s3, s9;
	s6 =	sadd.s32 @!p0 $0x88, s6;
	s7 =	simm.s32 @p2 $0x1082  }
0x22: {  	[simem:s7], [sflag:s8] =	dma.local @!p0 [hbm:s6], $0xF7A  }
0x23: {  	s9 =	sor.u32 $0xD0000000, s2;
	s6 =	simm.s32 $0x108;
	_ =	swait.ge @!p0 [sflag:s8], $0x0  }
0x24: {  	s3 =	sadd.s32 $0x88, s3;
	s6 =	simm.s32 @!p1 $0x1082;
	[sflag:s4] =	ssyncset.s32 $0xFFFFF086  }
0x25: {  	[simem:s6], [sflag:s4] =	dma.local [hbm:s3], $0xF7A  }
0x26: {  	[smem:$0x3F97] =	sst s1;
	(tag) =	ssettag s2;
	_ =	strace s9  }
0x27: {  	s1 =	sld [smem:$0x3FA7]  }
0x28: {  	s2 =	sld [smem:$0x3FA8]  }
0x29: {  	s4 =	sld [smem:$0x3FAA]  }
0x2a: {  	p0 =	seq.s32 s5, $0x0;
	s5 =	sld [smem:$0x3FAB]  }
0x2b: {  	s6 =	sld [smem:$0x3FAC]  }
0x2c: {  	s7 =	sld [smem:$0x3FAD]  }
0x2d: {  	s3 =	simm.s32 $0x108;
	s8 =	sld [smem:$0x3FAE]  }
0x2e: {  	s3 =	simm.s32 @!p0 $0x1082;
	s9 =	sld [smem:$0x3FAF]  }
0x2f: {  	lr =	sadd.s32 s0, s3;
	s0 =	sld [smem:$0x3FA6]  }
0x30: {  	s3 =	sld [smem:$0x3FA9]  }
0x31: {  	[smem:$0x3FB2] =	sst s10  }
0x32: {  	s10 =	sld [smem:$0x3FB0];
	_ =	sdelay $0x3  }
0x33: {  	p0 =	seq.s32 s10, $0x1;
	s10 =	sld [smem:$0x3FB2];
	_ =	sdelay $0x3  }
0x34: {  	[smem:$0x3FB2] =	sst s10  }
0x35: {  	s10 =	sld [smem:$0x3FB1];
	_ =	sdelay $0x3  }
0x36: {  	p1 =	seq.s32 s10, $0x1;
	s10 =	sld [smem:$0x3FB2];
	_ =	sdelay $0x3  }
0x37: {  	[smem:$0x3FB2] =	sst s10  }
0x38: {  	s10 =	sld [smem:$0x3FB3]  }
0x39: {  	_ = 	snop;
	(pc) =	sbr.ind lr, $3  }
0x3a: {  	_ = 	snop  }
0x3b: {  	_ = 	snop  }
0x3c: {  	p2 =	seq.s32 s10, $0x1;
	s10 =	sld [smem:$0x3FB2]  }
0x3d: {  	_ =	shalt  }
0x3e: {  	_ =	shalt  }
0x3f: {  	_ =	shalt  }
0x40: {  	_ =	shalt  }
0x41: {  	_ =	shalt  }
0x42: {  	_ =	shalt  }
0x43: {  	_ =	shalt  }
0x44: {  	_ =	shalt  }
0x45: {  	_ =	shalt  }
0x46: {  	_ =	shalt  }
0x47: {  	_ =	shalt  }
0x48: {  	_ =	shalt  }
0x49: {  	_ =	shalt  }
0x4a: {  	_ =	shalt  }
0x4b: {  	_ =	shalt  }
0x4c: {  	_ =	shalt  }
0x4d: {  	_ =	shalt  }
0x4e: {  	_ =	shalt  }
0x4f: {  	_ =	shalt  }
0x50: {  	_ =	shalt  }
0x51: {  	_ =	shalt  }
0x52: {  	_ =	shalt  }
0x53: {  	_ =	shalt  }
0x54: {  	_ =	shalt  }
0x55: {  	_ =	shalt  }
0x56: {  	_ =	shalt  }
0x57: {  	_ =	shalt  }
0x58: {  	_ =	shalt  }
0x59: {  	_ =	shalt  }
0x5a: {  	_ =	shalt  }
0x5b: {  	_ =	shalt  }
0x5c: {  	_ =	shalt  }
0x5d: {  	_ =	shalt  }
0x5e: {  	_ =	shalt  }
0x5f: {  	_ =	shalt  }
0x60: {  	_ =	shalt  }
0x61: {  	_ =	shalt  }
0x62: {  	_ =	shalt  }
0x63: {  	_ =	shalt  }
0x64: {  	_ =	shalt  }
0x65: {  	_ =	shalt  }
0x66: {  	_ =	shalt  }
0x67: {  	_ =	shalt  }
0x68: {  	_ =	shalt  }
0x69: {  	_ =	shalt  }
0x6a: {  	_ =	shalt  }
0x6b: {  	_ =	shalt  }
0x6c: {  	_ =	shalt  }
0x6d: {  	_ =	shalt  }
0x6e: {  	_ =	shalt  }
0x6f: {  	_ =	shalt  }
0x70: {  	_ =	shalt  }
0x71: {  	_ =	shalt  }
0x72: {  	_ =	shalt  }
0x73: {  	_ =	shalt  }
0x74: {  	_ =	shalt  }
0x75: {  	_ =	shalt  }
0x76: {  	_ =	shalt  }
0x77: {  	_ =	shalt  }
0x78: {  	_ =	shalt  }
0x79: {  	_ =	shalt  }
0x7a: {  	_ =	shalt  }
0x7b: {  	_ =	shalt  }
0x7c: {  	_ =	shalt  }
0x7d: {  	_ =	shalt  }
0x7e: {  	_ =	shalt  }
0x7f: {  	_ =	shalt  }
0x80: {  	_ =	shalt  }
0x81: {  	_ =	shalt  }
0x82: {  	_ =	shalt  }
0x83: {  	_ =	shalt  }
0x84: {  	_ =	shalt  }
0x85: {  	_ =	shalt  }
0x86: {  	_ =	shalt  }
0x87: {  	_ =	shalt  }
.Lfunc_end0:
.L_simem_size_0:
called_computation_lowered:
.L_overlay_start_0:
0x88: {  	s2 =	sld [smem:$0x3FD9]  }
0x89: {  	s3 =	sld [smem:$0x3FFE];
	_ =	sdelay $0x1  }
0x8a: {  	s1 =	srdreg.scid  }
0x8b: {  	s0 =	sand.u32 $0x1, s1  }
0x8c: {  	s17 =	sshll.u32 s0, $0xA;
	s2 =	sadd.s32 s3, s2  }
0x8d: {  	s2 =	sadd.s32 s2, s17  }
0x8e: {  	[smem:$0x3FBE] =	sst s2  }
0x8f: {  	_ = 	snop  }
0x90: {  	s2 =	sld [smem:$0x3FD0];
	(tm) =	ssettm $0x1  }
0x91: {  	s18 =	sld [smem:$0x3FFB];
	_ =	sdelay $0x3  }
0x92: {  	_ =	strace s18  }
0x93: {  	s3 =	sld [smem:$0x3FFC];
	_ =	sdelay $0x3  }
0x94: {  	_ =	strace s3  }
0x95: {  	s3 =	sld [smem:$0x3FFD];
	_ =	sdelay $0x3  }
0x96: {  	_ =	strace s3  }
0x97: {  	_ =	strace $0x8FFFFFFF  }
0x98: {  	s19 =	sld [smem:$0x3FDB];
	_ =	sdelay $0x1  }
0x99: {  	s4 =	simm.s32 $_scs_section_size  }
0x9a: {  	s5 =	simm.s32 $_size__tile_overlayer_lowered;
	s6 =	simm.s32 $_tile_overlayer_lowered  }
0x9b: {  	s22 =	simm.s32 $0x1BFF;
	s21 =	sshll.u32 s6, $0x1;
	s3 =	sadd.s32 s4, s19  }
0x9c: {  	s7 =	simm.s32 $0x0;
	s20 =	sshll.u32 s5, $0x1;
	s5 =	sadd.s32 s21, s3  }
0x9d: {  	[timem:s7], [sflag:s22] =	dma.local [hbm:s5], s20  }
0x9e: {  	_ =	swait.ge [sflag:s22], s20  }
0x9f: {  	s4 =	ssub.s32 $0x0, s20;
	[sflag:s22] =	ssyncset.done $0x0  }
0xa0: {  	[sflag:s22] =	ssyncadd.s32 s4;
	_ =	sdelay $0x1  }
0xa1: {  	s23 =	simm.s32 $0x1B8B  }
0xa2: {  	_ =	swait.ge [sflag:s23], $0x1  }
0xa3: {  	[sflag:s23] =	ssyncset.done $0x0  }
0xa4: {  	s25 =	simm.s32 $0x1B8E;
	s24 =	sld [smem:$0x3FFE];
	[sflag:s23] =	ssyncadd.s32 $0xFFFFFFFF  }
0xa5: {  	s26 =	simm.s32 $execute0_lowered;
	[smem:$0x3FD2] =	sst s25  }
0xa6: {  	s5 =	sshll.u32 s26, $0x1;
	_ =	strace $0x80000046;
	[dreg:$0x1] =	wrdreg $0xFFFFFFFF  }
0xa7: {  	s28 =	simm.s32 $_size_execute0_lowered;
	s3 =	sadd.s32 s3, s5;
	[dreg:$0x0] =	wrdreg $0x0  }
0xa8: {  	s5 =	sshll.u32 s28, $0x1;
	[dreg:$0x2] =	wrdreg s3  }
0xa9: {  	[dreg:$0x3] =	wrdreg s5  }
0xaa: {  	[dreg:$0x4] =	wrdreg $0xC0  }
0xab: {  	_ =	task [dreg:s7], $0x5FFFF  }
0xac: {  	[dreg:$0x1] =	wrdreg $0xFFFFFFFF  }
0xad: {  	[dreg:$0x0] =	wrdreg $0x60  }
0xae: {  	[dreg:$0x2] =	wrdreg s24  }
0xaf: {  	[dreg:$0x3] =	wrdreg s2  }
0xb0: {  	[dreg:$0x4] =	wrdreg $0xC2000  }
0xb1: {  	[dreg:$0x5] =	wrdreg $0x9  }
0xb2: {  	_ =	task.clear_ibuf [dreg:s7], $0x6FFFF;
	_ =	strace $0x90000046  }
0xb3: {  	s29 =	simm.s32 $0x9;
	_ =	strace $0x80000048  }
0xb4: {  	_ =	swait.ge [sflag:s29], $0x1  }
0xb5: {  	[sflag:s29] =	ssyncadd.s32 $0xFFFFFFFF  }
0xb6: {  	_ =	strace $0x90000048  }
0xb7: {  	_ =	sfence  }
0xb8: {  	s30 =	sld [smem:$0x0];
	_ =	sdelay $0x2  }
0xb9: {  	s31 =	sshll.u32 s1, $0xD;
	s1 =	sshrl.u32 s1, $0x2  }
0xba: {  	s3 =	sand.u32 $0x4000, s31;
	s1 =	sadd.s32 s1, s30  }
0xbb: {  	s0 =	sor.u32 s3, s0;
	s1 =	sshll.u32 s1, $0x11  }
0xbc: {  	s0 =	sor.u32 s1, s0  }
0xbd: {  	s0 =	sadd.s32 $0x8F2B, s0  }
0xbe: {  	[sflag:s0] =	ssyncadd.remote.s32 $0x1  }
0xbf: {  	_ =	sfence.sel $0xFFFF  }
0xc0: {  	[dreg:$0x0] =	wrdreg $0xFFFFFFFF;
	(pc) =	sbr.abs _section_cstart, $3  }
0xc1: {  	[dreg:$0x1] =	wrdreg $0xFFFFFFFF  }
0xc2: {  	_ =	task.clear_ibuf [dreg:s7], $0x2FFFF;
	_ =	strace $0x9FFFFFFF  }
0xc3: {  	(tm) =	ssettm $0x7FFFFFFF  }
tec
execute0_lowered:
.L_overlay_start_1:
0x0: {  	(tag) =	ssettag $0x1  }
0x1: {  	s0 =	rddreg [dreg:$0x0]  }
0x2: {  	s1 =	rddreg [dreg:$0x1]  }
0x3: {  	s2 =	rddreg [dreg:$0x2];
	s3 =	simm.s32 $0x0  }
0x4: {  	s4 =	srdreg.scid;
	s18 =	stileid.u32;
	s28 =	simm.s32 $0x2  }
0x5: {  	s29 =	simm.s32 $0x80;
	s30 =	simm.s32 $0x100;
	s31 =	simm.s32 $0x180  }
0x6: {  	[smem:$0x7FF] =	sst s3;
	s5 =	sadd.s32 $0x14E00, s0;
	s6 =	sadd.s32 $0xB000, s0  }
0x7: {  	s4 =	sand.u32 $0x1, s4;
	s7 =	sadd.s32 $0x63D600, s0;
	s9 =	smul.u32 $0x13C00, s18  }
0x8: {  	s10 =	sadd.s32 $0x664E00, s0;
	s12 =	smul.u32 $0x278, s18;
	s8 =	ssub.s32 $0x2, s4  }
0x9: {  	s20 =	smul.u32 $0x4F000, s18;
	_ =	strace $0x80000047;
	s11 =	sshrl.u32 s8, $0x1  }
0xa: {  	s13 =	sshrl.u32 s9, $0x3;
	s24 =	sadd.s32 $0x80, s12;
	s14 =	sadd.s32 $0x100, s12  }
0xb: {  	s26 =	sadd.s32 $0x180, s12;
	s12 =	sadd.s32 $0x200, s12;
	s8 =	ssub.s32 s8, s11  }
0xc: {  	s11 =	sshll.u32 s4, $0x4;
	s13 =	sadd.s32 s7, s13;
	s21 =	sshll.u32 s24, $0x7  }
0xd: {  	s22 =	sshll.u32 s14, $0x7;
	s25 =	sshll.u32 s14, $0x4;
	s4 =	smul.u32 $0x13C000, s4  }
0xe: {  	s23 =	sshll.u32 s26, $0x7;
	[dreg:$0x4] =	wrdreg s13;
	s13 =	sshll.u32 s24, $0x4  }
0xf: {  	s24 =	sshll.u32 s12, $0x7;
	s12 =	sshll.u32 s12, $0x4;
	s13 =	sadd.s32 s7, s13  }
0x10: {  	s9 =	sadd.s32 s9, s4;
	s14 =	sadd.s32 s4, s21;
	s17 =	sadd.s32 s4, s22  }
0x11: {  	s19 =	sadd.s32 s4, s23;
	s4 =	sadd.s32 s4, s24;
	s21 =	sadd.s32 s21, s2  }
0x12: {  	s22 =	sadd.s32 s22, s2;
	s23 =	sadd.s32 s23, s2;
	s24 =	sadd.s32 s24, s2  }
0x13: {  	[dreg:$0x5] =	wrdreg s13;
	s13 =	sadd.s32 s7, s25;
	s9 =	sshrl.u32 s9, $0x3  }
0x14: {  	s16 =	sshrl.u32 s14, $0x3;
	s4 =	sshrl.u32 s4, $0x3;
	s25 =	sor.u32 s18, s11  }
0x15: {  	s18 =	sadd.s32 $0x14D600, s0;
	[dreg:$0x6] =	wrdreg s13;
	s13 =	sshll.u32 s26, $0x4  }
0x16: {  	s15 =	sadd.s32 s10, s9;
	s9 =	sshrl.u32 s19, $0x3;
	s19 =	smul.u32 $0x2780, s25  }
0x17: {  	s26 =	sshrl.u32 s20, $0x2;
	s25 =	smax.u32 s8, $0x1;
	s8 =	simm.s32 $0x0  }
0x18: {  	s13 =	sadd.s32 s7, s13;
	s7 =	sadd.s32 s7, s12;
	[dreg:$0x9] =	wrdreg s15  }
0x19: {  	s15 =	sadd.s32 s10, s9;
	s20 =	sadd.s32 s26, s2;
	[dreg:$0x7] =	wrdreg s13  }
0x1a: {  	s26 =	simm.s32 $0x8200;
	[dreg:$0x8] =	wrdreg s7;
	s7 =	sadd.s32 s10, s16  }
0x1b: {  	s16 =	sadd.s32 s10, s4;
	s4 =	simm.s32 $0x4180;
	s13 =	simm.s32 $0x0  }
0x1c: {  	[dreg:$0xa] =	wrdreg s7;
	s7 =	sshrl.u32 s17, $0x3;
	s17 =	sadd.s32 $0x1200, s0  }
0x1d: {  	s0 =	simm.s32 $0x1;
	s14 =	sadd.s32 s10, s7;
	s7 =	simm.s32 $0x4200  }
.LBB2_1:
0x1e: {  	s9 =	rddreg [dreg:$0x4]  }
0x1f: {  	[tilespmem:s26], [sflag:$0x2] =	stream.linear.gather [hbm4b:s9+s3], $0x4000, $0x38;
	[tilespmem:$0x1FE00] =	vst v63  }
0x20: {  	_ =	swait.ge [sflag:s28], $0x4000  }
0x21: {  	[sflag:s28] =	ssyncset.done $0x0  }
0x22: {  	[sflag:s28] =	ssyncadd.s32 $0xFFFFC000  }
0x23: {  	[spmem:s20] =	stream.linear.scatter [tilespmem:s26], [sflag:$0x2], $0x4000, $0x38;
	[tilespmem:$0x1FE00] =	vst v63  }
0x24: {  	_ =	swait.ge [sflag:s28], $0x4000  }
0x25: {  	[sflag:s28] =	ssyncset.done $0x0  }
0x26: {  	s12 =	rddreg [dreg:$0x5];
	[sflag:s28] =	ssyncadd.s32 $0xFFFFC000  }
0x27: {  	[tilespmem:s26], [sflag:$0x2] =	stream.linear.gather [hbm4b:s12+s3], $0x4000, $0x38;
	[tilespmem:$0x1FE00] =	vst v63  }
0x28: {  	_ =	swait.ge [sflag:s28], $0x4000  }
0x29: {  	[sflag:s28] =	ssyncset.done $0x0  }
0x2a: {  	[sflag:s28] =	ssyncadd.s32 $0xFFFFC000  }
0x2b: {  	[spmem:s21] =	stream.linear.scatter [tilespmem:s26], [sflag:$0x2], $0x4000, $0x38;
	[tilespmem:$0x1FE00] =	vst v63  }
0x2c: {  	_ =	swait.ge [sflag:s28], $0x4000  }
0x2d: {  	[sflag:s28] =	ssyncset.done $0x0  }
0x2e: {  	s10 =	rddreg [dreg:$0x6];
	[sflag:s28] =	ssyncadd.s32 $0xFFFFC000  }
0x2f: {  	[tilespmem:s26], [sflag:$0x2] =	stream.linear.gather [hbm4b:s10+s3], $0x4000, $0x38;
	[tilespmem:$0x1FE00] =	vst v63  }
0x30: {  	_ =	swait.ge [sflag:s28], $0x4000  }
0x31: {  	[sflag:s28] =	ssyncset.done $0x0  }
0x32: {  	[sflag:s28] =	ssyncadd.s32 $0xFFFFC000  }
0x33: {  	[spmem:s22] =	stream.linear.scatter [tilespmem:s26], [sflag:$0x2], $0x4000, $0x38;
	[tilespmem:$0x1FE00] =	vst v63  }
0x34: {  	_ =	swait.ge [sflag:s28], $0x4000  }
0x35: {  	[sflag:s28] =	ssyncset.done $0x0  }
0x36: {  	s11 =	rddreg [dreg:$0x7];
	[sflag:s28] =	ssyncadd.s32 $0xFFFFC000  }
0x37: {  	[tilespmem:s26], [sflag:$0x2] =	stream.linear.gather [hbm4b:s11+s3], $0x4000, $0x38;
	[tilespmem:$0x1FE00] =	vst v63  }
0x38: {  	_ =	swait.ge [sflag:s28], $0x4000  }
0x39: {  	[sflag:s28] =	ssyncset.done $0x0  }
0x3a: {  	[sflag:s28] =	ssyncadd.s32 $0xFFFFC000  }
0x3b: {  	[spmem:s23] =	stream.linear.scatter [tilespmem:s26], [sflag:$0x2], $0x4000, $0x38;
	[tilespmem:$0x1FE00] =	vst v63  }
0x3c: {  	_ =	swait.ge [sflag:s28], $0x4000  }
0x3d: {  	[sflag:s28] =	ssyncset.done $0x0  }
0x3e: {  	s12 =	rddreg [dreg:$0x8];
	[sflag:s28] =	ssyncadd.s32 $0xFFFFC000  }
0x3f: {  	[tilespmem:s26], [sflag:$0x2] =	stream.linear.gather [hbm4b:s12+s3], $0x3C00, $0x38;
	[tilespmem:$0x1FE00] =	vst v63  }
0x40: {  	_ =	swait.ge [sflag:s28], $0x3C00  }
0x41: {  	[sflag:s28] =	ssyncset.done $0x0  }
0x42: {  	[sflag:s28] =	ssyncadd.s32 $0xFFFFC400  }
0x43: {  	[spmem:s24] =	stream.linear.scatter [tilespmem:s26], [sflag:$0x2], $0x3C00, $0x38;
	[tilespmem:$0x1FE00] =	vst v63  }
0x44: {  	_ =	swait.ge [sflag:s28], $0x3C00  }
0x45: {  	[sflag:s28] =	ssyncset.done $0x0  }
0x46: {  	[sflag:s28] =	ssyncadd.s32 $0xFFFFC400  }
0x47: {  	s9 =	simm.s32 $0x0;
	[bflag:$0x0] =	sbarrier.arrive $0xFFFF  }
.LBB2_2:
0x48: {  	s10 =	sshll.u32 s9, $0x7  }
0x49: {  	s10 =	sadd.s32 s19, s10  }
0x4a: {  	s11 =	sshrl.u32 s10, $0x3  }
0x4b: {  	s12 =	sadd.s32 s1, s11  }
0x4c: {  	[tilespmem:s13], [sflag:$0x1] =	stream.linear.gather [hbm4b:s12+s13], $0x80, $0x38;
	[tilespmem:$0x1FE00] =	vst v63  }
0x4d: {  	s12 =	sadd.s32 s6, s11  }
0x4e: {  	[tilespmem:s29], [sflag:$0x1] =	stream.linear.gather [hbm4b:s12+s13], $0x80, $0x38;
	[tilespmem:$0x1FE00] =	vst v63  }
0x4f: {  	s10 =	sshll.u32 s10, $0x4;
	s11 =	sadd.s32 s17, s11  }
0x50: {  	[tilespmem:s30], [sflag:$0x1] =	stream.linear.gather [hbm4b:s11+s13], $0x80, $0x38;
	[tilespmem:$0x1FE00] =	vst v63  }
0x51: {  	s10 =	sadd.s32 s18, s10  }
0x52: {  	[tilespmem:s31], [sflag:$0x1] =	stream.linear.gather [hbm4b:s10+s13], $0x4000, $0x38;
	[tilespmem:$0x1FE00] =	vst v63  }
0x53: {  	_ =	swait.ge [sflag:s0], $0x80  }
0x54: {  	[sflag:s0] =	ssyncset.done $0x0  }
0x55: {  	[sflag:s0] =	ssyncadd.s32 $0xFFFFFF80  }
0x56: {  	_ =	swait.ge [sflag:s0], $0x80  }
0x57: {  	[sflag:s0] =	ssyncset.done $0x0  }
0x58: {  	[sflag:s0] =	ssyncadd.s32 $0xFFFFFF80  }
0x59: {  	_ =	swait.ge [sflag:s0], $0x80  }
0x5a: {  	[sflag:s0] =	ssyncset.done $0x0  }
0x5b: {  	[sflag:s0] =	ssyncadd.s32 $0xFFFFFF80  }
0x5c: {  	_ =	swait.ge [sflag:s0], $0x4000  }
0x5d: {  	[sflag:s0] =	ssyncset.done $0x0  }
0x5e: {  	[sflag:s0] =	ssyncadd.s32 $0xFFFFC000  }
0x5f: {  	v0 =	vld [tilespmem:$0x0]  }
0x60: {  	v1 =	vld [tilespmem:$0x80]  }
0x61: {  	v2 =	vld [tilespmem:$0x10]  }
0x62: {  	v3 =	vld [tilespmem:$0x90]  }
0x63: {  	v4 =	vld [tilespmem:$0x20]  }
0x64: {  	v5 =	vld [tilespmem:$0xA0]  }
0x65: {  	v6 =	vld [tilespmem:$0x30]  }
0x66: {  	v7 =	vld [tilespmem:$0xB0]  }
0x67: {  	v8 =	vld [tilespmem:$0x40]  }
0x68: {  	v9 =	vld [tilespmem:$0xC0]  }
0x69: {  	v10 =	vld [tilespmem:$0x50]  }
0x6a: {  	v11 =	vld [tilespmem:$0xD0]  }
0x6b: {  	v12 =	vld [tilespmem:$0x60];
	v0 =	vshll.u32 v0, $0x3  }
0x6c: {  	v0 =	vadd.s32 v1, v0;
	v1 =	vshll.u32 v2, $0x3;
	v2 =	vld [tilespmem:$0xE0]  }
0x6d: {  	[tilespmem:$0x4180] =	vst v0;
	v0 =	vadd.s32 v3, v1;
	v1 =	vshll.u32 v4, $0x3;
	v3 =	vld [tilespmem:$0x70]  }
0x6e: {  	v4 =	vld [tilespmem:$0xF0];
	[tilespmem:$0x4190] =	vst v0;
	v0 =	vadd.s32 v5, v1;
	v1 =	vshll.u32 v6, $0x3  }
0x6f: {  	[tilespmem:$0x41A0] =	vst v0;
	v0 =	vadd.s32 v7, v1;
	v1 =	vshll.u32 v8, $0x3  }
0x70: {  	[tilespmem:$0x41B0] =	vst v0;
	v0 =	vadd.s32 v9, v1;
	v1 =	vshll.u32 v10, $0x3  }
0x71: {  	[tilespmem:$0x41C0] =	vst v0;
	v0 =	vadd.s32 v11, v1;
	v1 =	vshll.u32 v12, $0x3  }
0x72: {  	[tilespmem:$0x41D0] =	vst v0;
	v0 =	vadd.s32 v2, v1;
	v1 =	vshll.u32 v3, $0x3  }
0x73: {  	[tilespmem:$0x41E0] =	vst v0;
	v0 =	vadd.s32 v4, v1  }
0x74: {  	[tilespmem:$0x41F0] =	vst v0  }
0x75: {  	[tilespmem:s7], [sflag:$0x1] =	stream.indirect.gather [hbm4b:s5+s29], $0x80, s4, s29, $0xb8;
	[tilespmem:$0x1FE00] =	vst v63  }
0x76: {  	_ =	swait.ge [sflag:s0], $0x4000  }
0x77: {  	[sflag:s0] =	ssyncset.done $0x0  }
0x78: {  	s10 =	simm.s32 $0x0;
	[sflag:s0] =	ssyncadd.s32 $0xFFFFC000  }
0x79: {  	v0 =	vld [tilespmem:s10+$0x180]  }
0x7a: {  	v4 =	vld [tilespmem:s10+$0x4200]  }
0x7b: {  	v6 =	vld [tilespmem:s10+$0x4210]  }
0x7c: {  	v5 =	vld [tilespmem:s10+$0x4220]  }
0x7d: {  	v3 =	vld [tilespmem:s10+$0x4230]  }
0x7e: {  	v1 =	vld [tilespmem:s10+$0x4240]  }
0x7f: {  	v2 =	vld [tilespmem:s10+$0x4250];
	v7 =	vmul.f32 v4, v0  }
0x80: {  	s11 =	simm.s32 $0x200;
	v6 =	vmul.f32 v6, v0;
	v4 =	vld [tilespmem:s10+$0x4260]  }
.LBB2_3:
0x81: {  	s12 =	sshra.s32 s11, $0x2;
	p0 =	sne.s32 s11, $0xFE00;
	[tilespmem:s10+$0x4200] =	vst v7;
	v5 =	vmul.f32 v5, v0;
	v7 =	vld [tilespmem:s10+$0x4270]  }
0x82: {  	v8 =	vld [tilespmem:s12+$0x180];
	[tilespmem:s10+$0x4210] =	vst v6;
	v3 =	vmul.f32 v3, v0  }
0x83: {  	v6 =	vld [tilespmem:s12+$0x4200];
	[tilespmem:s10+$0x4220] =	vst v5;
	v1 =	vmul.f32 v1, v0  }
0x84: {  	v9 =	vld [tilespmem:s12+$0x4210];
	[tilespmem:s10+$0x4230] =	vst v3;
	v2 =	vmul.f32 v2, v0  }
.Ltmp0:
0x85: {  	v5 =	vld [tilespmem:s12+$0x4220];
	[tilespmem:s10+$0x4240] =	vst v1;
	v4 =	vmul.f32 v4, v0;
	(pc) =	sbr.rel @p0 .LBB2_3-.Ltmp0, $4  }
0x86: {  	v3 =	vld [tilespmem:s12+$0x4230];
	[tilespmem:s10+$0x4250] =	vst v2;
	v10 =	vmul.f32 v7, v0  }
0x87: {  	v1 =	vld [tilespmem:s12+$0x4240];
	[tilespmem:s10+$0x4260] =	vst v4;
	v0 =	vmov v8  }
0x88: {  	v7 =	vmul.f32 v6, v0;
	v2 =	vld [tilespmem:s12+$0x4250];
	[tilespmem:s10+$0x4270] =	vst v10;
	s10 =	smov.u32 s12  }
0x89: {  	s11 =	sadd.s32 $0x200, s11;
	v6 =	vmul.f32 v9, v0;
	v4 =	vld [tilespmem:s10+$0x4260]  }
0x8a: {  	[tilespmem:s10+$0x4200] =	vst v7;
	v5 =	vmul.f32 v5, v0;
	v61 =	vld [tilespmem:s10+$0x4270]  }
0x8b: {  	[tilespmem:s10+$0x4210] =	vst v6;
	v3 =	vmul.f32 v3, v0  }
0x8c: {  	[tilespmem:s10+$0x4220] =	vst v5;
	v1 =	vmul.f32 v1, v0  }
0x8d: {  	[tilespmem:s10+$0x4230] =	vst v3;
	v2 =	vmul.f32 v2, v0  }
0x8e: {  	[tilespmem:s10+$0x4240] =	vst v1;
	v62 =	vmul.f32 v4, v0  }
0x8f: {  	s9 =	sadd.s32 $0x1, s9;
	[tilespmem:s10+$0x4250] =	vst v2;
	v63 =	vmul.f32 v61, v0  }
0x90: {  	p0 =	sne.s32 s9, $0x4F;
	[tilespmem:s10+$0x4260] =	vst v62  }
.Ltmp1:
0x91: {  	[tilespmem:s10+$0x4270] =	vst v63;
	(pc) =	sbr.rel @p0 .LBB2_2-.Ltmp1, $4  }
0x92: {  	[spmem:s2] =	stream.indirect.scatter.add.f32 [tilespmem:s7], [sflag:$0x2], $0x80, s30, s29, $0xb8;
	[tilespmem:$0x1FE00] =	vst v63  }
0x93: {  	_ =	swait.ge [sflag:s28], $0x4000  }
0x94: {  	[sflag:s28] =	ssyncset.done $0x0  }
0x95: {  	[sflag:s28] =	ssyncadd.s32 $0xFFFFC000  }
0x96: {  	[bflag:$0x0] =	sbarrier.arrive $0xFFFF  }
0x97: {  	[tilespmem:s26], [sflag:$0x2] =	stream.linear.gather [spmem:s20], $0x4000, $0x38;
	[tilespmem:$0x1FE00] =	vst v63  }
0x98: {  	_ =	swait.ge [sflag:s28], $0x4000  }
0x99: {  	[sflag:s28] =	ssyncset.done $0x0  }
0x9a: {  	s9 =	rddreg [dreg:$0x9];
	[sflag:s28] =	ssyncadd.s32 $0xFFFFC000  }
0x9b: {  	[hbm4b:s9+s3] =	stream.linear.scatter [tilespmem:s26], [sflag:$0x2], $0x4000, $0x38;
	[tilespmem:$0x1FE00] =	vst v63  }
0x9c: {  	_ =	swait.ge [sflag:s28], $0x4000  }
0x9d: {  	[sflag:s28] =	ssyncset.done $0x0  }
0x9e: {  	[sflag:s28] =	ssyncadd.s32 $0xFFFFC000  }
0x9f: {  	[tilespmem:s26], [sflag:$0x2] =	stream.linear.gather [spmem:s21], $0x4000, $0x38;
	[tilespmem:$0x1FE00] =	vst v63  }
0xa0: {  	_ =	swait.ge [sflag:s28], $0x4000  }
0xa1: {  	[sflag:s28] =	ssyncset.done $0x0  }
0xa2: {  	s12 =	rddreg [dreg:$0xa];
	[sflag:s28] =	ssyncadd.s32 $0xFFFFC000  }
0xa3: {  	[hbm4b:s12+s3] =	stream.linear.scatter [tilespmem:s26], [sflag:$0x2], $0x4000, $0x38;
	[tilespmem:$0x1FE00] =	vst v63  }
0xa4: {  	_ =	swait.ge [sflag:s28], $0x4000  }
0xa5: {  	[sflag:s28] =	ssyncset.done $0x0  }
0xa6: {  	[sflag:s28] =	ssyncadd.s32 $0xFFFFC000  }
0xa7: {  	[tilespmem:s26], [sflag:$0x2] =	stream.linear.gather [spmem:s22], $0x4000, $0x38;
	[tilespmem:$0x1FE00] =	vst v63  }
0xa8: {  	_ =	swait.ge [sflag:s28], $0x4000  }
0xa9: {  	[sflag:s28] =	ssyncset.done $0x0  }
0xaa: {  	[sflag:s28] =	ssyncadd.s32 $0xFFFFC000  }
0xab: {  	[hbm4b:s14+s3] =	stream.linear.scatter [tilespmem:s26], [sflag:$0x2], $0x4000, $0x38;
	[tilespmem:$0x1FE00] =	vst v63  }
0xac: {  	_ =	swait.ge [sflag:s28], $0x4000  }
0xad: {  	[sflag:s28] =	ssyncset.done $0x0  }
0xae: {  	[sflag:s28] =	ssyncadd.s32 $0xFFFFC000  }
0xaf: {  	[tilespmem:s26], [sflag:$0x2] =	stream.linear.gather [spmem:s23], $0x4000, $0x38;
	[tilespmem:$0x1FE00] =	vst v63  }
0xb0: {  	_ =	swait.ge [sflag:s28], $0x4000  }
0xb1: {  	[sflag:s28] =	ssyncset.done $0x0  }
0xb2: {  	[sflag:s28] =	ssyncadd.s32 $0xFFFFC000  }
0xb3: {  	[hbm4b:s15+s3] =	stream.linear.scatter [tilespmem:s26], [sflag:$0x2], $0x4000, $0x38;
	[tilespmem:$0x1FE00] =	vst v63  }
0xb4: {  	_ =	swait.ge [sflag:s28], $0x4000  }
0xb5: {  	[sflag:s28] =	ssyncset.done $0x0  }
0xb6: {  	[sflag:s28] =	ssyncadd.s32 $0xFFFFC000  }
0xb7: {  	[tilespmem:s26], [sflag:$0x2] =	stream.linear.gather [spmem:s24], $0x3C00, $0x38;
	[tilespmem:$0x1FE00] =	vst v63  }
0xb8: {  	s8 =	sadd.s32 $0x1, s8;
	_ =	swait.ge [sflag:s28], $0x3C00  }
0xb9: {  	p0 =	sne.s32 s8, s25;
	[sflag:s28] =	ssyncset.done $0x0  }
.Ltmp2:
0xba: {  	[sflag:s28] =	ssyncadd.s32 $0xFFFFC400;
	(pc) =	sbr.rel @p0 .LBB2_1-.Ltmp2, $4  }
0xbb: {  	[hbm4b:s16+s3] =	stream.linear.scatter [tilespmem:s26], [sflag:$0x2], $0x3C00, $0x38;
	[tilespmem:$0x1FE00] =	vst v63  }
0xbc: {  	_ =	swait.ge [sflag:s28], $0x3C00  }
0xbd: {  	[sflag:s28] =	ssyncset.done $0x0  }
0xbe: {  	[sflag:s28] =	ssyncadd.s32 $0xFFFFC400  }
0xbf: {  	_ =	sfence.sel $0x180000  }
0xc0: {  	[bflag:$0x0] =	sbarrier.arrive $0xFFFF  }
0xc1: {  	_ =	strace $0x90000047  }
0xc2: {  	s0 =	stileid.u32;
	[bflag:$0x2] =	sbarrier.arrive $0xFFFF  }
0xc3: {  	p0 =	sne.s32 s0, $0x0;
	s0 =	rddreg [dreg:$0x3]  }
0xc4: {  	s0 =	sadd.s32 @!p0 $0x100000, s0  }
0xc5: {  	[sflag:s0] =	ssyncadd.tile.s32 @!p0 $0x1;
	_ =	shalt  }
.Lfunc_end2:
_tile_overlayer_lowered:
.L_overlay_start_2:
0xc6: {  	(tag) =	ssettag $0x2  }
0xc7: {  	s0 =	rddreg [dreg:$0x0];
	s2 =	stileid.u32  }
0xc8: {  	s1 =	rddreg [dreg:$0x1];
	p0 =	sne.s32 s2, $0x0  }
0xc9: {  	s3 =	rddreg [dreg:$0x2];
	[bflag:$0x3] =	sbarrier.arrive $0xFFFF;
	s2 =	simm.s32 @!p0 $0x1C02  }
0xca: {  	[timem:s3], [sflag:s2] =	dma.local @!p0 [hbm:s0], s1  }
0xcb: {  	s0 =	simm.s32 @!p0 $0x2  }
0xcc: {  	_ =	swait.ge @!p0 [sflag:s0], s1  }
0xcd: {  	s1 =	ssub.s32 @!p0 $0x0, s1;
	[sflag:s0] =	ssyncset.done @!p0 $0x0  }
0xce: {  	[sflag:s0] =	ssyncadd.s32 @!p0 s1  }
0xcf: {  	[bflag:$0x3] =	sbarrier.arrive $0xFFFF  }
0xd0: {  	_ =	shalt  }

</sc_bundles>
